<compile_context>
chip_gen: v7x
topology: tpu7x:2x2x1
jax: 0.10.2.dev20260603
libtpu: 0.0.44.dev20260713+nightly
codegen_flags: <defaults>
</compile_context>

<pallas_src>
import functools

import jax
import jax.numpy as jnp
import numpy as np
from jax import lax
from jax.experimental import pallas as pl
from jax.experimental.pallas import tpu as pltpu
from jax.experimental.pallas import tpu_sc as plsc

N = 10000
D = 128
H = 128
C = 64
E = 320000

NC = 2
NS = 16
NW = NC * NS
CHUNK = 128
CPT = 80
CPT0 = 80
CPT1 = 80
CPTX = max(CPT0, CPT1)
TOTCH = NS * (CPT0 + CPT1)
EPAD = TOTCH * CHUNK
STAGE_PAD = CPTX
ROWS_PER_TILE = 640
NPAD = NS * ROWS_PER_TILE
NBUF = 2
NIB = 4
UNROLL = 4

_mesh = plsc.VectorSubcoreMesh(core_axis_name="c", subcore_axis_name="s")

_PAD_COL = np.asarray(
    N + np.arange(EPAD + STAGE_PAD * CHUNK - E) % (NPAD - N), np.int32)
_PAD_ROW = np.asarray(np.arange(EPAD - E) % N, np.int32)


@functools.partial(
    pl.kernel,
    out_type=jax.ShapeDtypeStruct((NC * NPAD,), jnp.float32),
    mesh=_mesh,
    scratch_types=[
        pltpu.VMEM((CPT, CHUNK), jnp.int32),
        pltpu.VMEM((CHUNK,), jnp.float32),
        pltpu.VMEM((ROWS_PER_TILE,), jnp.float32),
        pltpu.VMEM_SHARED((NPAD,), jnp.float32),
        pltpu.SemaphoreType.DMA,
    ],
)
def _deg_kernel(col_hbm, deg_out, col_v, ones_v, zb, deg_sh, dsem):
    cid = lax.axis_index("c")
    sid = lax.axis_index("s")
    wid = cid * NS + sid

    base = sid * ROWS_PER_TILE

    def zfill(i, carry):
        zb[pl.ds(i * 16, 16)] = jnp.zeros((16,), jnp.float32)
        return carry

    lax.fori_loop(0, ROWS_PER_TILE // 16, zfill, 0)
    pltpu.sync_copy(zb, deg_sh.at[pl.ds(base, ROWS_PER_TILE)])

    for i in range(CHUNK // 16):
        ones_v[pl.ds(i * 16, 16)] = jnp.ones((16,), jnp.float32)

    pltpu.sync_copy(col_hbm.at[pl.ds(wid * CPT, CPT)], col_v)

    plsc.subcore_barrier()

    WIN = 8

    def body(j, carry):
        pltpu.async_copy(ones_v, deg_sh.at[col_v.at[j]], dsem, add=True)

        @pl.when(j >= WIN)
        def _():
            pltpu.make_async_copy(ones_v, deg_sh.at[col_v.at[j]], dsem).wait()

        return carry

    lax.fori_loop(0, CPT, body, 0)
    for _ in range(WIN):
        pltpu.make_async_copy(ones_v, deg_sh.at[col_v.at[0]], dsem).wait()

    plsc.subcore_barrier()

    pltpu.sync_copy(deg_sh.at[pl.ds(base, ROWS_PER_TILE)],
                    deg_out.at[pl.ds(cid * NPAD + base, ROWS_PER_TILE)])


def _xs_body(deg_ref, x_ref, xs_ref):
    degsum = deg_ref[:, 0:1] + deg_ref[:, 1:2] + 1.0
    xs_ref[...] = x_ref[...] * lax.rsqrt(degsum)


def _xs_call(degT, x):
    blk = 2000
    return pl.pallas_call(
        _xs_body,
        grid=(N // blk,),
        in_specs=[
            pl.BlockSpec((blk, 2), lambda i: (i, 0)),
            pl.BlockSpec((blk, D), lambda i: (i, 0)),
        ],
        out_specs=pl.BlockSpec((blk, D), lambda i: (i, 0)),
        out_shape=jax.ShapeDtypeStruct((N, D), jnp.float32),
    )(degT, x)


@functools.partial(
    pl.kernel,
    out_type=jax.ShapeDtypeStruct((NC, NPAD, D), jnp.float32),
    mesh=_mesh,
    scratch_types=[
        pltpu.VMEM((NIB, CHUNK), jnp.int32),
        pltpu.VMEM((CPTX, CHUNK), jnp.int32),
        pltpu.VMEM((NBUF, CHUNK, D), jnp.float32),
        pltpu.VMEM_SHARED((NPAD, D), jnp.float32),
        pltpu.SemaphoreType.DMA((NIB,)),
        pltpu.SemaphoreType.DMA((NBUF,)),
        pltpu.SemaphoreType.DMA((NBUF,)),
    ],
)
def _scatter_kernel(xs_hbm, row_hbm, rowpad_hbm, col_hbm, t_out,
                    row_v, col_v, buf, t_sh, isem, gsem, ssem):
    cid = lax.axis_index("c")
    sid = lax.axis_index("s")
    c_cpt = jnp.where(cid == 0, CPT0, CPT1)
    cbase = jnp.where(cid == 0, sid * CPT0, NS * CPT0 + sid * CPT1)

    base = sid * ROWS_PER_TILE

    def zfill(i, carry):
        for v in range(CHUNK // 16):
            buf[0, i, pl.ds(v * 16, 16)] = jnp.zeros((16,), jnp.float32)
        return carry

    lax.fori_loop(0, CHUNK, zfill, 0)
    for r in range(ROWS_PER_TILE // CHUNK):
        pltpu.sync_copy(buf.at[0],
                        t_sh.at[pl.ds(base + r * CHUNK, CHUNK)])

    pltpu.sync_copy(col_hbm.at[pl.ds(cbase, CPTX)], col_v)

    plsc.subcore_barrier()

    nreal = E // CHUNK

    def _ridx_start(j, s):
        g = cbase + j

        @pl.when(g < nreal)
        def _():
            pltpu.make_async_copy(
                row_hbm.at[pl.ds(g * CHUNK, CHUNK)],
                row_v.at[s], isem.at[s]).start()

        @pl.when(g >= nreal)
        def _():
            pltpu.make_async_copy(
                rowpad_hbm.at[pl.ds((g - nreal) * CHUNK, CHUNK)],
                row_v.at[s], isem.at[s]).start()

    def _ridx_wait(s):
        pltpu.make_async_copy(
            row_hbm.at[pl.ds(0, CHUNK)], row_v.at[s], isem.at[s]).wait()

    def _gather(s, b):
        return pltpu.make_async_copy(
            xs_hbm.at[row_v.at[s]], buf.at[b], gsem.at[b])

    def _scatter_start(j, b):
        pltpu.async_copy(buf.at[b], t_sh.at[col_v.at[j]], ssem.at[b],
                         add=True)

    def _scatter_wait(j, b):
        pltpu.make_async_copy(
            buf.at[b], t_sh.at[col_v.at[j]], ssem.at[b]).wait()

    _ridx_start(0, 0)
    _ridx_start(1, 1)
    _ridx_wait(0)
    _gather(0, 0).start()

    def body(i, carry):
        for b in range(UNROLL):
            j = UNROLL * i + b
            bb = b % NBUF
            _gather((b % NIB), bb).wait()
            _scatter_start(j, bb)

            @pl.when(j + 2 < c_cpt)
            def _():
                _ridx_start(j + 2, (b + 2) % NIB)

            @pl.when(j + 1 < c_cpt)
            def _():
                _ridx_wait((b + 1) % NIB)

            @pl.when(jnp.logical_and(j + 1 < c_cpt, j >= 1))
            def _():
                _scatter_wait(j - 1, (b + 1) % NBUF)

            @pl.when(j + 1 < c_cpt)
            def _():
                _gather((b + 1) % NIB, (b + 1) % NBUF).start()

        return carry

    lax.fori_loop(0, c_cpt // UNROLL, body, 0)

    for b in range(NBUF):
        _scatter_wait(c_cpt - NBUF + b, b)

    plsc.subcore_barrier()

    pltpu.sync_copy(t_sh.at[pl.ds(base, ROWS_PER_TILE)],
                    t_out.at[cid, pl.ds(base, ROWS_PER_TILE)])


def _elu(v):
    return jnp.maximum(v, 0.0) + (jnp.exp(jnp.minimum(v, 0.0)) - 1.0)


def _dense_body(t_ref, deg_ref, xs_ref, w0_ref, b0_ref, l0_ref, lb0_ref,
                w1_ref, b1_ref, l1_ref, lb1_ref, owa_ref, owb_ref, ob_ref,
                out_ref):
    dis = lax.rsqrt(deg_ref[:, 0:1] + deg_ref[:, 1:2] + 1.0)
    agg = (t_ref[0] + t_ref[1] + xs_ref[...]) * dis
    f32 = jnp.float32
    a0 = _elu(jnp.dot(agg, w0_ref[...], preferred_element_type=f32) + b0_ref[...])
    y0 = jnp.dot(a0, l0_ref[...], preferred_element_type=f32) + lb0_ref[...]
    a1 = _elu(jnp.dot(agg, w1_ref[...], preferred_element_type=f32) + b1_ref[...])
    y1 = jnp.dot(a1, l1_ref[...], preferred_element_type=f32) + lb1_ref[...]
    out_ref[...] = (jnp.dot(y0, owa_ref[...], preferred_element_type=f32)
                    + jnp.dot(y1, owb_ref[...], preferred_element_type=f32)
                    + ob_ref[...])


def _dense_call(t2, degT, xs, w0, b0, l0, lb0, w1, b1, l1, lb1, owa, owb, ob):
    blk = 2000

    def full(shape):
        return pl.BlockSpec(shape, lambda i, _s=shape: tuple(0 for _ in _s))

    return pl.pallas_call(
        _dense_body,
        grid=(N // blk,),
        in_specs=[
            pl.BlockSpec((NC, blk, D), lambda i: (0, i, 0)),
            pl.BlockSpec((blk, 2), lambda i: (i, 0)),
            pl.BlockSpec((blk, D), lambda i: (i, 0)),
            full((D, H)), full((1, H)), full((H, H)), full((1, H)),
            full((D, H)), full((1, H)), full((H, H)), full((1, H)),
            full((H, C)), full((H, C)), full((1, C)),
        ],
        out_specs=pl.BlockSpec((blk, C), lambda i: (i, 0)),
        out_shape=jax.ShapeDtypeStruct((N, C), jnp.float32),
    )(t2, degT, xs, w0, b0, l0, lb0, w1, b1, l1, lb1, owa, owb, ob)


def kernel(x, edge_index, conv0_W, conv0_b, lin0_W, lin0_b,
           conv1_W, conv1_b, lin1_W, lin1_b, out_W, out_b):
    col_p = jnp.concatenate(
        [edge_index[1], jnp.asarray(_PAD_COL)]).reshape(-1, CHUNK)

    deg2 = _deg_kernel(col_p).reshape(NC, NPAD)
    degT = deg2.T

    xs = _xs_call(degT, x)

    t2 = _scatter_kernel(xs, edge_index[0], jnp.asarray(_PAD_ROW), col_p)

    return _dense_call(
        t2, degT, xs,
        conv0_W, conv0_b.reshape(1, H), lin0_W, lin0_b.reshape(1, H),
        conv1_W, conv1_b.reshape(1, H), lin1_W, lin1_b.reshape(1, H),
        out_W[:H], out_W[H:], out_b.reshape(1, C))

# --- scband reference (transcript-rebuilt; emitter-appended) ---
"""Pipeline reference for scband-phgcn-13975823581431 (READ-ONLY COPY).

The authoritative reference and input builder live on the scoring server;
editing this copy changes nothing except your own understanding.
"""

import jax, jax.numpy as jnp
import numpy as np

N = 10000
E = 320000
D = 128
H = 128
C = 64


def _glorot(k, shape):
    lim = (6.0 / (shape[0] + shape[1])) ** 0.5
    return jax.random.uniform(k, shape, jnp.float32, -lim, lim)


def setup_inputs(seed: int = 0) -> dict:
    key = jax.random.key(seed)
    ks = jax.random.split(key, 8)
    return {
        "x": jax.random.normal(ks[0], (N, D), dtype=jnp.float32),
        "edge_index": jax.random.randint(ks[1], (2, E), 0, N, dtype=jnp.int32),
        "conv0_W": _glorot(ks[2], (D, H)),
        "conv0_b": jnp.zeros((H,), jnp.float32),
        "lin0_W": _glorot(ks[3], (H, H)),
        "lin0_b": jnp.zeros((H,), jnp.float32),
        "conv1_W": _glorot(ks[4], (H, H)),
        "conv1_b": jnp.zeros((H,), jnp.float32),
        "lin1_W": _glorot(ks[5], (H, H)),
        "lin1_b": jnp.zeros((H,), jnp.float32),
        "out_W": _glorot(ks[6], (2 * H, C)),
        "out_b": jnp.zeros((C,), jnp.float32),
    }


def _gcn_conv(x, row, col, W, b, n):
    # PyG GCNConv: linear transform, symmetric normalization with self-loops,
    # scatter-add aggregation, then bias.
    h = x @ W
    deg = jnp.zeros((n,), x.dtype).at[col].add(1.0)
    dis = jnp.where(deg > 0, jax.lax.rsqrt(deg), 0.0)
    norm = dis[row] * dis[col]
    msg = h[row] * norm[:, None]
    out = jnp.zeros((n, h.shape[1]), x.dtype).at[col].add(msg)
    return out + b


def reference(x, edge_index, conv0_W, conv0_b, lin0_W, lin0_b, conv1_W, conv1_b, lin1_W, lin1_b, out_W, out_b):
    n = x.shape[0]
    sl = jnp.arange(n, dtype=edge_index.dtype)
    row = jnp.concatenate([edge_index[0], sl])
    col = jnp.concatenate([edge_index[1], sl])
    # layer 0 (note: original module feeds the SAME x into every conv layer)
    y0 = _gcn_conv(x, row, col, conv0_W, conv0_b, n)
    y0 = jax.nn.elu(y0)
    y0 = y0 @ lin0_W + lin0_b  # dropout is identity in eval mode
    # layer 1
    y1 = _gcn_conv(x, row, col, conv1_W, conv1_b, n)
    y1 = jax.nn.elu(y1)
    y1 = y1 @ lin1_W + lin1_b
    z = jnp.concatenate([y0, y1], axis=1)
    return z @ out_W + out_b

if __name__ == "__main__":
    import jax
    _d = setup_inputs()
    print(jax.jit(kernel)(*tuple(_d.values())))

</pallas_src>

<mosaic_0001>
#map = affine_map<(d0, d1) -> (0, 0)>
#map1 = affine_map<(d0, d1) -> (0)>
module attributes {stable_mosaic.version = 14 : i64} {
  func.func @_deg_kernel(%arg0: i32, %arg1: i32, %arg2: memref<2640x128xi32, #tpu.memory_space<hbm>>, %arg3: memref<20480xf32, #tpu.memory_space<hbm>>, %arg4: memref<80x128xi32, #tpu.memory_space<vmem>>, %arg5: memref<128xf32, #tpu.memory_space<vmem>>, %arg6: memref<640xf32, #tpu.memory_space<vmem>>, %arg7: memref<10240xf32, #tpu.memory_space<vmem_shared>>, %arg8: memref<!tpu.dma_semaphore, #tpu.memory_space<semaphore_mem>>) attributes {dimension_semantics = [#tpu.dimension_semantics<core_parallel>, #tpu.dimension_semantics<subcore_parallel>], iteration_bounds = array<i64: 2, 16>, scalar_prefetch = 0 : i64, scratch_operands = 5 : i64, tpu.core_type = #tpu.core_type<sc_vector_subcore>, window_params = [{transform_indices = #map}, {transform_indices = #map1}]} {
    %mul3A = arith.constant 16 : i32
    %mul3A_0 = arith.muli %arg0, %mul3A : i32
    %add3A = arith.addi %mul3A_0, %arg1 : i32
    %mul3A_1 = arith.constant 640 : i32
    %mul3A_2 = arith.muli %arg1, %mul3A_1 : i32
    %scan3A = arith.constant 0 : i32
    %scan3A_3 = arith.constant 0 : i32
    %scan3A_4 = arith.constant 40 : i32
    %scan3A_5 = arith.addi %scan3A_3, %scan3A_4 : i32
    %scan3A_6 = arith.constant 1 : i32
    scf.for %scan3A_113 = %scan3A_3 to %scan3A_5 step %scan3A_6  : i32 {
      %broadcast_in_dim3A_114 = arith.constant 0.000000e+00 : f32
      %broadcast_in_dim3A_115 = vector.broadcast %broadcast_in_dim3A_114 : f32 to vector<16xf32>
      %mul3A_116 = arith.constant 16 : i32
      %mul3A_117 = arith.muli %scan3A_113, %mul3A_116 : i32
      %swap3A_118 = arith.index_cast %mul3A_117 : i32 to index
      %swap3A_119 = tpu.vector_load %arg6[%swap3A_118] {strides = array<i32>} : memref<640xf32, #tpu.memory_space<vmem>>, vector<16xf32>,
      %swap3A_120 = vector.shape_cast %swap3A_119 : vector<16xf32> to vector<16xf32>
      %swap3A_121 = vector.shape_cast %broadcast_in_dim3A_115 : vector<16xf32> to vector<16xf32>
      tpu.vector_store %arg6[%swap3A_118], %swap3A_121 {strides = array<i32>} : memref<640xf32, #tpu.memory_space<vmem>>, vector<16xf32>,
    }
    %scan3A_7 = arith.constant 40 : i32
    "tpu.region"() ({
      %run_scoped3A = tpu.sem_alloc : memref<!tpu.dma_semaphore, #tpu.memory_space<semaphore_mem>>
      %dma_start3A = tpu.memref_slice %arg7[%mul3A_2] : memref<10240xf32, #tpu.memory_space<vmem_shared>> -> memref<640xf32, #tpu.memory_space<vmem_shared>>
      %dma_start3A_113 = tpu.memref_slice %arg7[%mul3A_2] : memref<10240xf32, #tpu.memory_space<vmem_shared>> -> memref<640xf32, #tpu.memory_space<vmem_shared>>
      tpu.enqueue_dma source(%arg6 : memref<640xf32, #tpu.memory_space<vmem>>) target(%dma_start3A_113 : memref<640xf32, #tpu.memory_space<vmem_shared>>) target_semaphore(%run_scoped3A : memref<!tpu.dma_semaphore, #tpu.memory_space<semaphore_mem>>)
      %dma_wait3A_114 = tpu.memref_slice %arg7[%mul3A_2] : memref<10240xf32, #tpu.memory_space<vmem_shared>> -> memref<640xf32, #tpu.memory_space<vmem_shared>>
      %dma_wait3A_115 = tpu.memref_slice %arg7[%mul3A_2] : memref<10240xf32, #tpu.memory_space<vmem_shared>> -> memref<640xf32, #tpu.memory_space<vmem_shared>>
      tpu.wait_dma2 semaphore(%run_scoped3A : memref<!tpu.dma_semaphore, #tpu.memory_space<semaphore_mem>>) src(%arg6 : memref<640xf32, #tpu.memory_space<vmem>>) dst(%dma_wait3A_115 : memref<640xf32, #tpu.memory_space<vmem_shared>>)
      tpu.yield
    }) : () -> ()
    %broadcast_in_dim3A = arith.constant 1.000000e+00 : f32
    %broadcast_in_dim3A_8 = vector.broadcast %broadcast_in_dim3A : f32 to vector<16xf32>
    %swap3A = arith.constant 0 : index
    %swap3A_9 = tpu.vector_load %arg5[%swap3A] {strides = array<i32>} : memref<128xf32, #tpu.memory_space<vmem>>, vector<16xf32>,
    %swap3A_10 = vector.shape_cast %swap3A_9 : vector<16xf32> to vector<16xf32>
    %swap3A_11 = vector.shape_cast %broadcast_in_dim3A_8 : vector<16xf32> to vector<16xf32>
    tpu.vector_store %arg5[%swap3A], %swap3A_11 {strides = array<i32>} : memref<128xf32, #tpu.memory_space<vmem>>, vector<16xf32>,
    %broadcast_in_dim3A_12 = arith.constant 1.000000e+00 : f32
    %broadcast_in_dim3A_13 = vector.broadcast %broadcast_in_dim3A_12 : f32 to vector<16xf32>
    %swap3A_14 = arith.constant 16 : index
    %swap3A_15 = tpu.vector_load %arg5[%swap3A_14] {strides = array<i32>} : memref<128xf32, #tpu.memory_space<vmem>>, vector<16xf32>,
    %swap3A_16 = vector.shape_cast %swap3A_15 : vector<16xf32> to vector<16xf32>
    %swap3A_17 = vector.shape_cast %broadcast_in_dim3A_13 : vector<16xf32> to vector<16xf32>
    tpu.vector_store %arg5[%swap3A_14], %swap3A_17 {strides = array<i32>} : memref<128xf32, #tpu.memory_space<vmem>>, vector<16xf32>,
    %broadcast_in_dim3A_18 = arith.constant 1.000000e+00 : f32
    %broadcast_in_dim3A_19 = vector.broadcast %broadcast_in_dim3A_18 : f32 to vector<16xf32>
    %swap3A_20 = arith.constant 32 : index
    %swap3A_21 = tpu.vector_load %arg5[%swap3A_20] {strides = array<i32>} : memref<128xf32, #tpu.memory_space<vmem>>, vector<16xf32>,
    %swap3A_22 = vector.shape_cast %swap3A_21 : vector<16xf32> to vector<16xf32>
    %swap3A_23 = vector.shape_cast %broadcast_in_dim3A_19 : vector<16xf32> to vector<16xf32>
    tpu.vector_store %arg5[%swap3A_20], %swap3A_23 {strides = array<i32>} : memref<128xf32, #tpu.memory_space<vmem>>, vector<16xf32>,
    %broadcast_in_dim3A_24 = arith.constant 1.000000e+00 : f32
    %broadcast_in_dim3A_25 = vector.broadcast %broadcast_in_dim3A_24 : f32 to vector<16xf32>
    %swap3A_26 = arith.constant 48 : index
    %swap3A_27 = tpu.vector_load %arg5[%swap3A_26] {strides = array<i32>} : memref<128xf32, #tpu.memory_space<vmem>>, vector<16xf32>,
    %swap3A_28 = vector.shape_cast %swap3A_27 : vector<16xf32> to vector<16xf32>
    %swap3A_29 = vector.shape_cast %broadcast_in_dim3A_25 : vector<16xf32> to vector<16xf32>
    tpu.vector_store %arg5[%swap3A_26], %swap3A_29 {strides = array<i32>} : memref<128xf32, #tpu.memory_space<vmem>>, vector<16xf32>,
    %broadcast_in_dim3A_30 = arith.constant 1.000000e+00 : f32
    %broadcast_in_dim3A_31 = vector.broadcast %broadcast_in_dim3A_30 : f32 to vector<16xf32>
    %swap3A_32 = arith.constant 64 : index
    %swap3A_33 = tpu.vector_load %arg5[%swap3A_32] {strides = array<i32>} : memref<128xf32, #tpu.memory_space<vmem>>, vector<16xf32>,
    %swap3A_34 = vector.shape_cast %swap3A_33 : vector<16xf32> to vector<16xf32>
    %swap3A_35 = vector.shape_cast %broadcast_in_dim3A_31 : vector<16xf32> to vector<16xf32>
    tpu.vector_store %arg5[%swap3A_32], %swap3A_35 {strides = array<i32>} : memref<128xf32, #tpu.memory_space<vmem>>, vector<16xf32>,
    %broadcast_in_dim3A_36 = arith.constant 1.000000e+00 : f32
    %broadcast_in_dim3A_37 = vector.broadcast %broadcast_in_dim3A_36 : f32 to vector<16xf32>
    %swap3A_38 = arith.constant 80 : index
    %swap3A_39 = tpu.vector_load %arg5[%swap3A_38] {strides = array<i32>} : memref<128xf32, #tpu.memory_space<vmem>>, vector<16xf32>,
    %swap3A_40 = vector.shape_cast %swap3A_39 : vector<16xf32> to vector<16xf32>
    %swap3A_41 = vector.shape_cast %broadcast_in_dim3A_37 : vector<16xf32> to vector<16xf32>
    tpu.vector_store %arg5[%swap3A_38], %swap3A_41 {strides = array<i32>} : memref<128xf32, #tpu.memory_space<vmem>>, vector<16xf32>,
    %broadcast_in_dim3A_42 = arith.constant 1.000000e+00 : f32
    %broadcast_in_dim3A_43 = vector.broadcast %broadcast_in_dim3A_42 : f32 to vector<16xf32>
    %swap3A_44 = arith.constant 96 : index
    %swap3A_45 = tpu.vector_load %arg5[%swap3A_44] {strides = array<i32>} : memref<128xf32, #tpu.memory_space<vmem>>, vector<16xf32>,
    %swap3A_46 = vector.shape_cast %swap3A_45 : vector<16xf32> to vector<16xf32>
    %swap3A_47 = vector.shape_cast %broadcast_in_dim3A_43 : vector<16xf32> to vector<16xf32>
    tpu.vector_store %arg5[%swap3A_44], %swap3A_47 {strides = array<i32>} : memref<128xf32, #tpu.memory_space<vmem>>, vector<16xf32>,
    %broadcast_in_dim3A_48 = arith.constant 1.000000e+00 : f32
    %broadcast_in_dim3A_49 = vector.broadcast %broadcast_in_dim3A_48 : f32 to vector<16xf32>
    %swap3A_50 = arith.constant 112 : index
    %swap3A_51 = tpu.vector_load %arg5[%swap3A_50] {strides = array<i32>} : memref<128xf32, #tpu.memory_space<vmem>>, vector<16xf32>,
    %swap3A_52 = vector.shape_cast %swap3A_51 : vector<16xf32> to vector<16xf32>
    %swap3A_53 = vector.shape_cast %broadcast_in_dim3A_49 : vector<16xf32> to vector<16xf32>
    tpu.vector_store %arg5[%swap3A_50], %swap3A_53 {strides = array<i32>} : memref<128xf32, #tpu.memory_space<vmem>>, vector<16xf32>,
    %mul3A_54 = arith.constant 80 : i32
    %mul3A_55 = arith.muli %add3A, %mul3A_54 : i32
    "tpu.region"() ({
      %run_scoped3A = tpu.sem_alloc : memref<!tpu.dma_semaphore, #tpu.memory_space<semaphore_mem>>
      %dma_start3A = arith.constant 0 : i32
      %dma_start3A_113 = tpu.memref_slice %arg2[%mul3A_55, %dma_start3A] : memref<2640x128xi32, #tpu.memory_space<hbm>> -> memref<80x128xi32, #tpu.memory_space<hbm>>
      %dma_start3A_114 = arith.constant 0 : i32
      %dma_start3A_115 = tpu.memref_slice %arg2[%mul3A_55, %dma_start3A_114] : memref<2640x128xi32, #tpu.memory_space<hbm>> -> memref<80x128xi32, #tpu.memory_space<hbm>>
      tpu.enqueue_dma source(%dma_start3A_115 : memref<80x128xi32, #tpu.memory_space<hbm>>) target(%arg4 : memref<80x128xi32, #tpu.memory_space<vmem>>) target_semaphore(%run_scoped3A : memref<!tpu.dma_semaphore, #tpu.memory_space<semaphore_mem>>)
      %dma_wait3A_116 = arith.constant 0 : i32
      %dma_wait3A_117 = tpu.memref_slice %arg2[%mul3A_55, %dma_wait3A_116] : memref<2640x128xi32, #tpu.memory_space<hbm>> -> memref<80x128xi32, #tpu.memory_space<hbm>>
      %dma_wait3A_118 = arith.constant 0 : i32
      %dma_wait3A_119 = tpu.memref_slice %arg2[%mul3A_55, %dma_wait3A_118] : memref<2640x128xi32, #tpu.memory_space<hbm>> -> memref<80x128xi32, #tpu.memory_space<hbm>>
      tpu.wait_dma2 semaphore(%run_scoped3A : memref<!tpu.dma_semaphore, #tpu.memory_space<semaphore_mem>>) src(%dma_wait3A_119 : memref<80x128xi32, #tpu.memory_space<hbm>>) dst(%arg4 : memref<80x128xi32, #tpu.memory_space<vmem>>)
      tpu.yield
    }) : () -> ()
    %barrier3A = arith.constant 0 : index
    tpu.barrier barrier_id(%barrier3A)
    %scan3A_56 = arith.constant 0 : i32
    %scan3A_57 = arith.constant 0 : i32
    %scan3A_58 = arith.constant 80 : i32
    %scan3A_59 = arith.addi %scan3A_57, %scan3A_58 : i32
    %scan3A_60 = arith.constant 1 : i32
    scf.for %scan3A_113 = %scan3A_57 to %scan3A_59 step %scan3A_60  : i32 {
      %dma_start3A = arith.constant 0 : i32
      %dma_start3A_114 = tpu.memref_slice %arg4[%scan3A_113, %dma_start3A] : memref<80x128xi32, #tpu.memory_space<vmem>> -> memref<1x128xi32, #tpu.memory_space<vmem>>
      %dma_start3A_115 = tpu.memref_squeeze %dma_start3A_114 : memref<1x128xi32, #tpu.memory_space<vmem>> -> memref<128xi32, #tpu.memory_space<vmem>>
      %dma_start3A_116 = arith.constant 0 : i32
      %dma_start3A_117 = tpu.memref_slice %arg7[%dma_start3A_116] : memref<10240xf32, #tpu.memory_space<vmem_shared>> -> memref<10240xf32, #tpu.memory_space<vmem_shared>>
      tpu.enqueue_indirect_dma source(%arg5 : memref<128xf32, #tpu.memory_space<vmem>>) target(%dma_start3A_117 : memref<10240xf32, #tpu.memory_space<vmem_shared>>) offsets(%dma_start3A_115 : memref<128xi32, #tpu.memory_space<vmem>>) semaphore(%arg8 : memref<!tpu.dma_semaphore, #tpu.memory_space<semaphore_mem>>) {add = true}
      %ge3A = arith.constant 8 : i32
      %ge3A_118 = arith.cmpi sge, %scan3A_113, %ge3A : i32
      %convert_element_type3A = arith.extui %ge3A_118 : i1 to i32
      %cond3A = arith.constant 0 : i32
      %cond3A_119 = arith.cmpi ne, %convert_element_type3A, %cond3A : i32
      scf.if %cond3A_119 {
        %dma_wait3A_120 = arith.constant 0 : i32
        %dma_wait3A_121 = tpu.memref_slice %arg4[%scan3A_113, %dma_wait3A_120] : memref<80x128xi32, #tpu.memory_space<vmem>> -> memref<1x128xi32, #tpu.memory_space<vmem>>
        %dma_wait3A_122 = tpu.memref_squeeze %dma_wait3A_121 : memref<1x128xi32, #tpu.memory_space<vmem>> -> memref<128xi32, #tpu.memory_space<vmem>>
        %dma_wait3A_123 = arith.constant 0 : i32
        %dma_wait3A_124 = tpu.memref_slice %arg7[%dma_wait3A_123] : memref<10240xf32, #tpu.memory_space<vmem_shared>> -> memref<10240xf32, #tpu.memory_space<vmem_shared>>
        tpu.wait_indirect_dma semaphore(%arg8 : memref<!tpu.dma_semaphore, #tpu.memory_space<semaphore_mem>>) src(%arg5 : memref<128xf32, #tpu.memory_space<vmem>>) dst(%dma_wait3A_124 : memref<10240xf32, #tpu.memory_space<vmem_shared>>)
      } else {
      }
    }
    %scan3A_61 = arith.constant 80 : i32
    %dma_wait3A = arith.constant 0 : i32
    %dma_wait3A_62 = arith.constant 0 : i32
    %dma_wait3A_63 = tpu.memref_slice %arg4[%dma_wait3A, %dma_wait3A_62] : memref<80x128xi32, #tpu.memory_space<vmem>> -> memref<1x128xi32, #tpu.memory_space<vmem>>
    %dma_wait3A_64 = tpu.memref_squeeze %dma_wait3A_63 : memref<1x128xi32, #tpu.memory_space<vmem>> -> memref<128xi32, #tpu.memory_space<vmem>>
    %dma_wait3A_65 = arith.constant 0 : i32
    %dma_wait3A_66 = tpu.memref_slice %arg7[%dma_wait3A_65] : memref<10240xf32, #tpu.memory_space<vmem_shared>> -> memref<10240xf32, #tpu.memory_space<vmem_shared>>
    tpu.wait_indirect_dma semaphore(%arg8 : memref<!tpu.dma_semaphore, #tpu.memory_space<semaphore_mem>>) src(%arg5 : memref<128xf32, #tpu.memory_space<vmem>>) dst(%dma_wait3A_66 : memref<10240xf32, #tpu.memory_space<vmem_shared>>)
    %dma_wait3A_67 = arith.constant 0 : i32
    %dma_wait3A_68 = arith.constant 0 : i32
    %dma_wait3A_69 = tpu.memref_slice %arg4[%dma_wait3A_67, %dma_wait3A_68] : memref<80x128xi32, #tpu.memory_space<vmem>> -> memref<1x128xi32, #tpu.memory_space<vmem>>
    %dma_wait3A_70 = tpu.memref_squeeze %dma_wait3A_69 : memref<1x128xi32, #tpu.memory_space<vmem>> -> memref<128xi32, #tpu.memory_space<vmem>>
    %dma_wait3A_71 = arith.constant 0 : i32
    %dma_wait3A_72 = tpu.memref_slice %arg7[%dma_wait3A_71] : memref<10240xf32, #tpu.memory_space<vmem_shared>> -> memref<10240xf32, #tpu.memory_space<vmem_shared>>
    tpu.wait_indirect_dma semaphore(%arg8 : memref<!tpu.dma_semaphore, #tpu.memory_space<semaphore_mem>>) src(%arg5 : memref<128xf32, #tpu.memory_space<vmem>>) dst(%dma_wait3A_72 : memref<10240xf32, #tpu.memory_space<vmem_shared>>)
    %dma_wait3A_73 = arith.constant 0 : i32
    %dma_wait3A_74 = arith.constant 0 : i32
    %dma_wait3A_75 = tpu.memref_slice %arg4[%dma_wait3A_73, %dma_wait3A_74] : memref<80x128xi32, #tpu.memory_space<vmem>> -> memref<1x128xi32, #tpu.memory_space<vmem>>
    %dma_wait3A_76 = tpu.memref_squeeze %dma_wait3A_75 : memref<1x128xi32, #tpu.memory_space<vmem>> -> memref<128xi32, #tpu.memory_space<vmem>>
    %dma_wait3A_77 = arith.constant 0 : i32
    %dma_wait3A_78 = tpu.memref_slice %arg7[%dma_wait3A_77] : memref<10240xf32, #tpu.memory_space<vmem_shared>> -> memref<10240xf32, #tpu.memory_space<vmem_shared>>
    tpu.wait_indirect_dma semaphore(%arg8 : memref<!tpu.dma_semaphore, #tpu.memory_space<semaphore_mem>>) src(%arg5 : memref<128xf32, #tpu.memory_space<vmem>>) dst(%dma_wait3A_78 : memref<10240xf32, #tpu.memory_space<vmem_shared>>)
    %dma_wait3A_79 = arith.constant 0 : i32
    %dma_wait3A_80 = arith.constant 0 : i32
    %dma_wait3A_81 = tpu.memref_slice %arg4[%dma_wait3A_79, %dma_wait3A_80] : memref<80x128xi32, #tpu.memory_space<vmem>> -> memref<1x128xi32, #tpu.memory_space<vmem>>
    %dma_wait3A_82 = tpu.memref_squeeze %dma_wait3A_81 : memref<1x128xi32, #tpu.memory_space<vmem>> -> memref<128xi32, #tpu.memory_space<vmem>>
    %dma_wait3A_83 = arith.constant 0 : i32
    %dma_wait3A_84 = tpu.memref_slice %arg7[%dma_wait3A_83] : memref<10240xf32, #tpu.memory_space<vmem_shared>> -> memref<10240xf32, #tpu.memory_space<vmem_shared>>
    tpu.wait_indirect_dma semaphore(%arg8 : memref<!tpu.dma_semaphore, #tpu.memory_space<semaphore_mem>>) src(%arg5 : memref<128xf32, #tpu.memory_space<vmem>>) dst(%dma_wait3A_84 : memref<10240xf32, #tpu.memory_space<vmem_shared>>)
    %dma_wait3A_85 = arith.constant 0 : i32
    %dma_wait3A_86 = arith.constant 0 : i32
    %dma_wait3A_87 = tpu.memref_slice %arg4[%dma_wait3A_85, %dma_wait3A_86] : memref<80x128xi32, #tpu.memory_space<vmem>> -> memref<1x128xi32, #tpu.memory_space<vmem>>
    %dma_wait3A_88 = tpu.memref_squeeze %dma_wait3A_87 : memref<1x128xi32, #tpu.memory_space<vmem>> -> memref<128xi32, #tpu.memory_space<vmem>>
    %dma_wait3A_89 = arith.constant 0 : i32
    %dma_wait3A_90 = tpu.memref_slice %arg7[%dma_wait3A_89] : memref<10240xf32, #tpu.memory_space<vmem_shared>> -> memref<10240xf32, #tpu.memory_space<vmem_shared>>
    tpu.wait_indirect_dma semaphore(%arg8 : memref<!tpu.dma_semaphore, #tpu.memory_space<semaphore_mem>>) src(%arg5 : memref<128xf32, #tpu.memory_space<vmem>>) dst(%dma_wait3A_90 : memref<10240xf32, #tpu.memory_space<vmem_shared>>)
    %dma_wait3A_91 = arith.constant 0 : i32
    %dma_wait3A_92 = arith.constant 0 : i32
    %dma_wait3A_93 = tpu.memref_slice %arg4[%dma_wait3A_91, %dma_wait3A_92] : memref<80x128xi32, #tpu.memory_space<vmem>> -> memref<1x128xi32, #tpu.memory_space<vmem>>
    %dma_wait3A_94 = tpu.memref_squeeze %dma_wait3A_93 : memref<1x128xi32, #tpu.memory_space<vmem>> -> memref<128xi32, #tpu.memory_space<vmem>>
    %dma_wait3A_95 = arith.constant 0 : i32
    %dma_wait3A_96 = tpu.memref_slice %arg7[%dma_wait3A_95] : memref<10240xf32, #tpu.memory_space<vmem_shared>> -> memref<10240xf32, #tpu.memory_space<vmem_shared>>
    tpu.wait_indirect_dma semaphore(%arg8 : memref<!tpu.dma_semaphore, #tpu.memory_space<semaphore_mem>>) src(%arg5 : memref<128xf32, #tpu.memory_space<vmem>>) dst(%dma_wait3A_96 : memref<10240xf32, #tpu.memory_space<vmem_shared>>)
    %dma_wait3A_97 = arith.constant 0 : i32
    %dma_wait3A_98 = arith.constant 0 : i32
    %dma_wait3A_99 = tpu.memref_slice %arg4[%dma_wait3A_97, %dma_wait3A_98] : memref<80x128xi32, #tpu.memory_space<vmem>> -> memref<1x128xi32, #tpu.memory_space<vmem>>
    %dma_wait3A_100 = tpu.memref_squeeze %dma_wait3A_99 : memref<1x128xi32, #tpu.memory_space<vmem>> -> memref<128xi32, #tpu.memory_space<vmem>>
    %dma_wait3A_101 = arith.constant 0 : i32
    %dma_wait3A_102 = tpu.memref_slice %arg7[%dma_wait3A_101] : memref<10240xf32, #tpu.memory_space<vmem_shared>> -> memref<10240xf32, #tpu.memory_space<vmem_shared>>
    tpu.wait_indirect_dma semaphore(%arg8 : memref<!tpu.dma_semaphore, #tpu.memory_space<semaphore_mem>>) src(%arg5 : memref<128xf32, #tpu.memory_space<vmem>>) dst(%dma_wait3A_102 : memref<10240xf32, #tpu.memory_space<vmem_shared>>)
    %dma_wait3A_103 = arith.constant 0 : i32
    %dma_wait3A_104 = arith.constant 0 : i32
    %dma_wait3A_105 = tpu.memref_slice %arg4[%dma_wait3A_103, %dma_wait3A_104] : memref<80x128xi32, #tpu.memory_space<vmem>> -> memref<1x128xi32, #tpu.memory_space<vmem>>
    %dma_wait3A_106 = tpu.memref_squeeze %dma_wait3A_105 : memref<1x128xi32, #tpu.memory_space<vmem>> -> memref<128xi32, #tpu.memory_space<vmem>>
    %dma_wait3A_107 = arith.constant 0 : i32
    %dma_wait3A_108 = tpu.memref_slice %arg7[%dma_wait3A_107] : memref<10240xf32, #tpu.memory_space<vmem_shared>> -> memref<10240xf32, #tpu.memory_space<vmem_shared>>
    tpu.wait_indirect_dma semaphore(%arg8 : memref<!tpu.dma_semaphore, #tpu.memory_space<semaphore_mem>>) src(%arg5 : memref<128xf32, #tpu.memory_space<vmem>>) dst(%dma_wait3A_108 : memref<10240xf32, #tpu.memory_space<vmem_shared>>)
    %barrier3A_109 = arith.constant 0 : index
    tpu.barrier barrier_id(%barrier3A_109)
    %mul3A_110 = arith.constant 10240 : i32
    %mul3A_111 = arith.muli %arg0, %mul3A_110 : i32
    %add3A_112 = arith.addi %mul3A_111, %mul3A_2 : i32
    "tpu.region"() ({
      %run_scoped3A = tpu.sem_alloc : memref<!tpu.dma_semaphore, #tpu.memory_space<semaphore_mem>>
      %dma_start3A = tpu.memref_slice %arg3[%add3A_112] : memref<20480xf32, #tpu.memory_space<hbm>> -> memref<640xf32, #tpu.memory_space<hbm>>
      %dma_start3A_113 = tpu.memref_slice %arg7[%mul3A_2] : memref<10240xf32, #tpu.memory_space<vmem_shared>> -> memref<640xf32, #tpu.memory_space<vmem_shared>>
      tpu.enqueue_dma source(%dma_start3A_113 : memref<640xf32, #tpu.memory_space<vmem_shared>>) target(%dma_start3A : memref<640xf32, #tpu.memory_space<hbm>>) target_semaphore(%run_scoped3A : memref<!tpu.dma_semaphore, #tpu.memory_space<semaphore_mem>>)
      %dma_wait3A_114 = tpu.memref_slice %arg3[%add3A_112] : memref<20480xf32, #tpu.memory_space<hbm>> -> memref<640xf32, #tpu.memory_space<hbm>>
      %dma_wait3A_115 = tpu.memref_slice %arg7[%mul3A_2] : memref<10240xf32, #tpu.memory_space<vmem_shared>> -> memref<640xf32, #tpu.memory_space<vmem_shared>>
      tpu.wait_dma2 semaphore(%run_scoped3A : memref<!tpu.dma_semaphore, #tpu.memory_space<semaphore_mem>>) src(%dma_wait3A_115 : memref<640xf32, #tpu.memory_space<vmem_shared>>) dst(%dma_wait3A_114 : memref<640xf32, #tpu.memory_space<hbm>>)
      tpu.yield
    }) : () -> ()
    return
  }
}

#map = affine_map<(d0, d1) -> (0, 0)>
#map1 = affine_map<(d0, d1) -> (0)>
#map2 = affine_map<(d0, d1) -> (0, 0, 0)>
module attributes {stable_mosaic.version = 14 : i64} {
  func.func @_scatter_kernel(%arg0: i32, %arg1: i32, %arg2: memref<10000x128xf32, #tpu.memory_space<hbm>>, %arg3: memref<320000xi32, #tpu.memory_space<hbm>>, %arg4: memref<7680xi32, #tpu.memory_space<hbm>>, %arg5: memref<2640x128xi32, #tpu.memory_space<hbm>>, %arg6: memref<2x10240x128xf32, #tpu.memory_space<hbm>>, %arg7: memref<4x128xi32, #tpu.memory_space<vmem>>, %arg8: memref<80x128xi32, #tpu.memory_space<vmem>>, %arg9: memref<2x128x128xf32, #tpu.memory_space<vmem>>, %arg10: memref<10240x128xf32, #tpu.memory_space<vmem_shared>>, %arg11: memref<4x!tpu.dma_semaphore, #tpu.memory_space<semaphore_mem>>, %arg12: memref<2x!tpu.dma_semaphore, #tpu.memory_space<semaphore_mem>>, %arg13: memref<2x!tpu.dma_semaphore, #tpu.memory_space<semaphore_mem>>) attributes {dimension_semantics = [#tpu.dimension_semantics<core_parallel>, #tpu.dimension_semantics<subcore_parallel>], iteration_bounds = array<i64: 2, 16>, scalar_prefetch = 0 : i64, scratch_operands = 7 : i64, tpu.core_type = #tpu.core_type<sc_vector_subcore>, window_params = [{transform_indices = #map}, {transform_indices = #map1}, {transform_indices = #map1}, {transform_indices = #map}, {transform_indices = #map2}]} {
    %eq3A = arith.constant 0 : i32
    %eq3A_0 = arith.cmpi eq, %arg0, %eq3A : i32
    %jit3A = arith.constant 80 : i32
    %jit3A_1 = arith.constant 80 : i32
    %select_n3A = arith.select %eq3A_0, %jit3A, %jit3A_1 : i32
    %eq3A_2 = arith.constant 0 : i32
    %eq3A_3 = arith.cmpi eq, %arg0, %eq3A_2 : i32
    %mul3A = arith.constant 80 : i32
    %mul3A_4 = arith.muli %arg1, %mul3A : i32
    %mul3A_5 = arith.constant 80 : i32
    %mul3A_6 = arith.muli %arg1, %mul3A_5 : i32
    %add3A = arith.constant 1280 : i32
    %add3A_7 = arith.addi %add3A, %mul3A_6 : i32
    %select_n3A_8 = arith.select %eq3A_3, %mul3A_4, %add3A_7 : i32
    %mul3A_9 = arith.constant 640 : i32
    %mul3A_10 = arith.muli %arg1, %mul3A_9 : i32
    %scan3A = arith.constant 0 : i32
    %scan3A_11 = arith.constant 0 : i32
    %scan3A_12 = arith.constant 128 : i32
    %scan3A_13 = arith.addi %scan3A_11, %scan3A_12 : i32
    %scan3A_14 = arith.constant 1 : i32
    scf.for %scan3A_141 = %scan3A_11 to %scan3A_13 step %scan3A_14  : i32 {
      %broadcast_in_dim3A = arith.constant 0.000000e+00 : f32
      %broadcast_in_dim3A_142 = vector.broadcast %broadcast_in_dim3A : f32 to vector<16xf32>
      %swap3A = arith.constant 0 : i32
      %swap3A_143 = arith.index_cast %swap3A : i32 to index
      %swap3A_144 = arith.index_cast %scan3A_141 : i32 to index
      %swap3A_145 = arith.constant 0 : index
      %swap3A_146 = tpu.vector_load %arg9[%swap3A_143, %swap3A_144, %swap3A_145] {strides = array<i32>} : memref<2x128x128xf32, #tpu.memory_space<vmem>>, vector<1x1x16xf32>,
      %swap3A_147 = vector.shape_cast %swap3A_146 : vector<1x1x16xf32> to vector<16xf32>
      %swap3A_148 = vector.shape_cast %broadcast_in_dim3A_142 : vector<16xf32> to vector<1x1x16xf32>
      tpu.vector_store %arg9[%swap3A_143, %swap3A_144, %swap3A_145], %swap3A_148 {strides = array<i32>} : memref<2x128x128xf32, #tpu.memory_space<vmem>>, vector<1x1x16xf32>,
      %broadcast_in_dim3A_149 = arith.constant 0.000000e+00 : f32
      %broadcast_in_dim3A_150 = vector.broadcast %broadcast_in_dim3A_149 : f32 to vector<16xf32>
      %swap3A_151 = arith.constant 0 : i32
      %swap3A_152 = arith.index_cast %swap3A_151 : i32 to index
      %swap3A_153 = arith.index_cast %scan3A_141 : i32 to index
      %swap3A_154 = arith.constant 16 : index
      %swap3A_155 = tpu.vector_load %arg9[%swap3A_152, %swap3A_153, %swap3A_154] {strides = array<i32>} : memref<2x128x128xf32, #tpu.memory_space<vmem>>, vector<1x1x16xf32>,
      %swap3A_156 = vector.shape_cast %swap3A_155 : vector<1x1x16xf32> to vector<16xf32>
      %swap3A_157 = vector.shape_cast %broadcast_in_dim3A_150 : vector<16xf32> to vector<1x1x16xf32>
      tpu.vector_store %arg9[%swap3A_152, %swap3A_153, %swap3A_154], %swap3A_157 {strides = array<i32>} : memref<2x128x128xf32, #tpu.memory_space<vmem>>, vector<1x1x16xf32>,
      %broadcast_in_dim3A_158 = arith.constant 0.000000e+00 : f32
      %broadcast_in_dim3A_159 = vector.broadcast %broadcast_in_dim3A_158 : f32 to vector<16xf32>
      %swap3A_160 = arith.constant 0 : i32
      %swap3A_161 = arith.index_cast %swap3A_160 : i32 to index
      %swap3A_162 = arith.index_cast %scan3A_141 : i32 to index
      %swap3A_163 = arith.constant 32 : index
      %swap3A_164 = tpu.vector_load %arg9[%swap3A_161, %swap3A_162, %swap3A_163] {strides = array<i32>} : memref<2x128x128xf32, #tpu.memory_space<vmem>>, vector<1x1x16xf32>,
      %swap3A_165 = vector.shape_cast %swap3A_164 : vector<1x1x16xf32> to vector<16xf32>
      %swap3A_166 = vector.shape_cast %broadcast_in_dim3A_159 : vector<16xf32> to vector<1x1x16xf32>
      tpu.vector_store %arg9[%swap3A_161, %swap3A_162, %swap3A_163], %swap3A_166 {strides = array<i32>} : memref<2x128x128xf32, #tpu.memory_space<vmem>>, vector<1x1x16xf32>,
      %broadcast_in_dim3A_167 = arith.constant 0.000000e+00 : f32
      %broadcast_in_dim3A_168 = vector.broadcast %broadcast_in_dim3A_167 : f32 to vector<16xf32>
      %swap3A_169 = arith.constant 0 : i32
      %swap3A_170 = arith.index_cast %swap3A_169 : i32 to index
      %swap3A_171 = arith.index_cast %scan3A_141 : i32 to index
      %swap3A_172 = arith.constant 48 : index
      %swap3A_173 = tpu.vector_load %arg9[%swap3A_170, %swap3A_171, %swap3A_172] {strides = array<i32>} : memref<2x128x128xf32, #tpu.memory_space<vmem>>, vector<1x1x16xf32>,
      %swap3A_174 = vector.shape_cast %swap3A_173 : vector<1x1x16xf32> to vector<16xf32>
      %swap3A_175 = vector.shape_cast %broadcast_in_dim3A_168 : vector<16xf32> to vector<1x1x16xf32>
      tpu.vector_store %arg9[%swap3A_170, %swap3A_171, %swap3A_172], %swap3A_175 {strides = array<i32>} : memref<2x128x128xf32, #tpu.memory_space<vmem>>, vector<1x1x16xf32>,
      %broadcast_in_dim3A_176 = arith.constant 0.000000e+00 : f32
      %broadcast_in_dim3A_177 = vector.broadcast %broadcast_in_dim3A_176 : f32 to vector<16xf32>
      %swap3A_178 = arith.constant 0 : i32
      %swap3A_179 = arith.index_cast %swap3A_178 : i32 to index
      %swap3A_180 = arith.index_cast %scan3A_141 : i32 to index
      %swap3A_181 = arith.constant 64 : index
      %swap3A_182 = tpu.vector_load %arg9[%swap3A_179, %swap3A_180, %swap3A_181] {strides = array<i32>} : memref<2x128x128xf32, #tpu.memory_space<vmem>>, vector<1x1x16xf32>,
      %swap3A_183 = vector.shape_cast %swap3A_182 : vector<1x1x16xf32> to vector<16xf32>
      %swap3A_184 = vector.shape_cast %broadcast_in_dim3A_177 : vector<16xf32> to vector<1x1x16xf32>
      tpu.vector_store %arg9[%swap3A_179, %swap3A_180, %swap3A_181], %swap3A_184 {strides = array<i32>} : memref<2x128x128xf32, #tpu.memory_space<vmem>>, vector<1x1x16xf32>,
      %broadcast_in_dim3A_185 = arith.constant 0.000000e+00 : f32
      %broadcast_in_dim3A_186 = vector.broadcast %broadcast_in_dim3A_185 : f32 to vector<16xf32>
      %swap3A_187 = arith.constant 0 : i32
      %swap3A_188 = arith.index_cast %swap3A_187 : i32 to index
      %swap3A_189 = arith.index_cast %scan3A_141 : i32 to index
      %swap3A_190 = arith.constant 80 : index
      %swap3A_191 = tpu.vector_load %arg9[%swap3A_188, %swap3A_189, %swap3A_190] {strides = array<i32>} : memref<2x128x128xf32, #tpu.memory_space<vmem>>, vector<1x1x16xf32>,
      %swap3A_192 = vector.shape_cast %swap3A_191 : vector<1x1x16xf32> to vector<16xf32>
      %swap3A_193 = vector.shape_cast %broadcast_in_dim3A_186 : vector<16xf32> to vector<1x1x16xf32>
      tpu.vector_store %arg9[%swap3A_188, %swap3A_189, %swap3A_190], %swap3A_193 {strides = array<i32>} : memref<2x128x128xf32, #tpu.memory_space<vmem>>, vector<1x1x16xf32>,
      %broadcast_in_dim3A_194 = arith.constant 0.000000e+00 : f32
      %broadcast_in_dim3A_195 = vector.broadcast %broadcast_in_dim3A_194 : f32 to vector<16xf32>
      %swap3A_196 = arith.constant 0 : i32
      %swap3A_197 = arith.index_cast %swap3A_196 : i32 to index
      %swap3A_198 = arith.index_cast %scan3A_141 : i32 to index
      %swap3A_199 = arith.constant 96 : index
      %swap3A_200 = tpu.vector_load %arg9[%swap3A_197, %swap3A_198, %swap3A_199] {strides = array<i32>} : memref<2x128x128xf32, #tpu.memory_space<vmem>>, vector<1x1x16xf32>,
      %swap3A_201 = vector.shape_cast %swap3A_200 : vector<1x1x16xf32> to vector<16xf32>
      %swap3A_202 = vector.shape_cast %broadcast_in_dim3A_195 : vector<16xf32> to vector<1x1x16xf32>
      tpu.vector_store %arg9[%swap3A_197, %swap3A_198, %swap3A_199], %swap3A_202 {strides = array<i32>} : memref<2x128x128xf32, #tpu.memory_space<vmem>>, vector<1x1x16xf32>,
      %broadcast_in_dim3A_203 = arith.constant 0.000000e+00 : f32
      %broadcast_in_dim3A_204 = vector.broadcast %broadcast_in_dim3A_203 : f32 to vector<16xf32>
      %swap3A_205 = arith.constant 0 : i32
      %swap3A_206 = arith.index_cast %swap3A_205 : i32 to index
      %swap3A_207 = arith.index_cast %scan3A_141 : i32 to index
      %swap3A_208 = arith.constant 112 : index
      %swap3A_209 = tpu.vector_load %arg9[%swap3A_206, %swap3A_207, %swap3A_208] {strides = array<i32>} : memref<2x128x128xf32, #tpu.memory_space<vmem>>, vector<1x1x16xf32>,
      %swap3A_210 = vector.shape_cast %swap3A_209 : vector<1x1x16xf32> to vector<16xf32>
      %swap3A_211 = vector.shape_cast %broadcast_in_dim3A_204 : vector<16xf32> to vector<1x1x16xf32>
      tpu.vector_store %arg9[%swap3A_206, %swap3A_207, %swap3A_208], %swap3A_211 {strides = array<i32>} : memref<2x128x128xf32, #tpu.memory_space<vmem>>, vector<1x1x16xf32>,
    }
    %scan3A_15 = arith.constant 128 : i32
    %add3A_16 = arith.constant 0 : i32
    %add3A_17 = arith.addi %mul3A_10, %add3A_16 : i32
    %run_scoped3A = arith.constant 0 : i32
    "tpu.region"() ({
      %run_scoped3A_141 = tpu.sem_alloc : memref<!tpu.dma_semaphore, #tpu.memory_space<semaphore_mem>>
      %dma_start3A_142 = arith.constant 0 : i32
      %dma_start3A_143 = arith.constant 0 : i32
      %dma_start3A_144 = tpu.memref_slice %arg9[%run_scoped3A, %dma_start3A_142, %dma_start3A_143] : memref<2x128x128xf32, #tpu.memory_space<vmem>> -> memref<1x128x128xf32, #tpu.memory_space<vmem>>
      %dma_start3A_145 = tpu.memref_squeeze %dma_start3A_144 : memref<1x128x128xf32, #tpu.memory_space<vmem>> -> memref<128x128xf32, #tpu.memory_space<vmem>>
      %dma_start3A_146 = arith.constant 0 : i32
      %dma_start3A_147 = tpu.memref_slice %arg10[%add3A_17, %dma_start3A_146] : memref<10240x128xf32, #tpu.memory_space<vmem_shared>> -> memref<128x128xf32, #tpu.memory_space<vmem_shared>>
      %dma_start3A_148 = arith.constant 0 : i32
      %dma_start3A_149 = tpu.memref_slice %arg10[%add3A_17, %dma_start3A_148] : memref<10240x128xf32, #tpu.memory_space<vmem_shared>> -> memref<128x128xf32, #tpu.memory_space<vmem_shared>>
      %dma_start3A_150 = arith.constant 0 : i32
      %dma_start3A_151 = arith.constant 0 : i32
      %dma_start3A_152 = tpu.memref_slice %arg9[%run_scoped3A, %dma_start3A_150, %dma_start3A_151] : memref<2x128x128xf32, #tpu.memory_space<vmem>> -> memref<1x128x128xf32, #tpu.memory_space<vmem>>
      %dma_start3A_153 = tpu.memref_squeeze %dma_start3A_152 : memref<1x128x128xf32, #tpu.memory_space<vmem>> -> memref<128x128xf32, #tpu.memory_space<vmem>>
      tpu.enqueue_dma source(%dma_start3A_153 : memref<128x128xf32, #tpu.memory_space<vmem>>) target(%dma_start3A_149 : memref<128x128xf32, #tpu.memory_space<vmem_shared>>) target_semaphore(%run_scoped3A_141 : memref<!tpu.dma_semaphore, #tpu.memory_space<semaphore_mem>>)
      %dma_wait3A_154 = arith.constant 0 : i32
      %dma_wait3A_155 = arith.constant 0 : i32
      %dma_wait3A_156 = tpu.memref_slice %arg9[%run_scoped3A, %dma_wait3A_154, %dma_wait3A_155] : memref<2x128x128xf32, #tpu.memory_space<vmem>> -> memref<1x128x128xf32, #tpu.memory_space<vmem>>
      %dma_wait3A_157 = tpu.memref_squeeze %dma_wait3A_156 : memref<1x128x128xf32, #tpu.memory_space<vmem>> -> memref<128x128xf32, #tpu.memory_space<vmem>>
      %dma_wait3A_158 = arith.constant 0 : i32
      %dma_wait3A_159 = tpu.memref_slice %arg10[%add3A_17, %dma_wait3A_158] : memref<10240x128xf32, #tpu.memory_space<vmem_shared>> -> memref<128x128xf32, #tpu.memory_space<vmem_shared>>
      %dma_wait3A_160 = arith.constant 0 : i32
      %dma_wait3A_161 = tpu.memref_slice %arg10[%add3A_17, %dma_wait3A_160] : memref<10240x128xf32, #tpu.memory_space<vmem_shared>> -> memref<128x128xf32, #tpu.memory_space<vmem_shared>>
      %dma_wait3A_162 = arith.constant 0 : i32
      %dma_wait3A_163 = arith.constant 0 : i32
      %dma_wait3A_164 = tpu.memref_slice %arg9[%run_scoped3A, %dma_wait3A_162, %dma_wait3A_163] : memref<2x128x128xf32, #tpu.memory_space<vmem>> -> memref<1x128x128xf32, #tpu.memory_space<vmem>>
      %dma_wait3A_165 = tpu.memref_squeeze %dma_wait3A_164 : memref<1x128x128xf32, #tpu.memory_space<vmem>> -> memref<128x128xf32, #tpu.memory_space<vmem>>
      tpu.wait_dma2 semaphore(%run_scoped3A_141 : memref<!tpu.dma_semaphore, #tpu.memory_space<semaphore_mem>>) src(%dma_wait3A_165 : memref<128x128xf32, #tpu.memory_space<vmem>>) dst(%dma_wait3A_161 : memref<128x128xf32, #tpu.memory_space<vmem_shared>>)
      tpu.yield
    }) : () -> ()
    %add3A_18 = arith.constant 128 : i32
    %add3A_19 = arith.addi %mul3A_10, %add3A_18 : i32
    %run_scoped3A_20 = arith.constant 0 : i32
    "tpu.region"() ({
      %run_scoped3A_141 = tpu.sem_alloc : memref<!tpu.dma_semaphore, #tpu.memory_space<semaphore_mem>>
      %dma_start3A_142 = arith.constant 0 : i32
      %dma_start3A_143 = arith.constant 0 : i32
      %dma_start3A_144 = tpu.memref_slice %arg9[%run_scoped3A_20, %dma_start3A_142, %dma_start3A_143] : memref<2x128x128xf32, #tpu.memory_space<vmem>> -> memref<1x128x128xf32, #tpu.memory_space<vmem>>
      %dma_start3A_145 = tpu.memref_squeeze %dma_start3A_144 : memref<1x128x128xf32, #tpu.memory_space<vmem>> -> memref<128x128xf32, #tpu.memory_space<vmem>>
      %dma_start3A_146 = arith.constant 0 : i32
      %dma_start3A_147 = tpu.memref_slice %arg10[%add3A_19, %dma_start3A_146] : memref<10240x128xf32, #tpu.memory_space<vmem_shared>> -> memref<128x128xf32, #tpu.memory_space<vmem_shared>>
      %dma_start3A_148 = arith.constant 0 : i32
      %dma_start3A_149 = tpu.memref_slice %arg10[%add3A_19, %dma_start3A_148] : memref<10240x128xf32, #tpu.memory_space<vmem_shared>> -> memref<128x128xf32, #tpu.memory_space<vmem_shared>>
      %dma_start3A_150 = arith.constant 0 : i32
      %dma_start3A_151 = arith.constant 0 : i32
      %dma_start3A_152 = tpu.memref_slice %arg9[%run_scoped3A_20, %dma_start3A_150, %dma_start3A_151] : memref<2x128x128xf32, #tpu.memory_space<vmem>> -> memref<1x128x128xf32, #tpu.memory_space<vmem>>
      %dma_start3A_153 = tpu.memref_squeeze %dma_start3A_152 : memref<1x128x128xf32, #tpu.memory_space<vmem>> -> memref<128x128xf32, #tpu.memory_space<vmem>>
      tpu.enqueue_dma source(%dma_start3A_153 : memref<128x128xf32, #tpu.memory_space<vmem>>) target(%dma_start3A_149 : memref<128x128xf32, #tpu.memory_space<vmem_shared>>) target_semaphore(%run_scoped3A_141 : memref<!tpu.dma_semaphore, #tpu.memory_space<semaphore_mem>>)
      %dma_wait3A_154 = arith.constant 0 : i32
      %dma_wait3A_155 = arith.constant 0 : i32
      %dma_wait3A_156 = tpu.memref_slice %arg9[%run_scoped3A_20, %dma_wait3A_154, %dma_wait3A_155] : memref<2x128x128xf32, #tpu.memory_space<vmem>> -> memref<1x128x128xf32, #tpu.memory_space<vmem>>
      %dma_wait3A_157 = tpu.memref_squeeze %dma_wait3A_156 : memref<1x128x128xf32, #tpu.memory_space<vmem>> -> memref<128x128xf32, #tpu.memory_space<vmem>>
      %dma_wait3A_158 = arith.constant 0 : i32
      %dma_wait3A_159 = tpu.memref_slice %arg10[%add3A_19, %dma_wait3A_158] : memref<10240x128xf32, #tpu.memory_space<vmem_shared>> -> memref<128x128xf32, #tpu.memory_space<vmem_shared>>
      %dma_wait3A_160 = arith.constant 0 : i32
      %dma_wait3A_161 = tpu.memref_slice %arg10[%add3A_19, %dma_wait3A_160] : memref<10240x128xf32, #tpu.memory_space<vmem_shared>> -> memref<128x128xf32, #tpu.memory_space<vmem_shared>>
      %dma_wait3A_162 = arith.constant 0 : i32
      %dma_wait3A_163 = arith.constant 0 : i32
      %dma_wait3A_164 = tpu.memref_slice %arg9[%run_scoped3A_20, %dma_wait3A_162, %dma_wait3A_163] : memref<2x128x128xf32, #tpu.memory_space<vmem>> -> memref<1x128x128xf32, #tpu.memory_space<vmem>>
      %dma_wait3A_165 = tpu.memref_squeeze %dma_wait3A_164 : memref<1x128x128xf32, #tpu.memory_space<vmem>> -> memref<128x128xf32, #tpu.memory_space<vmem>>
      tpu.wait_dma2 semaphore(%run_scoped3A_141 : memref<!tpu.dma_semaphore, #tpu.memory_space<semaphore_mem>>) src(%dma_wait3A_165 : memref<128x128xf32, #tpu.memory_space<vmem>>) dst(%dma_wait3A_161 : memref<128x128xf32, #tpu.memory_space<vmem_shared>>)
      tpu.yield
    }) : () -> ()
    %add3A_21 = arith.constant 256 : i32
    %add3A_22 = arith.addi %mul3A_10, %add3A_21 : i32
    %run_scoped3A_23 = arith.constant 0 : i32
    "tpu.region"() ({
      %run_scoped3A_141 = tpu.sem_alloc : memref<!tpu.dma_semaphore, #tpu.memory_space<semaphore_mem>>
      %dma_start3A_142 = arith.constant 0 : i32
      %dma_start3A_143 = arith.constant 0 : i32
      %dma_start3A_144 = tpu.memref_slice %arg9[%run_scoped3A_23, %dma_start3A_142, %dma_start3A_143] : memref<2x128x128xf32, #tpu.memory_space<vmem>> -> memref<1x128x128xf32, #tpu.memory_space<vmem>>
      %dma_start3A_145 = tpu.memref_squeeze %dma_start3A_144 : memref<1x128x128xf32, #tpu.memory_space<vmem>> -> memref<128x128xf32, #tpu.memory_space<vmem>>
      %dma_start3A_146 = arith.constant 0 : i32
      %dma_start3A_147 = tpu.memref_slice %arg10[%add3A_22, %dma_start3A_146] : memref<10240x128xf32, #tpu.memory_space<vmem_shared>> -> memref<128x128xf32, #tpu.memory_space<vmem_shared>>
      %dma_start3A_148 = arith.constant 0 : i32
      %dma_start3A_149 = tpu.memref_slice %arg10[%add3A_22, %dma_start3A_148] : memref<10240x128xf32, #tpu.memory_space<vmem_shared>> -> memref<128x128xf32, #tpu.memory_space<vmem_shared>>
      %dma_start3A_150 = arith.constant 0 : i32
      %dma_start3A_151 = arith.constant 0 : i32
      %dma_start3A_152 = tpu.memref_slice %arg9[%run_scoped3A_23, %dma_start3A_150, %dma_start3A_151] : memref<2x128x128xf32, #tpu.memory_space<vmem>> -> memref<1x128x128xf32, #tpu.memory_space<vmem>>
      %dma_start3A_153 = tpu.memref_squeeze %dma_start3A_152 : memref<1x128x128xf32, #tpu.memory_space<vmem>> -> memref<128x128xf32, #tpu.memory_space<vmem>>
      tpu.enqueue_dma source(%dma_start3A_153 : memref<128x128xf32, #tpu.memory_space<vmem>>) target(%dma_start3A_149 : memref<128x128xf32, #tpu.memory_space<vmem_shared>>) target_semaphore(%run_scoped3A_141 : memref<!tpu.dma_semaphore, #tpu.memory_space<semaphore_mem>>)
      %dma_wait3A_154 = arith.constant 0 : i32
      %dma_wait3A_155 = arith.constant 0 : i32
      %dma_wait3A_156 = tpu.memref_slice %arg9[%run_scoped3A_23, %dma_wait3A_154, %dma_wait3A_155] : memref<2x128x128xf32, #tpu.memory_space<vmem>> -> memref<1x128x128xf32, #tpu.memory_space<vmem>>
      %dma_wait3A_157 = tpu.memref_squeeze %dma_wait3A_156 : memref<1x128x128xf32, #tpu.memory_space<vmem>> -> memref<128x128xf32, #tpu.memory_space<vmem>>
      %dma_wait3A_158 = arith.constant 0 : i32
      %dma_wait3A_159 = tpu.memref_slice %arg10[%add3A_22, %dma_wait3A_158] : memref<10240x128xf32, #tpu.memory_space<vmem_shared>> -> memref<128x128xf32, #tpu.memory_space<vmem_shared>>
      %dma_wait3A_160 = arith.constant 0 : i32
      %dma_wait3A_161 = tpu.memref_slice %arg10[%add3A_22, %dma_wait3A_160] : memref<10240x128xf32, #tpu.memory_space<vmem_shared>> -> memref<128x128xf32, #tpu.memory_space<vmem_shared>>
      %dma_wait3A_162 = arith.constant 0 : i32
      %dma_wait3A_163 = arith.constant 0 : i32
      %dma_wait3A_164 = tpu.memref_slice %arg9[%run_scoped3A_23, %dma_wait3A_162, %dma_wait3A_163] : memref<2x128x128xf32, #tpu.memory_space<vmem>> -> memref<1x128x128xf32, #tpu.memory_space<vmem>>
      %dma_wait3A_165 = tpu.memref_squeeze %dma_wait3A_164 : memref<1x128x128xf32, #tpu.memory_space<vmem>> -> memref<128x128xf32, #tpu.memory_space<vmem>>
      tpu.wait_dma2 semaphore(%run_scoped3A_141 : memref<!tpu.dma_semaphore, #tpu.memory_space<semaphore_mem>>) src(%dma_wait3A_165 : memref<128x128xf32, #tpu.memory_space<vmem>>) dst(%dma_wait3A_161 : memref<128x128xf32, #tpu.memory_space<vmem_shared>>)
      tpu.yield
    }) : () -> ()
    %add3A_24 = arith.constant 384 : i32
    %add3A_25 = arith.addi %mul3A_10, %add3A_24 : i32
    %run_scoped3A_26 = arith.constant 0 : i32
    "tpu.region"() ({
      %run_scoped3A_141 = tpu.sem_alloc : memref<!tpu.dma_semaphore, #tpu.memory_space<semaphore_mem>>
      %dma_start3A_142 = arith.constant 0 : i32
      %dma_start3A_143 = arith.constant 0 : i32
      %dma_start3A_144 = tpu.memref_slice %arg9[%run_scoped3A_26, %dma_start3A_142, %dma_start3A_143] : memref<2x128x128xf32, #tpu.memory_space<vmem>> -> memref<1x128x128xf32, #tpu.memory_space<vmem>>
      %dma_start3A_145 = tpu.memref_squeeze %dma_start3A_144 : memref<1x128x128xf32, #tpu.memory_space<vmem>> -> memref<128x128xf32, #tpu.memory_space<vmem>>
      %dma_start3A_146 = arith.constant 0 : i32
      %dma_start3A_147 = tpu.memref_slice %arg10[%add3A_25, %dma_start3A_146] : memref<10240x128xf32, #tpu.memory_space<vmem_shared>> -> memref<128x128xf32, #tpu.memory_space<vmem_shared>>
      %dma_start3A_148 = arith.constant 0 : i32
      %dma_start3A_149 = tpu.memref_slice %arg10[%add3A_25, %dma_start3A_148] : memref<10240x128xf32, #tpu.memory_space<vmem_shared>> -> memref<128x128xf32, #tpu.memory_space<vmem_shared>>
      %dma_start3A_150 = arith.constant 0 : i32
      %dma_start3A_151 = arith.constant 0 : i32
      %dma_start3A_152 = tpu.memref_slice %arg9[%run_scoped3A_26, %dma_start3A_150, %dma_start3A_151] : memref<2x128x128xf32, #tpu.memory_space<vmem>> -> memref<1x128x128xf32, #tpu.memory_space<vmem>>
      %dma_start3A_153 = tpu.memref_squeeze %dma_start3A_152 : memref<1x128x128xf32, #tpu.memory_space<vmem>> -> memref<128x128xf32, #tpu.memory_space<vmem>>
      tpu.enqueue_dma source(%dma_start3A_153 : memref<128x128xf32, #tpu.memory_space<vmem>>) target(%dma_start3A_149 : memref<128x128xf32, #tpu.memory_space<vmem_shared>>) target_semaphore(%run_scoped3A_141 : memref<!tpu.dma_semaphore, #tpu.memory_space<semaphore_mem>>)
      %dma_wait3A_154 = arith.constant 0 : i32
      %dma_wait3A_155 = arith.constant 0 : i32
      %dma_wait3A_156 = tpu.memref_slice %arg9[%run_scoped3A_26, %dma_wait3A_154, %dma_wait3A_155] : memref<2x128x128xf32, #tpu.memory_space<vmem>> -> memref<1x128x128xf32, #tpu.memory_space<vmem>>
      %dma_wait3A_157 = tpu.memref_squeeze %dma_wait3A_156 : memref<1x128x128xf32, #tpu.memory_space<vmem>> -> memref<128x128xf32, #tpu.memory_space<vmem>>
      %dma_wait3A_158 = arith.constant 0 : i32
      %dma_wait3A_159 = tpu.memref_slice %arg10[%add3A_25, %dma_wait3A_158] : memref<10240x128xf32, #tpu.memory_space<vmem_shared>> -> memref<128x128xf32, #tpu.memory_space<vmem_shared>>
      %dma_wait3A_160 = arith.constant 0 : i32
      %dma_wait3A_161 = tpu.memref_slice %arg10[%add3A_25, %dma_wait3A_160] : memref<10240x128xf32, #tpu.memory_space<vmem_shared>> -> memref<128x128xf32, #tpu.memory_space<vmem_shared>>
      %dma_wait3A_162 = arith.constant 0 : i32
      %dma_wait3A_163 = arith.constant 0 : i32
      %dma_wait3A_164 = tpu.memref_slice %arg9[%run_scoped3A_26, %dma_wait3A_162, %dma_wait3A_163] : memref<2x128x128xf32, #tpu.memory_space<vmem>> -> memref<1x128x128xf32, #tpu.memory_space<vmem>>
      %dma_wait3A_165 = tpu.memref_squeeze %dma_wait3A_164 : memref<1x128x128xf32, #tpu.memory_space<vmem>> -> memref<128x128xf32, #tpu.memory_space<vmem>>
      tpu.wait_dma2 semaphore(%run_scoped3A_141 : memref<!tpu.dma_semaphore, #tpu.memory_space<semaphore_mem>>) src(%dma_wait3A_165 : memref<128x128xf32, #tpu.memory_space<vmem>>) dst(%dma_wait3A_161 : memref<128x128xf32, #tpu.memory_space<vmem_shared>>)
      tpu.yield
    }) : () -> ()
    %add3A_27 = arith.constant 512 : i32
    %add3A_28 = arith.addi %mul3A_10, %add3A_27 : i32
    %run_scoped3A_29 = arith.constant 0 : i32
    "tpu.region"() ({
      %run_scoped3A_141 = tpu.sem_alloc : memref<!tpu.dma_semaphore, #tpu.memory_space<semaphore_mem>>
      %dma_start3A_142 = arith.constant 0 : i32
      %dma_start3A_143 = arith.constant 0 : i32
      %dma_start3A_144 = tpu.memref_slice %arg9[%run_scoped3A_29, %dma_start3A_142, %dma_start3A_143] : memref<2x128x128xf32, #tpu.memory_space<vmem>> -> memref<1x128x128xf32, #tpu.memory_space<vmem>>
      %dma_start3A_145 = tpu.memref_squeeze %dma_start3A_144 : memref<1x128x128xf32, #tpu.memory_space<vmem>> -> memref<128x128xf32, #tpu.memory_space<vmem>>
      %dma_start3A_146 = arith.constant 0 : i32
      %dma_start3A_147 = tpu.memref_slice %arg10[%add3A_28, %dma_start3A_146] : memref<10240x128xf32, #tpu.memory_space<vmem_shared>> -> memref<128x128xf32, #tpu.memory_space<vmem_shared>>
      %dma_start3A_148 = arith.constant 0 : i32
      %dma_start3A_149 = tpu.memref_slice %arg10[%add3A_28, %dma_start3A_148] : memref<10240x128xf32, #tpu.memory_space<vmem_shared>> -> memref<128x128xf32, #tpu.memory_space<vmem_shared>>
      %dma_start3A_150 = arith.constant 0 : i32
      %dma_start3A_151 = arith.constant 0 : i32
      %dma_start3A_152 = tpu.memref_slice %arg9[%run_scoped3A_29, %dma_start3A_150, %dma_start3A_151] : memref<2x128x128xf32, #tpu.memory_space<vmem>> -> memref<1x128x128xf32, #tpu.memory_space<vmem>>
      %dma_start3A_153 = tpu.memref_squeeze %dma_start3A_152 : memref<1x128x128xf32, #tpu.memory_space<vmem>> -> memref<128x128xf32, #tpu.memory_space<vmem>>
      tpu.enqueue_dma source(%dma_start3A_153 : memref<128x128xf32, #tpu.memory_space<vmem>>) target(%dma_start3A_149 : memref<128x128xf32, #tpu.memory_space<vmem_shared>>) target_semaphore(%run_scoped3A_141 : memref<!tpu.dma_semaphore, #tpu.memory_space<semaphore_mem>>)
      %dma_wait3A_154 = arith.constant 0 : i32
      %dma_wait3A_155 = arith.constant 0 : i32
      %dma_wait3A_156 = tpu.memref_slice %arg9[%run_scoped3A_29, %dma_wait3A_154, %dma_wait3A_155] : memref<2x128x128xf32, #tpu.memory_space<vmem>> -> memref<1x128x128xf32, #tpu.memory_space<vmem>>
      %dma_wait3A_157 = tpu.memref_squeeze %dma_wait3A_156 : memref<1x128x128xf32, #tpu.memory_space<vmem>> -> memref<128x128xf32, #tpu.memory_space<vmem>>
      %dma_wait3A_158 = arith.constant 0 : i32
      %dma_wait3A_159 = tpu.memref_slice %arg10[%add3A_28, %dma_wait3A_158] : memref<10240x128xf32, #tpu.memory_space<vmem_shared>> -> memref<128x128xf32, #tpu.memory_space<vmem_shared>>
      %dma_wait3A_160 = arith.constant 0 : i32
      %dma_wait3A_161 = tpu.memref_slice %arg10[%add3A_28, %dma_wait3A_160] : memref<10240x128xf32, #tpu.memory_space<vmem_shared>> -> memref<128x128xf32, #tpu.memory_space<vmem_shared>>
      %dma_wait3A_162 = arith.constant 0 : i32
      %dma_wait3A_163 = arith.constant 0 : i32
      %dma_wait3A_164 = tpu.memref_slice %arg9[%run_scoped3A_29, %dma_wait3A_162, %dma_wait3A_163] : memref<2x128x128xf32, #tpu.memory_space<vmem>> -> memref<1x128x128xf32, #tpu.memory_space<vmem>>
      %dma_wait3A_165 = tpu.memref_squeeze %dma_wait3A_164 : memref<1x128x128xf32, #tpu.memory_space<vmem>> -> memref<128x128xf32, #tpu.memory_space<vmem>>
      tpu.wait_dma2 semaphore(%run_scoped3A_141 : memref<!tpu.dma_semaphore, #tpu.memory_space<semaphore_mem>>) src(%dma_wait3A_165 : memref<128x128xf32, #tpu.memory_space<vmem>>) dst(%dma_wait3A_161 : memref<128x128xf32, #tpu.memory_space<vmem_shared>>)
      tpu.yield
    }) : () -> ()
    "tpu.region"() ({
      %run_scoped3A_141 = tpu.sem_alloc : memref<!tpu.dma_semaphore, #tpu.memory_space<semaphore_mem>>
      %dma_start3A_142 = arith.constant 0 : i32
      %dma_start3A_143 = tpu.memref_slice %arg5[%select_n3A_8, %dma_start3A_142] : memref<2640x128xi32, #tpu.memory_space<hbm>> -> memref<80x128xi32, #tpu.memory_space<hbm>>
      %dma_start3A_144 = arith.constant 0 : i32
      %dma_start3A_145 = tpu.memref_slice %arg5[%select_n3A_8, %dma_start3A_144] : memref<2640x128xi32, #tpu.memory_space<hbm>> -> memref<80x128xi32, #tpu.memory_space<hbm>>
      tpu.enqueue_dma source(%dma_start3A_145 : memref<80x128xi32, #tpu.memory_space<hbm>>) target(%arg8 : memref<80x128xi32, #tpu.memory_space<vmem>>) target_semaphore(%run_scoped3A_141 : memref<!tpu.dma_semaphore, #tpu.memory_space<semaphore_mem>>)
      %dma_wait3A_146 = arith.constant 0 : i32
      %dma_wait3A_147 = tpu.memref_slice %arg5[%select_n3A_8, %dma_wait3A_146] : memref<2640x128xi32, #tpu.memory_space<hbm>> -> memref<80x128xi32, #tpu.memory_space<hbm>>
      %dma_wait3A_148 = arith.constant 0 : i32
      %dma_wait3A_149 = tpu.memref_slice %arg5[%select_n3A_8, %dma_wait3A_148] : memref<2640x128xi32, #tpu.memory_space<hbm>> -> memref<80x128xi32, #tpu.memory_space<hbm>>
      tpu.wait_dma2 semaphore(%run_scoped3A_141 : memref<!tpu.dma_semaphore, #tpu.memory_space<semaphore_mem>>) src(%dma_wait3A_149 : memref<80x128xi32, #tpu.memory_space<hbm>>) dst(%arg8 : memref<80x128xi32, #tpu.memory_space<vmem>>)
      tpu.yield
    }) : () -> ()
    %barrier3A = arith.constant 0 : index
    tpu.barrier barrier_id(%barrier3A)
    %add3A_30 = arith.constant 0 : i32
    %add3A_31 = arith.addi %select_n3A_8, %add3A_30 : i32
    %lt3A = arith.constant 2500 : i32
    %lt3A_32 = arith.cmpi slt, %add3A_31, %lt3A : i32
    %convert_element_type3A = arith.extui %lt3A_32 : i1 to i32
    %cond3A = arith.constant 0 : i32
    %cond3A_33 = arith.cmpi ne, %convert_element_type3A, %cond3A : i32
    scf.if %cond3A_33 {
      %mul3A_141 = arith.constant 128 : i32
      %mul3A_142 = arith.muli %add3A_31, %mul3A_141 : i32
      %dma_start3A_143 = arith.constant 0 : i32
      %dma_start3A_144 = arith.constant 0 : i32
      %dma_start3A_145 = arith.constant 0 : i32
      %dma_start3A_146 = tpu.memref_slice %arg7[%dma_start3A_143, %dma_start3A_145] : memref<4x128xi32, #tpu.memory_space<vmem>> -> memref<1x128xi32, #tpu.memory_space<vmem>>
      %dma_start3A_147 = tpu.memref_squeeze %dma_start3A_146 : memref<1x128xi32, #tpu.memory_space<vmem>> -> memref<128xi32, #tpu.memory_space<vmem>>
      %dma_start3A_148 = tpu.memref_slice %arg3[%mul3A_142] : memref<320000xi32, #tpu.memory_space<hbm>> -> memref<128xi32, #tpu.memory_space<hbm>>
      %dma_start3A_149 = tpu.memref_slice %arg11[%dma_start3A_144] : memref<4x!tpu.dma_semaphore, #tpu.memory_space<semaphore_mem>> -> memref<1x!tpu.dma_semaphore, #tpu.memory_space<semaphore_mem>>
      %dma_start3A_150 = tpu.memref_squeeze %dma_start3A_149 : memref<1x!tpu.dma_semaphore, #tpu.memory_space<semaphore_mem>> -> memref<!tpu.dma_semaphore, #tpu.memory_space<semaphore_mem>>
      %dma_start3A_151 = arith.constant 0 : i32
      %dma_start3A_152 = tpu.memref_slice %arg7[%dma_start3A_143, %dma_start3A_151] : memref<4x128xi32, #tpu.memory_space<vmem>> -> memref<1x128xi32, #tpu.memory_space<vmem>>
      %dma_start3A_153 = tpu.memref_squeeze %dma_start3A_152 : memref<1x128xi32, #tpu.memory_space<vmem>> -> memref<128xi32, #tpu.memory_space<vmem>>
      %dma_start3A_154 = tpu.memref_slice %arg3[%mul3A_142] : memref<320000xi32, #tpu.memory_space<hbm>> -> memref<128xi32, #tpu.memory_space<hbm>>
      tpu.enqueue_dma source(%dma_start3A_154 : memref<128xi32, #tpu.memory_space<hbm>>) target(%dma_start3A_153 : memref<128xi32, #tpu.memory_space<vmem>>) target_semaphore(%dma_start3A_150 : memref<!tpu.dma_semaphore, #tpu.memory_space<semaphore_mem>>)
    } else {
    }
    %ge3A = arith.constant 2500 : i32
    %ge3A_34 = arith.cmpi sge, %add3A_31, %ge3A : i32
    %convert_element_type3A_35 = arith.extui %ge3A_34 : i1 to i32
    %cond3A_36 = arith.constant 0 : i32
    %cond3A_37 = arith.cmpi ne, %convert_element_type3A_35, %cond3A_36 : i32
    scf.if %cond3A_37 {
      %sub3A_141 = arith.constant 2500 : i32
      %sub3A_142 = arith.subi %add3A_31, %sub3A_141 : i32
      %mul3A_143 = arith.constant 128 : i32
      %mul3A_144 = arith.muli %sub3A_142, %mul3A_143 : i32
      %dma_start3A_145 = arith.constant 0 : i32
      %dma_start3A_146 = arith.constant 0 : i32
      %dma_start3A_147 = arith.constant 0 : i32
      %dma_start3A_148 = tpu.memref_slice %arg7[%dma_start3A_145, %dma_start3A_147] : memref<4x128xi32, #tpu.memory_space<vmem>> -> memref<1x128xi32, #tpu.memory_space<vmem>>
      %dma_start3A_149 = tpu.memref_squeeze %dma_start3A_148 : memref<1x128xi32, #tpu.memory_space<vmem>> -> memref<128xi32, #tpu.memory_space<vmem>>
      %dma_start3A_150 = tpu.memref_slice %arg4[%mul3A_144] : memref<7680xi32, #tpu.memory_space<hbm>> -> memref<128xi32, #tpu.memory_space<hbm>>
      %dma_start3A_151 = tpu.memref_slice %arg11[%dma_start3A_146] : memref<4x!tpu.dma_semaphore, #tpu.memory_space<semaphore_mem>> -> memref<1x!tpu.dma_semaphore, #tpu.memory_space<semaphore_mem>>
      %dma_start3A_152 = tpu.memref_squeeze %dma_start3A_151 : memref<1x!tpu.dma_semaphore, #tpu.memory_space<semaphore_mem>> -> memref<!tpu.dma_semaphore, #tpu.memory_space<semaphore_mem>>
      %dma_start3A_153 = arith.constant 0 : i32
      %dma_start3A_154 = tpu.memref_slice %arg7[%dma_start3A_145, %dma_start3A_153] : memref<4x128xi32, #tpu.memory_space<vmem>> -> memref<1x128xi32, #tpu.memory_space<vmem>>
      %dma_start3A_155 = tpu.memref_squeeze %dma_start3A_154 : memref<1x128xi32, #tpu.memory_space<vmem>> -> memref<128xi32, #tpu.memory_space<vmem>>
      %dma_start3A_156 = tpu.memref_slice %arg4[%mul3A_144] : memref<7680xi32, #tpu.memory_space<hbm>> -> memref<128xi32, #tpu.memory_space<hbm>>
      tpu.enqueue_dma source(%dma_start3A_156 : memref<128xi32, #tpu.memory_space<hbm>>) target(%dma_start3A_155 : memref<128xi32, #tpu.memory_space<vmem>>) target_semaphore(%dma_start3A_152 : memref<!tpu.dma_semaphore, #tpu.memory_space<semaphore_mem>>)
    } else {
    }
    %add3A_38 = arith.constant 1 : i32
    %add3A_39 = arith.addi %select_n3A_8, %add3A_38 : i32
    %lt3A_40 = arith.constant 2500 : i32
    %lt3A_41 = arith.cmpi slt, %add3A_39, %lt3A_40 : i32
    %convert_element_type3A_42 = arith.extui %lt3A_41 : i1 to i32
    %cond3A_43 = arith.constant 0 : i32
    %cond3A_44 = arith.cmpi ne, %convert_element_type3A_42, %cond3A_43 : i32
    scf.if %cond3A_44 {
      %mul3A_141 = arith.constant 128 : i32
      %mul3A_142 = arith.muli %add3A_39, %mul3A_141 : i32
      %dma_start3A_143 = arith.constant 1 : i32
      %dma_start3A_144 = arith.constant 1 : i32
      %dma_start3A_145 = arith.constant 0 : i32
      %dma_start3A_146 = tpu.memref_slice %arg7[%dma_start3A_143, %dma_start3A_145] : memref<4x128xi32, #tpu.memory_space<vmem>> -> memref<1x128xi32, #tpu.memory_space<vmem>>
      %dma_start3A_147 = tpu.memref_squeeze %dma_start3A_146 : memref<1x128xi32, #tpu.memory_space<vmem>> -> memref<128xi32, #tpu.memory_space<vmem>>
      %dma_start3A_148 = tpu.memref_slice %arg3[%mul3A_142] : memref<320000xi32, #tpu.memory_space<hbm>> -> memref<128xi32, #tpu.memory_space<hbm>>
      %dma_start3A_149 = tpu.memref_slice %arg11[%dma_start3A_144] : memref<4x!tpu.dma_semaphore, #tpu.memory_space<semaphore_mem>> -> memref<1x!tpu.dma_semaphore, #tpu.memory_space<semaphore_mem>>
      %dma_start3A_150 = tpu.memref_squeeze %dma_start3A_149 : memref<1x!tpu.dma_semaphore, #tpu.memory_space<semaphore_mem>> -> memref<!tpu.dma_semaphore, #tpu.memory_space<semaphore_mem>>
      %dma_start3A_151 = arith.constant 0 : i32
      %dma_start3A_152 = tpu.memref_slice %arg7[%dma_start3A_143, %dma_start3A_151] : memref<4x128xi32, #tpu.memory_space<vmem>> -> memref<1x128xi32, #tpu.memory_space<vmem>>
      %dma_start3A_153 = tpu.memref_squeeze %dma_start3A_152 : memref<1x128xi32, #tpu.memory_space<vmem>> -> memref<128xi32, #tpu.memory_space<vmem>>
      %dma_start3A_154 = tpu.memref_slice %arg3[%mul3A_142] : memref<320000xi32, #tpu.memory_space<hbm>> -> memref<128xi32, #tpu.memory_space<hbm>>
      tpu.enqueue_dma source(%dma_start3A_154 : memref<128xi32, #tpu.memory_space<hbm>>) target(%dma_start3A_153 : memref<128xi32, #tpu.memory_space<vmem>>) target_semaphore(%dma_start3A_150 : memref<!tpu.dma_semaphore, #tpu.memory_space<semaphore_mem>>)
    } else {
    }
    %ge3A_45 = arith.constant 2500 : i32
    %ge3A_46 = arith.cmpi sge, %add3A_39, %ge3A_45 : i32
    %convert_element_type3A_47 = arith.extui %ge3A_46 : i1 to i32
    %cond3A_48 = arith.constant 0 : i32
    %cond3A_49 = arith.cmpi ne, %convert_element_type3A_47, %cond3A_48 : i32
    scf.if %cond3A_49 {
      %sub3A_141 = arith.constant 2500 : i32
      %sub3A_142 = arith.subi %add3A_39, %sub3A_141 : i32
      %mul3A_143 = arith.constant 128 : i32
      %mul3A_144 = arith.muli %sub3A_142, %mul3A_143 : i32
      %dma_start3A_145 = arith.constant 1 : i32
      %dma_start3A_146 = arith.constant 1 : i32
      %dma_start3A_147 = arith.constant 0 : i32
      %dma_start3A_148 = tpu.memref_slice %arg7[%dma_start3A_145, %dma_start3A_147] : memref<4x128xi32, #tpu.memory_space<vmem>> -> memref<1x128xi32, #tpu.memory_space<vmem>>
      %dma_start3A_149 = tpu.memref_squeeze %dma_start3A_148 : memref<1x128xi32, #tpu.memory_space<vmem>> -> memref<128xi32, #tpu.memory_space<vmem>>
      %dma_start3A_150 = tpu.memref_slice %arg4[%mul3A_144] : memref<7680xi32, #tpu.memory_space<hbm>> -> memref<128xi32, #tpu.memory_space<hbm>>
      %dma_start3A_151 = tpu.memref_slice %arg11[%dma_start3A_146] : memref<4x!tpu.dma_semaphore, #tpu.memory_space<semaphore_mem>> -> memref<1x!tpu.dma_semaphore, #tpu.memory_space<semaphore_mem>>
      %dma_start3A_152 = tpu.memref_squeeze %dma_start3A_151 : memref<1x!tpu.dma_semaphore, #tpu.memory_space<semaphore_mem>> -> memref<!tpu.dma_semaphore, #tpu.memory_space<semaphore_mem>>
      %dma_start3A_153 = arith.constant 0 : i32
      %dma_start3A_154 = tpu.memref_slice %arg7[%dma_start3A_145, %dma_start3A_153] : memref<4x128xi32, #tpu.memory_space<vmem>> -> memref<1x128xi32, #tpu.memory_space<vmem>>
      %dma_start3A_155 = tpu.memref_squeeze %dma_start3A_154 : memref<1x128xi32, #tpu.memory_space<vmem>> -> memref<128xi32, #tpu.memory_space<vmem>>
      %dma_start3A_156 = tpu.memref_slice %arg4[%mul3A_144] : memref<7680xi32, #tpu.memory_space<hbm>> -> memref<128xi32, #tpu.memory_space<hbm>>
      tpu.enqueue_dma source(%dma_start3A_156 : memref<128xi32, #tpu.memory_space<hbm>>) target(%dma_start3A_155 : memref<128xi32, #tpu.memory_space<vmem>>) target_semaphore(%dma_start3A_152 : memref<!tpu.dma_semaphore, #tpu.memory_space<semaphore_mem>>)
    } else {
    }
    %dma_wait3A = arith.constant 0 : i32
    %dma_wait3A_50 = arith.constant 0 : i32
    %dma_wait3A_51 = arith.constant 0 : i32
    %dma_wait3A_52 = tpu.memref_slice %arg7[%dma_wait3A, %dma_wait3A_51] : memref<4x128xi32, #tpu.memory_space<vmem>> -> memref<1x128xi32, #tpu.memory_space<vmem>>
    %dma_wait3A_53 = tpu.memref_squeeze %dma_wait3A_52 : memref<1x128xi32, #tpu.memory_space<vmem>> -> memref<128xi32, #tpu.memory_space<vmem>>
    %dma_wait3A_54 = arith.constant 0 : i32
    %dma_wait3A_55 = tpu.memref_slice %arg3[%dma_wait3A_54] : memref<320000xi32, #tpu.memory_space<hbm>> -> memref<128xi32, #tpu.memory_space<hbm>>
    %dma_wait3A_56 = tpu.memref_slice %arg11[%dma_wait3A_50] : memref<4x!tpu.dma_semaphore, #tpu.memory_space<semaphore_mem>> -> memref<1x!tpu.dma_semaphore, #tpu.memory_space<semaphore_mem>>
    %dma_wait3A_57 = tpu.memref_squeeze %dma_wait3A_56 : memref<1x!tpu.dma_semaphore, #tpu.memory_space<semaphore_mem>> -> memref<!tpu.dma_semaphore, #tpu.memory_space<semaphore_mem>>
    %dma_wait3A_58 = arith.constant 0 : i32
    %dma_wait3A_59 = tpu.memref_slice %arg7[%dma_wait3A, %dma_wait3A_58] : memref<4x128xi32, #tpu.memory_space<vmem>> -> memref<1x128xi32, #tpu.memory_space<vmem>>
    %dma_wait3A_60 = tpu.memref_squeeze %dma_wait3A_59 : memref<1x128xi32, #tpu.memory_space<vmem>> -> memref<128xi32, #tpu.memory_space<vmem>>
    %dma_wait3A_61 = arith.constant 0 : i32
    %dma_wait3A_62 = tpu.memref_slice %arg3[%dma_wait3A_61] : memref<320000xi32, #tpu.memory_space<hbm>> -> memref<128xi32, #tpu.memory_space<hbm>>
    tpu.wait_dma2 semaphore(%dma_wait3A_57 : memref<!tpu.dma_semaphore, #tpu.memory_space<semaphore_mem>>) src(%dma_wait3A_62 : memref<128xi32, #tpu.memory_space<hbm>>) dst(%dma_wait3A_60 : memref<128xi32, #tpu.memory_space<vmem>>)
    %dma_start3A = arith.constant 0 : i32
    %dma_start3A_63 = arith.constant 0 : i32
    %dma_start3A_64 = arith.constant 0 : i32
    %dma_start3A_65 = arith.constant 0 : i32
    %dma_start3A_66 = arith.constant 0 : i32
    %dma_start3A_67 = tpu.memref_slice %arg9[%dma_start3A_63, %dma_start3A_65, %dma_start3A_66] : memref<2x128x128xf32, #tpu.memory_space<vmem>> -> memref<1x128x128xf32, #tpu.memory_space<vmem>>
    %dma_start3A_68 = tpu.memref_squeeze %dma_start3A_67 : memref<1x128x128xf32, #tpu.memory_space<vmem>> -> memref<128x128xf32, #tpu.memory_space<vmem>>
    %dma_start3A_69 = arith.constant 0 : i32
    %dma_start3A_70 = tpu.memref_slice %arg7[%dma_start3A, %dma_start3A_69] : memref<4x128xi32, #tpu.memory_space<vmem>> -> memref<1x128xi32, #tpu.memory_space<vmem>>
    %dma_start3A_71 = tpu.memref_squeeze %dma_start3A_70 : memref<1x128xi32, #tpu.memory_space<vmem>> -> memref<128xi32, #tpu.memory_space<vmem>>
    %dma_start3A_72 = arith.constant 0 : i32
    %dma_start3A_73 = arith.constant 0 : i32
    %dma_start3A_74 = tpu.memref_slice %arg2[%dma_start3A_72, %dma_start3A_73] : memref<10000x128xf32, #tpu.memory_space<hbm>> -> memref<10000x128xf32, #tpu.memory_space<hbm>>
    %dma_start3A_75 = tpu.memref_slice %arg12[%dma_start3A_64] : memref<2x!tpu.dma_semaphore, #tpu.memory_space<semaphore_mem>> -> memref<1x!tpu.dma_semaphore, #tpu.memory_space<semaphore_mem>>
    %dma_start3A_76 = tpu.memref_squeeze %dma_start3A_75 : memref<1x!tpu.dma_semaphore, #tpu.memory_space<semaphore_mem>> -> memref<!tpu.dma_semaphore, #tpu.memory_space<semaphore_mem>>
    tpu.enqueue_indirect_dma source(%dma_start3A_74 : memref<10000x128xf32, #tpu.memory_space<hbm>>) target(%dma_start3A_68 : memref<128x128xf32, #tpu.memory_space<vmem>>) offsets(%dma_start3A_71 : memref<128xi32, #tpu.memory_space<vmem>>) semaphore(%dma_start3A_76 : memref<!tpu.dma_semaphore, #tpu.memory_space<semaphore_mem>>)
    %jit3A_77 = arith.constant 4 : i32
    %div3A = arith.divsi %select_n3A, %jit3A_77 : i32
    %sign3A = arith.constant 0 : i32
    %sign3A_78 = arith.cmpi sgt, %select_n3A, %sign3A : i32
    %sign3A_79 = arith.extui %sign3A_78 : i1 to i32
    %sign3A_80 = arith.constant 0 : i32
    %sign3A_81 = arith.cmpi slt, %select_n3A, %sign3A_80 : i32
    %sign3A_82 = arith.extui %sign3A_81 : i1 to i32
    %sign3A_83 = arith.subi %sign3A_79, %sign3A_82 : i32
    %sign3A_84 = arith.constant 0 : i32
    %sign3A_85 = arith.cmpi sgt, %jit3A_77, %sign3A_84 : i32
    %sign3A_86 = arith.extui %sign3A_85 : i1 to i32
    %sign3A_87 = arith.constant 0 : i32
    %sign3A_88 = arith.cmpi slt, %jit3A_77, %sign3A_87 : i32
    %sign3A_89 = arith.extui %sign3A_88 : i1 to i32
    %sign3A_90 = arith.subi %sign3A_86, %sign3A_89 : i32
    %ne3A = arith.cmpi ne, %sign3A_83, %sign3A_90 : i32
    %rem3A = arith.remsi %select_n3A, %jit3A_77 : i32
    %ne3A_91 = arith.constant 0 : i32
    %ne3A_92 = arith.cmpi ne, %rem3A, %ne3A_91 : i32
    %and3A = arith.andi %ne3A, %ne3A_92 : i1
    %sub3A = arith.constant 1 : i32
    %sub3A_93 = arith.subi %div3A, %sub3A : i32
    %select_n3A_94 = arith.select %and3A, %sub3A_93, %div3A : i32
    %while3A = arith.constant 0 : i32
    %while3A_95 = arith.constant 0 : i32
    %while3A_96 = arith.subi %select_n3A_94, %while3A_95 : i32
    %while3A_97 = arith.addi %while3A_95, %while3A_96 : i32
    %while3A_98 = arith.constant 1 : i32
    %while3A_99 = arith.divsi %while3A_96, %while3A_98 : i32
    %while3A_100 = arith.muli %while3A_99, %while3A_98 : i32
    %while3A_101 = arith.addi %while3A_95, %while3A_100 : i32
    %while3A_102 = arith.constant 1 : i32
    scf.for %while3A_141 = %while3A_95 to %while3A_101 step %while3A_102  : i32 {
      %mul3A_142 = arith.constant 4 : i32
      %mul3A_143 = arith.muli %mul3A_142, %while3A_141 : i32
      %add3A_144 = arith.constant 0 : i32
      %add3A_145 = arith.addi %mul3A_143, %add3A_144 : i32
      %dma_wait3A_146 = arith.constant 0 : i32
      %dma_wait3A_147 = arith.constant 0 : i32
      %dma_wait3A_148 = arith.constant 0 : i32
      %dma_wait3A_149 = arith.constant 0 : i32
      %dma_wait3A_150 = arith.constant 0 : i32
      %dma_wait3A_151 = tpu.memref_slice %arg9[%dma_wait3A_147, %dma_wait3A_149, %dma_wait3A_150] : memref<2x128x128xf32, #tpu.memory_space<vmem>> -> memref<1x128x128xf32, #tpu.memory_space<vmem>>
      %dma_wait3A_152 = tpu.memref_squeeze %dma_wait3A_151 : memref<1x128x128xf32, #tpu.memory_space<vmem>> -> memref<128x128xf32, #tpu.memory_space<vmem>>
      %dma_wait3A_153 = arith.constant 0 : i32
      %dma_wait3A_154 = tpu.memref_slice %arg7[%dma_wait3A_146, %dma_wait3A_153] : memref<4x128xi32, #tpu.memory_space<vmem>> -> memref<1x128xi32, #tpu.memory_space<vmem>>
      %dma_wait3A_155 = tpu.memref_squeeze %dma_wait3A_154 : memref<1x128xi32, #tpu.memory_space<vmem>> -> memref<128xi32, #tpu.memory_space<vmem>>
      %dma_wait3A_156 = arith.constant 0 : i32
      %dma_wait3A_157 = arith.constant 0 : i32
      %dma_wait3A_158 = tpu.memref_slice %arg2[%dma_wait3A_156, %dma_wait3A_157] : memref<10000x128xf32, #tpu.memory_space<hbm>> -> memref<10000x128xf32, #tpu.memory_space<hbm>>
      %dma_wait3A_159 = tpu.memref_slice %arg12[%dma_wait3A_148] : memref<2x!tpu.dma_semaphore, #tpu.memory_space<semaphore_mem>> -> memref<1x!tpu.dma_semaphore, #tpu.memory_space<semaphore_mem>>
      %dma_wait3A_160 = tpu.memref_squeeze %dma_wait3A_159 : memref<1x!tpu.dma_semaphore, #tpu.memory_space<semaphore_mem>> -> memref<!tpu.dma_semaphore, #tpu.memory_space<semaphore_mem>>
      tpu.wait_indirect_dma semaphore(%dma_wait3A_160 : memref<!tpu.dma_semaphore, #tpu.memory_space<semaphore_mem>>) src(%dma_wait3A_158 : memref<10000x128xf32, #tpu.memory_space<hbm>>) dst(%dma_wait3A_152 : memref<128x128xf32, #tpu.memory_space<vmem>>)
      %dma_start3A_161 = arith.constant 0 : i32
      %dma_start3A_162 = arith.constant 0 : i32
      %dma_start3A_163 = arith.constant 0 : i32
      %dma_start3A_164 = arith.constant 0 : i32
      %dma_start3A_165 = tpu.memref_slice %arg9[%dma_start3A_161, %dma_start3A_163, %dma_start3A_164] : memref<2x128x128xf32, #tpu.memory_space<vmem>> -> memref<1x128x128xf32, #tpu.memory_space<vmem>>
      %dma_start3A_166 = tpu.memref_squeeze %dma_start3A_165 : memref<1x128x128xf32, #tpu.memory_space<vmem>> -> memref<128x128xf32, #tpu.memory_space<vmem>>
      %dma_start3A_167 = arith.constant 0 : i32
      %dma_start3A_168 = tpu.memref_slice %arg8[%add3A_145, %dma_start3A_167] : memref<80x128xi32, #tpu.memory_space<vmem>> -> memref<1x128xi32, #tpu.memory_space<vmem>>
      %dma_start3A_169 = tpu.memref_squeeze %dma_start3A_168 : memref<1x128xi32, #tpu.memory_space<vmem>> -> memref<128xi32, #tpu.memory_space<vmem>>
      %dma_start3A_170 = arith.constant 0 : i32
      %dma_start3A_171 = arith.constant 0 : i32
      %dma_start3A_172 = tpu.memref_slice %arg10[%dma_start3A_170, %dma_start3A_171] : memref<10240x128xf32, #tpu.memory_space<vmem_shared>> -> memref<10240x128xf32, #tpu.memory_space<vmem_shared>>
      %dma_start3A_173 = tpu.memref_slice %arg13[%dma_start3A_162] : memref<2x!tpu.dma_semaphore, #tpu.memory_space<semaphore_mem>> -> memref<1x!tpu.dma_semaphore, #tpu.memory_space<semaphore_mem>>
      %dma_start3A_174 = tpu.memref_squeeze %dma_start3A_173 : memref<1x!tpu.dma_semaphore, #tpu.memory_space<semaphore_mem>> -> memref<!tpu.dma_semaphore, #tpu.memory_space<semaphore_mem>>
      tpu.enqueue_indirect_dma source(%dma_start3A_166 : memref<128x128xf32, #tpu.memory_space<vmem>>) target(%dma_start3A_172 : memref<10240x128xf32, #tpu.memory_space<vmem_shared>>) offsets(%dma_start3A_169 : memref<128xi32, #tpu.memory_space<vmem>>) semaphore(%dma_start3A_174 : memref<!tpu.dma_semaphore, #tpu.memory_space<semaphore_mem>>) {add = true}
      %add3A_175 = arith.constant 2 : i32
      %add3A_176 = arith.addi %add3A_145, %add3A_175 : i32
      %lt3A_177 = arith.cmpi slt, %add3A_176, %select_n3A : i32
      %convert_element_type3A_178 = arith.extui %lt3A_177 : i1 to i32
      %cond3A_179 = arith.constant 0 : i32
      %cond3A_180 = arith.cmpi ne, %convert_element_type3A_178, %cond3A_179 : i32
      scf.if %cond3A_180 {
        %add3A_382 = arith.constant 2 : i32
        %add3A_383 = arith.addi %add3A_145, %add3A_382 : i32
        %add3A_384 = arith.addi %select_n3A_8, %add3A_383 : i32
        %lt3A_385 = arith.constant 2500 : i32
        %lt3A_386 = arith.cmpi slt, %add3A_384, %lt3A_385 : i32
        %convert_element_type3A_387 = arith.extui %lt3A_386 : i1 to i32
        %cond3A_388 = arith.constant 0 : i32
        %cond3A_389 = arith.cmpi ne, %convert_element_type3A_387, %cond3A_388 : i32
        scf.if %cond3A_389 {
          %mul3A_395 = arith.constant 128 : i32
          %mul3A_396 = arith.muli %add3A_384, %mul3A_395 : i32
          %dma_start3A_397 = arith.constant 2 : i32
          %dma_start3A_398 = arith.constant 2 : i32
          %dma_start3A_399 = arith.constant 0 : i32
          %dma_start3A_400 = tpu.memref_slice %arg7[%dma_start3A_397, %dma_start3A_399] : memref<4x128xi32, #tpu.memory_space<vmem>> -> memref<1x128xi32, #tpu.memory_space<vmem>>
          %dma_start3A_401 = tpu.memref_squeeze %dma_start3A_400 : memref<1x128xi32, #tpu.memory_space<vmem>> -> memref<128xi32, #tpu.memory_space<vmem>>
          %dma_start3A_402 = tpu.memref_slice %arg3[%mul3A_396] : memref<320000xi32, #tpu.memory_space<hbm>> -> memref<128xi32, #tpu.memory_space<hbm>>
          %dma_start3A_403 = tpu.memref_slice %arg11[%dma_start3A_398] : memref<4x!tpu.dma_semaphore, #tpu.memory_space<semaphore_mem>> -> memref<1x!tpu.dma_semaphore, #tpu.memory_space<semaphore_mem>>
          %dma_start3A_404 = tpu.memref_squeeze %dma_start3A_403 : memref<1x!tpu.dma_semaphore, #tpu.memory_space<semaphore_mem>> -> memref<!tpu.dma_semaphore, #tpu.memory_space<semaphore_mem>>
          %dma_start3A_405 = arith.constant 0 : i32
          %dma_start3A_406 = tpu.memref_slice %arg7[%dma_start3A_397, %dma_start3A_405] : memref<4x128xi32, #tpu.memory_space<vmem>> -> memref<1x128xi32, #tpu.memory_space<vmem>>
          %dma_start3A_407 = tpu.memref_squeeze %dma_start3A_406 : memref<1x128xi32, #tpu.memory_space<vmem>> -> memref<128xi32, #tpu.memory_space<vmem>>
          %dma_start3A_408 = tpu.memref_slice %arg3[%mul3A_396] : memref<320000xi32, #tpu.memory_space<hbm>> -> memref<128xi32, #tpu.memory_space<hbm>>
          tpu.enqueue_dma source(%dma_start3A_408 : memref<128xi32, #tpu.memory_space<hbm>>) target(%dma_start3A_407 : memref<128xi32, #tpu.memory_space<vmem>>) target_semaphore(%dma_start3A_404 : memref<!tpu.dma_semaphore, #tpu.memory_space<semaphore_mem>>)
        } else {
        }
        %ge3A_390 = arith.constant 2500 : i32
        %ge3A_391 = arith.cmpi sge, %add3A_384, %ge3A_390 : i32
        %convert_element_type3A_392 = arith.extui %ge3A_391 : i1 to i32
        %cond3A_393 = arith.constant 0 : i32
        %cond3A_394 = arith.cmpi ne, %convert_element_type3A_392, %cond3A_393 : i32
        scf.if %cond3A_394 {
          %sub3A_395 = arith.constant 2500 : i32
          %sub3A_396 = arith.subi %add3A_384, %sub3A_395 : i32
          %mul3A_397 = arith.constant 128 : i32
          %mul3A_398 = arith.muli %sub3A_396, %mul3A_397 : i32
          %dma_start3A_399 = arith.constant 2 : i32
          %dma_start3A_400 = arith.constant 2 : i32
          %dma_start3A_401 = arith.constant 0 : i32
          %dma_start3A_402 = tpu.memref_slice %arg7[%dma_start3A_399, %dma_start3A_401] : memref<4x128xi32, #tpu.memory_space<vmem>> -> memref<1x128xi32, #tpu.memory_space<vmem>>
          %dma_start3A_403 = tpu.memref_squeeze %dma_start3A_402 : memref<1x128xi32, #tpu.memory_space<vmem>> -> memref<128xi32, #tpu.memory_space<vmem>>
          %dma_start3A_404 = tpu.memref_slice %arg4[%mul3A_398] : memref<7680xi32, #tpu.memory_space<hbm>> -> memref<128xi32, #tpu.memory_space<hbm>>
          %dma_start3A_405 = tpu.memref_slice %arg11[%dma_start3A_400] : memref<4x!tpu.dma_semaphore, #tpu.memory_space<semaphore_mem>> -> memref<1x!tpu.dma_semaphore, #tpu.memory_space<semaphore_mem>>
          %dma_start3A_406 = tpu.memref_squeeze %dma_start3A_405 : memref<1x!tpu.dma_semaphore, #tpu.memory_space<semaphore_mem>> -> memref<!tpu.dma_semaphore, #tpu.memory_space<semaphore_mem>>
          %dma_start3A_407 = arith.constant 0 : i32
          %dma_start3A_408 = tpu.memref_slice %arg7[%dma_start3A_399, %dma_start3A_407] : memref<4x128xi32, #tpu.memory_space<vmem>> -> memref<1x128xi32, #tpu.memory_space<vmem>>
          %dma_start3A_409 = tpu.memref_squeeze %dma_start3A_408 : memref<1x128xi32, #tpu.memory_space<vmem>> -> memref<128xi32, #tpu.memory_space<vmem>>
          %dma_start3A_410 = tpu.memref_slice %arg4[%mul3A_398] : memref<7680xi32, #tpu.memory_space<hbm>> -> memref<128xi32, #tpu.memory_space<hbm>>
          tpu.enqueue_dma source(%dma_start3A_410 : memref<128xi32, #tpu.memory_space<hbm>>) target(%dma_start3A_409 : memref<128xi32, #tpu.memory_space<vmem>>) target_semaphore(%dma_start3A_406 : memref<!tpu.dma_semaphore, #tpu.memory_space<semaphore_mem>>)
        } else {
        }
      } else {
      }
      %add3A_181 = arith.constant 1 : i32
      %add3A_182 = arith.addi %add3A_145, %add3A_181 : i32
      %lt3A_183 = arith.cmpi slt, %add3A_182, %select_n3A : i32
      %convert_element_type3A_184 = arith.extui %lt3A_183 : i1 to i32
      %cond3A_185 = arith.constant 0 : i32
      %cond3A_186 = arith.cmpi ne, %convert_element_type3A_184, %cond3A_185 : i32
      scf.if %cond3A_186 {
        %dma_wait3A_382 = arith.constant 1 : i32
        %dma_wait3A_383 = arith.constant 1 : i32
        %dma_wait3A_384 = arith.constant 0 : i32
        %dma_wait3A_385 = tpu.memref_slice %arg7[%dma_wait3A_382, %dma_wait3A_384] : memref<4x128xi32, #tpu.memory_space<vmem>> -> memref<1x128xi32, #tpu.memory_space<vmem>>
        %dma_wait3A_386 = tpu.memref_squeeze %dma_wait3A_385 : memref<1x128xi32, #tpu.memory_space<vmem>> -> memref<128xi32, #tpu.memory_space<vmem>>
        %dma_wait3A_387 = arith.constant 0 : i32
        %dma_wait3A_388 = tpu.memref_slice %arg3[%dma_wait3A_387] : memref<320000xi32, #tpu.memory_space<hbm>> -> memref<128xi32, #tpu.memory_space<hbm>>
        %dma_wait3A_389 = tpu.memref_slice %arg11[%dma_wait3A_383] : memref<4x!tpu.dma_semaphore, #tpu.memory_space<semaphore_mem>> -> memref<1x!tpu.dma_semaphore, #tpu.memory_space<semaphore_mem>>
        %dma_wait3A_390 = tpu.memref_squeeze %dma_wait3A_389 : memref<1x!tpu.dma_semaphore, #tpu.memory_space<semaphore_mem>> -> memref<!tpu.dma_semaphore, #tpu.memory_space<semaphore_mem>>
        %dma_wait3A_391 = arith.constant 0 : i32
        %dma_wait3A_392 = tpu.memref_slice %arg7[%dma_wait3A_382, %dma_wait3A_391] : memref<4x128xi32, #tpu.memory_space<vmem>> -> memref<1x128xi32, #tpu.memory_space<vmem>>
        %dma_wait3A_393 = tpu.memref_squeeze %dma_wait3A_392 : memref<1x128xi32, #tpu.memory_space<vmem>> -> memref<128xi32, #tpu.memory_space<vmem>>
        %dma_wait3A_394 = arith.constant 0 : i32
        %dma_wait3A_395 = tpu.memref_slice %arg3[%dma_wait3A_394] : memref<320000xi32, #tpu.memory_space<hbm>> -> memref<128xi32, #tpu.memory_space<hbm>>
        tpu.wait_dma2 semaphore(%dma_wait3A_390 : memref<!tpu.dma_semaphore, #tpu.memory_space<semaphore_mem>>) src(%dma_wait3A_395 : memref<128xi32, #tpu.memory_space<hbm>>) dst(%dma_wait3A_393 : memref<128xi32, #tpu.memory_space<vmem>>)
      } else {
      }
      %add3A_187 = arith.constant 1 : i32
      %add3A_188 = arith.addi %add3A_145, %add3A_187 : i32
      %lt3A_189 = arith.cmpi slt, %add3A_188, %select_n3A : i32
      %ge3A_190 = arith.constant 1 : i32
      %ge3A_191 = arith.cmpi sge, %add3A_145, %ge3A_190 : i32
      %and3A_192 = arith.andi %lt3A_189, %ge3A_191 : i1
      %convert_element_type3A_193 = arith.extui %and3A_192 : i1 to i32
      %cond3A_194 = arith.constant 0 : i32
      %cond3A_195 = arith.cmpi ne, %convert_element_type3A_193, %cond3A_194 : i32
      scf.if %cond3A_195 {
        %sub3A_382 = arith.constant 1 : i32
        %sub3A_383 = arith.subi %add3A_145, %sub3A_382 : i32
        %dma_wait3A_384 = arith.constant 1 : i32
        %dma_wait3A_385 = arith.constant 1 : i32
        %dma_wait3A_386 = arith.constant 0 : i32
        %dma_wait3A_387 = arith.constant 0 : i32
        %dma_wait3A_388 = tpu.memref_slice %arg9[%dma_wait3A_384, %dma_wait3A_386, %dma_wait3A_387] : memref<2x128x128xf32, #tpu.memory_space<vmem>> -> memref<1x128x128xf32, #tpu.memory_space<vmem>>
        %dma_wait3A_389 = tpu.memref_squeeze %dma_wait3A_388 : memref<1x128x128xf32, #tpu.memory_space<vmem>> -> memref<128x128xf32, #tpu.memory_space<vmem>>
        %dma_wait3A_390 = arith.constant 0 : i32
        %dma_wait3A_391 = tpu.memref_slice %arg8[%sub3A_383, %dma_wait3A_390] : memref<80x128xi32, #tpu.memory_space<vmem>> -> memref<1x128xi32, #tpu.memory_space<vmem>>
        %dma_wait3A_392 = tpu.memref_squeeze %dma_wait3A_391 : memref<1x128xi32, #tpu.memory_space<vmem>> -> memref<128xi32, #tpu.memory_space<vmem>>
        %dma_wait3A_393 = arith.constant 0 : i32
        %dma_wait3A_394 = arith.constant 0 : i32
        %dma_wait3A_395 = tpu.memref_slice %arg10[%dma_wait3A_393, %dma_wait3A_394] : memref<10240x128xf32, #tpu.memory_space<vmem_shared>> -> memref<10240x128xf32, #tpu.memory_space<vmem_shared>>
        %dma_wait3A_396 = tpu.memref_slice %arg13[%dma_wait3A_385] : memref<2x!tpu.dma_semaphore, #tpu.memory_space<semaphore_mem>> -> memref<1x!tpu.dma_semaphore, #tpu.memory_space<semaphore_mem>>
        %dma_wait3A_397 = tpu.memref_squeeze %dma_wait3A_396 : memref<1x!tpu.dma_semaphore, #tpu.memory_space<semaphore_mem>> -> memref<!tpu.dma_semaphore, #tpu.memory_space<semaphore_mem>>
        tpu.wait_indirect_dma semaphore(%dma_wait3A_397 : memref<!tpu.dma_semaphore, #tpu.memory_space<semaphore_mem>>) src(%dma_wait3A_389 : memref<128x128xf32, #tpu.memory_space<vmem>>) dst(%dma_wait3A_395 : memref<10240x128xf32, #tpu.memory_space<vmem_shared>>)
      } else {
      }
      %add3A_196 = arith.constant 1 : i32
      %add3A_197 = arith.addi %add3A_145, %add3A_196 : i32
      %lt3A_198 = arith.cmpi slt, %add3A_197, %select_n3A : i32
      %convert_element_type3A_199 = arith.extui %lt3A_198 : i1 to i32
      %cond3A_200 = arith.constant 0 : i32
      %cond3A_201 = arith.cmpi ne, %convert_element_type3A_199, %cond3A_200 : i32
      scf.if %cond3A_201 {
        %dma_start3A_382 = arith.constant 1 : i32
        %dma_start3A_383 = arith.constant 1 : i32
        %dma_start3A_384 = arith.constant 1 : i32
        %dma_start3A_385 = arith.constant 0 : i32
        %dma_start3A_386 = arith.constant 0 : i32
        %dma_start3A_387 = tpu.memref_slice %arg9[%dma_start3A_383, %dma_start3A_385, %dma_start3A_386] : memref<2x128x128xf32, #tpu.memory_space<vmem>> -> memref<1x128x128xf32, #tpu.memory_space<vmem>>
        %dma_start3A_388 = tpu.memref_squeeze %dma_start3A_387 : memref<1x128x128xf32, #tpu.memory_space<vmem>> -> memref<128x128xf32, #tpu.memory_space<vmem>>
        %dma_start3A_389 = arith.constant 0 : i32
        %dma_start3A_390 = tpu.memref_slice %arg7[%dma_start3A_382, %dma_start3A_389] : memref<4x128xi32, #tpu.memory_space<vmem>> -> memref<1x128xi32, #tpu.memory_space<vmem>>
        %dma_start3A_391 = tpu.memref_squeeze %dma_start3A_390 : memref<1x128xi32, #tpu.memory_space<vmem>> -> memref<128xi32, #tpu.memory_space<vmem>>
        %dma_start3A_392 = arith.constant 0 : i32
        %dma_start3A_393 = arith.constant 0 : i32
        %dma_start3A_394 = tpu.memref_slice %arg2[%dma_start3A_392, %dma_start3A_393] : memref<10000x128xf32, #tpu.memory_space<hbm>> -> memref<10000x128xf32, #tpu.memory_space<hbm>>
        %dma_start3A_395 = tpu.memref_slice %arg12[%dma_start3A_384] : memref<2x!tpu.dma_semaphore, #tpu.memory_space<semaphore_mem>> -> memref<1x!tpu.dma_semaphore, #tpu.memory_space<semaphore_mem>>
        %dma_start3A_396 = tpu.memref_squeeze %dma_start3A_395 : memref<1x!tpu.dma_semaphore, #tpu.memory_space<semaphore_mem>> -> memref<!tpu.dma_semaphore, #tpu.memory_space<semaphore_mem>>
        tpu.enqueue_indirect_dma source(%dma_start3A_394 : memref<10000x128xf32, #tpu.memory_space<hbm>>) target(%dma_start3A_388 : memref<128x128xf32, #tpu.memory_space<vmem>>) offsets(%dma_start3A_391 : memref<128xi32, #tpu.memory_space<vmem>>) semaphore(%dma_start3A_396 : memref<!tpu.dma_semaphore, #tpu.memory_space<semaphore_mem>>)
      } else {
      }
      %mul3A_202 = arith.constant 4 : i32
      %mul3A_203 = arith.muli %mul3A_202, %while3A_141 : i32
      %add3A_204 = arith.constant 1 : i32
      %add3A_205 = arith.addi %mul3A_203, %add3A_204 : i32
      %dma_wait3A_206 = arith.constant 1 : i32
      %dma_wait3A_207 = arith.constant 1 : i32
      %dma_wait3A_208 = arith.constant 1 : i32
      %dma_wait3A_209 = arith.constant 0 : i32
      %dma_wait3A_210 = arith.constant 0 : i32
      %dma_wait3A_211 = tpu.memref_slice %arg9[%dma_wait3A_207, %dma_wait3A_209, %dma_wait3A_210] : memref<2x128x128xf32, #tpu.memory_space<vmem>> -> memref<1x128x128xf32, #tpu.memory_space<vmem>>
      %dma_wait3A_212 = tpu.memref_squeeze %dma_wait3A_211 : memref<1x128x128xf32, #tpu.memory_space<vmem>> -> memref<128x128xf32, #tpu.memory_space<vmem>>
      %dma_wait3A_213 = arith.constant 0 : i32
      %dma_wait3A_214 = tpu.memref_slice %arg7[%dma_wait3A_206, %dma_wait3A_213] : memref<4x128xi32, #tpu.memory_space<vmem>> -> memref<1x128xi32, #tpu.memory_space<vmem>>
      %dma_wait3A_215 = tpu.memref_squeeze %dma_wait3A_214 : memref<1x128xi32, #tpu.memory_space<vmem>> -> memref<128xi32, #tpu.memory_space<vmem>>
      %dma_wait3A_216 = arith.constant 0 : i32
      %dma_wait3A_217 = arith.constant 0 : i32
      %dma_wait3A_218 = tpu.memref_slice %arg2[%dma_wait3A_216, %dma_wait3A_217] : memref<10000x128xf32, #tpu.memory_space<hbm>> -> memref<10000x128xf32, #tpu.memory_space<hbm>>
      %dma_wait3A_219 = tpu.memref_slice %arg12[%dma_wait3A_208] : memref<2x!tpu.dma_semaphore, #tpu.memory_space<semaphore_mem>> -> memref<1x!tpu.dma_semaphore, #tpu.memory_space<semaphore_mem>>
      %dma_wait3A_220 = tpu.memref_squeeze %dma_wait3A_219 : memref<1x!tpu.dma_semaphore, #tpu.memory_space<semaphore_mem>> -> memref<!tpu.dma_semaphore, #tpu.memory_space<semaphore_mem>>
      tpu.wait_indirect_dma semaphore(%dma_wait3A_220 : memref<!tpu.dma_semaphore, #tpu.memory_space<semaphore_mem>>) src(%dma_wait3A_218 : memref<10000x128xf32, #tpu.memory_space<hbm>>) dst(%dma_wait3A_212 : memref<128x128xf32, #tpu.memory_space<vmem>>)
      %dma_start3A_221 = arith.constant 1 : i32
      %dma_start3A_222 = arith.constant 1 : i32
      %dma_start3A_223 = arith.constant 0 : i32
      %dma_start3A_224 = arith.constant 0 : i32
      %dma_start3A_225 = tpu.memref_slice %arg9[%dma_start3A_221, %dma_start3A_223, %dma_start3A_224] : memref<2x128x128xf32, #tpu.memory_space<vmem>> -> memref<1x128x128xf32, #tpu.memory_space<vmem>>
      %dma_start3A_226 = tpu.memref_squeeze %dma_start3A_225 : memref<1x128x128xf32, #tpu.memory_space<vmem>> -> memref<128x128xf32, #tpu.memory_space<vmem>>
      %dma_start3A_227 = arith.constant 0 : i32
      %dma_start3A_228 = tpu.memref_slice %arg8[%add3A_205, %dma_start3A_227] : memref<80x128xi32, #tpu.memory_space<vmem>> -> memref<1x128xi32, #tpu.memory_space<vmem>>
      %dma_start3A_229 = tpu.memref_squeeze %dma_start3A_228 : memref<1x128xi32, #tpu.memory_space<vmem>> -> memref<128xi32, #tpu.memory_space<vmem>>
      %dma_start3A_230 = arith.constant 0 : i32
      %dma_start3A_231 = arith.constant 0 : i32
      %dma_start3A_232 = tpu.memref_slice %arg10[%dma_start3A_230, %dma_start3A_231] : memref<10240x128xf32, #tpu.memory_space<vmem_shared>> -> memref<10240x128xf32, #tpu.memory_space<vmem_shared>>
      %dma_start3A_233 = tpu.memref_slice %arg13[%dma_start3A_222] : memref<2x!tpu.dma_semaphore, #tpu.memory_space<semaphore_mem>> -> memref<1x!tpu.dma_semaphore, #tpu.memory_space<semaphore_mem>>
      %dma_start3A_234 = tpu.memref_squeeze %dma_start3A_233 : memref<1x!tpu.dma_semaphore, #tpu.memory_space<semaphore_mem>> -> memref<!tpu.dma_semaphore, #tpu.memory_space<semaphore_mem>>
      tpu.enqueue_indirect_dma source(%dma_start3A_226 : memref<128x128xf32, #tpu.memory_space<vmem>>) target(%dma_start3A_232 : memref<10240x128xf32, #tpu.memory_space<vmem_shared>>) offsets(%dma_start3A_229 : memref<128xi32, #tpu.memory_space<vmem>>) semaphore(%dma_start3A_234 : memref<!tpu.dma_semaphore, #tpu.memory_space<semaphore_mem>>) {add = true}
      %add3A_235 = arith.constant 2 : i32
      %add3A_236 = arith.addi %add3A_205, %add3A_235 : i32
      %lt3A_237 = arith.cmpi slt, %add3A_236, %select_n3A : i32
      %convert_element_type3A_238 = arith.extui %lt3A_237 : i1 to i32
      %cond3A_239 = arith.constant 0 : i32
      %cond3A_240 = arith.cmpi ne, %convert_element_type3A_238, %cond3A_239 : i32
      scf.if %cond3A_240 {
        %add3A_382 = arith.constant 2 : i32
        %add3A_383 = arith.addi %add3A_205, %add3A_382 : i32
        %add3A_384 = arith.addi %select_n3A_8, %add3A_383 : i32
        %lt3A_385 = arith.constant 2500 : i32
        %lt3A_386 = arith.cmpi slt, %add3A_384, %lt3A_385 : i32
        %convert_element_type3A_387 = arith.extui %lt3A_386 : i1 to i32
        %cond3A_388 = arith.constant 0 : i32
        %cond3A_389 = arith.cmpi ne, %convert_element_type3A_387, %cond3A_388 : i32
        scf.if %cond3A_389 {
          %mul3A_395 = arith.constant 128 : i32
          %mul3A_396 = arith.muli %add3A_384, %mul3A_395 : i32
          %dma_start3A_397 = arith.constant 3 : i32
          %dma_start3A_398 = arith.constant 3 : i32
          %dma_start3A_399 = arith.constant 0 : i32
          %dma_start3A_400 = tpu.memref_slice %arg7[%dma_start3A_397, %dma_start3A_399] : memref<4x128xi32, #tpu.memory_space<vmem>> -> memref<1x128xi32, #tpu.memory_space<vmem>>
          %dma_start3A_401 = tpu.memref_squeeze %dma_start3A_400 : memref<1x128xi32, #tpu.memory_space<vmem>> -> memref<128xi32, #tpu.memory_space<vmem>>
          %dma_start3A_402 = tpu.memref_slice %arg3[%mul3A_396] : memref<320000xi32, #tpu.memory_space<hbm>> -> memref<128xi32, #tpu.memory_space<hbm>>
          %dma_start3A_403 = tpu.memref_slice %arg11[%dma_start3A_398] : memref<4x!tpu.dma_semaphore, #tpu.memory_space<semaphore_mem>> -> memref<1x!tpu.dma_semaphore, #tpu.memory_space<semaphore_mem>>
          %dma_start3A_404 = tpu.memref_squeeze %dma_start3A_403 : memref<1x!tpu.dma_semaphore, #tpu.memory_space<semaphore_mem>> -> memref<!tpu.dma_semaphore, #tpu.memory_space<semaphore_mem>>
          %dma_start3A_405 = arith.constant 0 : i32
          %dma_start3A_406 = tpu.memref_slice %arg7[%dma_start3A_397, %dma_start3A_405] : memref<4x128xi32, #tpu.memory_space<vmem>> -> memref<1x128xi32, #tpu.memory_space<vmem>>
          %dma_start3A_407 = tpu.memref_squeeze %dma_start3A_406 : memref<1x128xi32, #tpu.memory_space<vmem>> -> memref<128xi32, #tpu.memory_space<vmem>>
          %dma_start3A_408 = tpu.memref_slice %arg3[%mul3A_396] : memref<320000xi32, #tpu.memory_space<hbm>> -> memref<128xi32, #tpu.memory_space<hbm>>
          tpu.enqueue_dma source(%dma_start3A_408 : memref<128xi32, #tpu.memory_space<hbm>>) target(%dma_start3A_407 : memref<128xi32, #tpu.memory_space<vmem>>) target_semaphore(%dma_start3A_404 : memref<!tpu.dma_semaphore, #tpu.memory_space<semaphore_mem>>)
        } else {
        }
        %ge3A_390 = arith.constant 2500 : i32
        %ge3A_391 = arith.cmpi sge, %add3A_384, %ge3A_390 : i32
        %convert_element_type3A_392 = arith.extui %ge3A_391 : i1 to i32
        %cond3A_393 = arith.constant 0 : i32
        %cond3A_394 = arith.cmpi ne, %convert_element_type3A_392, %cond3A_393 : i32
        scf.if %cond3A_394 {
          %sub3A_395 = arith.constant 2500 : i32
          %sub3A_396 = arith.subi %add3A_384, %sub3A_395 : i32
          %mul3A_397 = arith.constant 128 : i32
          %mul3A_398 = arith.muli %sub3A_396, %mul3A_397 : i32
          %dma_start3A_399 = arith.constant 3 : i32
          %dma_start3A_400 = arith.constant 3 : i32
          %dma_start3A_401 = arith.constant 0 : i32
          %dma_start3A_402 = tpu.memref_slice %arg7[%dma_start3A_399, %dma_start3A_401] : memref<4x128xi32, #tpu.memory_space<vmem>> -> memref<1x128xi32, #tpu.memory_space<vmem>>
          %dma_start3A_403 = tpu.memref_squeeze %dma_start3A_402 : memref<1x128xi32, #tpu.memory_space<vmem>> -> memref<128xi32, #tpu.memory_space<vmem>>
          %dma_start3A_404 = tpu.memref_slice %arg4[%mul3A_398] : memref<7680xi32, #tpu.memory_space<hbm>> -> memref<128xi32, #tpu.memory_space<hbm>>
          %dma_start3A_405 = tpu.memref_slice %arg11[%dma_start3A_400] : memref<4x!tpu.dma_semaphore, #tpu.memory_space<semaphore_mem>> -> memref<1x!tpu.dma_semaphore, #tpu.memory_space<semaphore_mem>>
          %dma_start3A_406 = tpu.memref_squeeze %dma_start3A_405 : memref<1x!tpu.dma_semaphore, #tpu.memory_space<semaphore_mem>> -> memref<!tpu.dma_semaphore, #tpu.memory_space<semaphore_mem>>
          %dma_start3A_407 = arith.constant 0 : i32
          %dma_start3A_408 = tpu.memref_slice %arg7[%dma_start3A_399, %dma_start3A_407] : memref<4x128xi32, #tpu.memory_space<vmem>> -> memref<1x128xi32, #tpu.memory_space<vmem>>
          %dma_start3A_409 = tpu.memref_squeeze %dma_start3A_408 : memref<1x128xi32, #tpu.memory_space<vmem>> -> memref<128xi32, #tpu.memory_space<vmem>>
          %dma_start3A_410 = tpu.memref_slice %arg4[%mul3A_398] : memref<7680xi32, #tpu.memory_space<hbm>> -> memref<128xi32, #tpu.memory_space<hbm>>
          tpu.enqueue_dma source(%dma_start3A_410 : memref<128xi32, #tpu.memory_space<hbm>>) target(%dma_start3A_409 : memref<128xi32, #tpu.memory_space<vmem>>) target_semaphore(%dma_start3A_406 : memref<!tpu.dma_semaphore, #tpu.memory_space<semaphore_mem>>)
        } else {
        }
      } else {
      }
      %add3A_241 = arith.constant 1 : i32
      %add3A_242 = arith.addi %add3A_205, %add3A_241 : i32
      %lt3A_243 = arith.cmpi slt, %add3A_242, %select_n3A : i32
      %convert_element_type3A_244 = arith.extui %lt3A_243 : i1 to i32
      %cond3A_245 = arith.constant 0 : i32
      %cond3A_246 = arith.cmpi ne, %convert_element_type3A_244, %cond3A_245 : i32
      scf.if %cond3A_246 {
        %dma_wait3A_382 = arith.constant 2 : i32
        %dma_wait3A_383 = arith.constant 2 : i32
        %dma_wait3A_384 = arith.constant 0 : i32
        %dma_wait3A_385 = tpu.memref_slice %arg7[%dma_wait3A_382, %dma_wait3A_384] : memref<4x128xi32, #tpu.memory_space<vmem>> -> memref<1x128xi32, #tpu.memory_space<vmem>>
        %dma_wait3A_386 = tpu.memref_squeeze %dma_wait3A_385 : memref<1x128xi32, #tpu.memory_space<vmem>> -> memref<128xi32, #tpu.memory_space<vmem>>
        %dma_wait3A_387 = arith.constant 0 : i32
        %dma_wait3A_388 = tpu.memref_slice %arg3[%dma_wait3A_387] : memref<320000xi32, #tpu.memory_space<hbm>> -> memref<128xi32, #tpu.memory_space<hbm>>
        %dma_wait3A_389 = tpu.memref_slice %arg11[%dma_wait3A_383] : memref<4x!tpu.dma_semaphore, #tpu.memory_space<semaphore_mem>> -> memref<1x!tpu.dma_semaphore, #tpu.memory_space<semaphore_mem>>
        %dma_wait3A_390 = tpu.memref_squeeze %dma_wait3A_389 : memref<1x!tpu.dma_semaphore, #tpu.memory_space<semaphore_mem>> -> memref<!tpu.dma_semaphore, #tpu.memory_space<semaphore_mem>>
        %dma_wait3A_391 = arith.constant 0 : i32
        %dma_wait3A_392 = tpu.memref_slice %arg7[%dma_wait3A_382, %dma_wait3A_391] : memref<4x128xi32, #tpu.memory_space<vmem>> -> memref<1x128xi32, #tpu.memory_space<vmem>>
        %dma_wait3A_393 = tpu.memref_squeeze %dma_wait3A_392 : memref<1x128xi32, #tpu.memory_space<vmem>> -> memref<128xi32, #tpu.memory_space<vmem>>
        %dma_wait3A_394 = arith.constant 0 : i32
        %dma_wait3A_395 = tpu.memref_slice %arg3[%dma_wait3A_394] : memref<320000xi32, #tpu.memory_space<hbm>> -> memref<128xi32, #tpu.memory_space<hbm>>
        tpu.wait_dma2 semaphore(%dma_wait3A_390 : memref<!tpu.dma_semaphore, #tpu.memory_space<semaphore_mem>>) src(%dma_wait3A_395 : memref<128xi32, #tpu.memory_space<hbm>>) dst(%dma_wait3A_393 : memref<128xi32, #tpu.memory_space<vmem>>)
      } else {
      }
      %add3A_247 = arith.constant 1 : i32
      %add3A_248 = arith.addi %add3A_205, %add3A_247 : i32
      %lt3A_249 = arith.cmpi slt, %add3A_248, %select_n3A : i32
      %ge3A_250 = arith.constant 1 : i32
      %ge3A_251 = arith.cmpi sge, %add3A_205, %ge3A_250 : i32
      %and3A_252 = arith.andi %lt3A_249, %ge3A_251 : i1
      %convert_element_type3A_253 = arith.extui %and3A_252 : i1 to i32
      %cond3A_254 = arith.constant 0 : i32
      %cond3A_255 = arith.cmpi ne, %convert_element_type3A_253, %cond3A_254 : i32
      scf.if %cond3A_255 {
        %sub3A_382 = arith.constant 1 : i32
        %sub3A_383 = arith.subi %add3A_205, %sub3A_382 : i32
        %dma_wait3A_384 = arith.constant 0 : i32
        %dma_wait3A_385 = arith.constant 0 : i32
        %dma_wait3A_386 = arith.constant 0 : i32
        %dma_wait3A_387 = arith.constant 0 : i32
        %dma_wait3A_388 = tpu.memref_slice %arg9[%dma_wait3A_384, %dma_wait3A_386, %dma_wait3A_387] : memref<2x128x128xf32, #tpu.memory_space<vmem>> -> memref<1x128x128xf32, #tpu.memory_space<vmem>>
        %dma_wait3A_389 = tpu.memref_squeeze %dma_wait3A_388 : memref<1x128x128xf32, #tpu.memory_space<vmem>> -> memref<128x128xf32, #tpu.memory_space<vmem>>
        %dma_wait3A_390 = arith.constant 0 : i32
        %dma_wait3A_391 = tpu.memref_slice %arg8[%sub3A_383, %dma_wait3A_390] : memref<80x128xi32, #tpu.memory_space<vmem>> -> memref<1x128xi32, #tpu.memory_space<vmem>>
        %dma_wait3A_392 = tpu.memref_squeeze %dma_wait3A_391 : memref<1x128xi32, #tpu.memory_space<vmem>> -> memref<128xi32, #tpu.memory_space<vmem>>
        %dma_wait3A_393 = arith.constant 0 : i32
        %dma_wait3A_394 = arith.constant 0 : i32
        %dma_wait3A_395 = tpu.memref_slice %arg10[%dma_wait3A_393, %dma_wait3A_394] : memref<10240x128xf32, #tpu.memory_space<vmem_shared>> -> memref<10240x128xf32, #tpu.memory_space<vmem_shared>>
        %dma_wait3A_396 = tpu.memref_slice %arg13[%dma_wait3A_385] : memref<2x!tpu.dma_semaphore, #tpu.memory_space<semaphore_mem>> -> memref<1x!tpu.dma_semaphore, #tpu.memory_space<semaphore_mem>>
        %dma_wait3A_397 = tpu.memref_squeeze %dma_wait3A_396 : memref<1x!tpu.dma_semaphore, #tpu.memory_space<semaphore_mem>> -> memref<!tpu.dma_semaphore, #tpu.memory_space<semaphore_mem>>
        tpu.wait_indirect_dma semaphore(%dma_wait3A_397 : memref<!tpu.dma_semaphore, #tpu.memory_space<semaphore_mem>>) src(%dma_wait3A_389 : memref<128x128xf32, #tpu.memory_space<vmem>>) dst(%dma_wait3A_395 : memref<10240x128xf32, #tpu.memory_space<vmem_shared>>)
      } else {
      }
      %add3A_256 = arith.constant 1 : i32
      %add3A_257 = arith.addi %add3A_205, %add3A_256 : i32
      %lt3A_258 = arith.cmpi slt, %add3A_257, %select_n3A : i32
      %convert_element_type3A_259 = arith.extui %lt3A_258 : i1 to i32
      %cond3A_260 = arith.constant 0 : i32
      %cond3A_261 = arith.cmpi ne, %convert_element_type3A_259, %cond3A_260 : i32
      scf.if %cond3A_261 {
        %dma_start3A_382 = arith.constant 2 : i32
        %dma_start3A_383 = arith.constant 0 : i32
        %dma_start3A_384 = arith.constant 0 : i32
        %dma_start3A_385 = arith.constant 0 : i32
        %dma_start3A_386 = arith.constant 0 : i32
        %dma_start3A_387 = tpu.memref_slice %arg9[%dma_start3A_383, %dma_start3A_385, %dma_start3A_386] : memref<2x128x128xf32, #tpu.memory_space<vmem>> -> memref<1x128x128xf32, #tpu.memory_space<vmem>>
        %dma_start3A_388 = tpu.memref_squeeze %dma_start3A_387 : memref<1x128x128xf32, #tpu.memory_space<vmem>> -> memref<128x128xf32, #tpu.memory_space<vmem>>
        %dma_start3A_389 = arith.constant 0 : i32
        %dma_start3A_390 = tpu.memref_slice %arg7[%dma_start3A_382, %dma_start3A_389] : memref<4x128xi32, #tpu.memory_space<vmem>> -> memref<1x128xi32, #tpu.memory_space<vmem>>
        %dma_start3A_391 = tpu.memref_squeeze %dma_start3A_390 : memref<1x128xi32, #tpu.memory_space<vmem>> -> memref<128xi32, #tpu.memory_space<vmem>>
        %dma_start3A_392 = arith.constant 0 : i32
        %dma_start3A_393 = arith.constant 0 : i32
        %dma_start3A_394 = tpu.memref_slice %arg2[%dma_start3A_392, %dma_start3A_393] : memref<10000x128xf32, #tpu.memory_space<hbm>> -> memref<10000x128xf32, #tpu.memory_space<hbm>>
        %dma_start3A_395 = tpu.memref_slice %arg12[%dma_start3A_384] : memref<2x!tpu.dma_semaphore, #tpu.memory_space<semaphore_mem>> -> memref<1x!tpu.dma_semaphore, #tpu.memory_space<semaphore_mem>>
        %dma_start3A_396 = tpu.memref_squeeze %dma_start3A_395 : memref<1x!tpu.dma_semaphore, #tpu.memory_space<semaphore_mem>> -> memref<!tpu.dma_semaphore, #tpu.memory_space<semaphore_mem>>
        tpu.enqueue_indirect_dma source(%dma_start3A_394 : memref<10000x128xf32, #tpu.memory_space<hbm>>) target(%dma_start3A_388 : memref<128x128xf32, #tpu.memory_space<vmem>>) offsets(%dma_start3A_391 : memref<128xi32, #tpu.memory_space<vmem>>) semaphore(%dma_start3A_396 : memref<!tpu.dma_semaphore, #tpu.memory_space<semaphore_mem>>)
      } else {
      }
      %mul3A_262 = arith.constant 4 : i32
      %mul3A_263 = arith.muli %mul3A_262, %while3A_141 : i32
      %add3A_264 = arith.constant 2 : i32
      %add3A_265 = arith.addi %mul3A_263, %add3A_264 : i32
      %dma_wait3A_266 = arith.constant 2 : i32
      %dma_wait3A_267 = arith.constant 0 : i32
      %dma_wait3A_268 = arith.constant 0 : i32
      %dma_wait3A_269 = arith.constant 0 : i32
      %dma_wait3A_270 = arith.constant 0 : i32
      %dma_wait3A_271 = tpu.memref_slice %arg9[%dma_wait3A_267, %dma_wait3A_269, %dma_wait3A_270] : memref<2x128x128xf32, #tpu.memory_space<vmem>> -> memref<1x128x128xf32, #tpu.memory_space<vmem>>
      %dma_wait3A_272 = tpu.memref_squeeze %dma_wait3A_271 : memref<1x128x128xf32, #tpu.memory_space<vmem>> -> memref<128x128xf32, #tpu.memory_space<vmem>>
      %dma_wait3A_273 = arith.constant 0 : i32
      %dma_wait3A_274 = tpu.memref_slice %arg7[%dma_wait3A_266, %dma_wait3A_273] : memref<4x128xi32, #tpu.memory_space<vmem>> -> memref<1x128xi32, #tpu.memory_space<vmem>>
      %dma_wait3A_275 = tpu.memref_squeeze %dma_wait3A_274 : memref<1x128xi32, #tpu.memory_space<vmem>> -> memref<128xi32, #tpu.memory_space<vmem>>
      %dma_wait3A_276 = arith.constant 0 : i32
      %dma_wait3A_277 = arith.constant 0 : i32
      %dma_wait3A_278 = tpu.memref_slice %arg2[%dma_wait3A_276, %dma_wait3A_277] : memref<10000x128xf32, #tpu.memory_space<hbm>> -> memref<10000x128xf32, #tpu.memory_space<hbm>>
      %dma_wait3A_279 = tpu.memref_slice %arg12[%dma_wait3A_268] : memref<2x!tpu.dma_semaphore, #tpu.memory_space<semaphore_mem>> -> memref<1x!tpu.dma_semaphore, #tpu.memory_space<semaphore_mem>>
      %dma_wait3A_280 = tpu.memref_squeeze %dma_wait3A_279 : memref<1x!tpu.dma_semaphore, #tpu.memory_space<semaphore_mem>> -> memref<!tpu.dma_semaphore, #tpu.memory_space<semaphore_mem>>
      tpu.wait_indirect_dma semaphore(%dma_wait3A_280 : memref<!tpu.dma_semaphore, #tpu.memory_space<semaphore_mem>>) src(%dma_wait3A_278 : memref<10000x128xf32, #tpu.memory_space<hbm>>) dst(%dma_wait3A_272 : memref<128x128xf32, #tpu.memory_space<vmem>>)
      %dma_start3A_281 = arith.constant 0 : i32
      %dma_start3A_282 = arith.constant 0 : i32
      %dma_start3A_283 = arith.constant 0 : i32
      %dma_start3A_284 = arith.constant 0 : i32
      %dma_start3A_285 = tpu.memref_slice %arg9[%dma_start3A_281, %dma_start3A_283, %dma_start3A_284] : memref<2x128x128xf32, #tpu.memory_space<vmem>> -> memref<1x128x128xf32, #tpu.memory_space<vmem>>
      %dma_start3A_286 = tpu.memref_squeeze %dma_start3A_285 : memref<1x128x128xf32, #tpu.memory_space<vmem>> -> memref<128x128xf32, #tpu.memory_space<vmem>>
      %dma_start3A_287 = arith.constant 0 : i32
      %dma_start3A_288 = tpu.memref_slice %arg8[%add3A_265, %dma_start3A_287] : memref<80x128xi32, #tpu.memory_space<vmem>> -> memref<1x128xi32, #tpu.memory_space<vmem>>
      %dma_start3A_289 = tpu.memref_squeeze %dma_start3A_288 : memref<1x128xi32, #tpu.memory_space<vmem>> -> memref<128xi32, #tpu.memory_space<vmem>>
      %dma_start3A_290 = arith.constant 0 : i32
      %dma_start3A_291 = arith.constant 0 : i32
      %dma_start3A_292 = tpu.memref_slice %arg10[%dma_start3A_290, %dma_start3A_291] : memref<10240x128xf32, #tpu.memory_space<vmem_shared>> -> memref<10240x128xf32, #tpu.memory_space<vmem_shared>>
      %dma_start3A_293 = tpu.memref_slice %arg13[%dma_start3A_282] : memref<2x!tpu.dma_semaphore, #tpu.memory_space<semaphore_mem>> -> memref<1x!tpu.dma_semaphore, #tpu.memory_space<semaphore_mem>>
      %dma_start3A_294 = tpu.memref_squeeze %dma_start3A_293 : memref<1x!tpu.dma_semaphore, #tpu.memory_space<semaphore_mem>> -> memref<!tpu.dma_semaphore, #tpu.memory_space<semaphore_mem>>
      tpu.enqueue_indirect_dma source(%dma_start3A_286 : memref<128x128xf32, #tpu.memory_space<vmem>>) target(%dma_start3A_292 : memref<10240x128xf32, #tpu.memory_space<vmem_shared>>) offsets(%dma_start3A_289 : memref<128xi32, #tpu.memory_space<vmem>>) semaphore(%dma_start3A_294 : memref<!tpu.dma_semaphore, #tpu.memory_space<semaphore_mem>>) {add = true}
      %add3A_295 = arith.constant 2 : i32
      %add3A_296 = arith.addi %add3A_265, %add3A_295 : i32
      %lt3A_297 = arith.cmpi slt, %add3A_296, %select_n3A : i32
      %convert_element_type3A_298 = arith.extui %lt3A_297 : i1 to i32
      %cond3A_299 = arith.constant 0 : i32
      %cond3A_300 = arith.cmpi ne, %convert_element_type3A_298, %cond3A_299 : i32
      scf.if %cond3A_300 {
        %add3A_382 = arith.constant 2 : i32
        %add3A_383 = arith.addi %add3A_265, %add3A_382 : i32
        %add3A_384 = arith.addi %select_n3A_8, %add3A_383 : i32
        %lt3A_385 = arith.constant 2500 : i32
        %lt3A_386 = arith.cmpi slt, %add3A_384, %lt3A_385 : i32
        %convert_element_type3A_387 = arith.extui %lt3A_386 : i1 to i32
        %cond3A_388 = arith.constant 0 : i32
        %cond3A_389 = arith.cmpi ne, %convert_element_type3A_387, %cond3A_388 : i32
        scf.if %cond3A_389 {
          %mul3A_395 = arith.constant 128 : i32
          %mul3A_396 = arith.muli %add3A_384, %mul3A_395 : i32
          %dma_start3A_397 = arith.constant 0 : i32
          %dma_start3A_398 = arith.constant 0 : i32
          %dma_start3A_399 = arith.constant 0 : i32
          %dma_start3A_400 = tpu.memref_slice %arg7[%dma_start3A_397, %dma_start3A_399] : memref<4x128xi32, #tpu.memory_space<vmem>> -> memref<1x128xi32, #tpu.memory_space<vmem>>
          %dma_start3A_401 = tpu.memref_squeeze %dma_start3A_400 : memref<1x128xi32, #tpu.memory_space<vmem>> -> memref<128xi32, #tpu.memory_space<vmem>>
          %dma_start3A_402 = tpu.memref_slice %arg3[%mul3A_396] : memref<320000xi32, #tpu.memory_space<hbm>> -> memref<128xi32, #tpu.memory_space<hbm>>
          %dma_start3A_403 = tpu.memref_slice %arg11[%dma_start3A_398] : memref<4x!tpu.dma_semaphore, #tpu.memory_space<semaphore_mem>> -> memref<1x!tpu.dma_semaphore, #tpu.memory_space<semaphore_mem>>
          %dma_start3A_404 = tpu.memref_squeeze %dma_start3A_403 : memref<1x!tpu.dma_semaphore, #tpu.memory_space<semaphore_mem>> -> memref<!tpu.dma_semaphore, #tpu.memory_space<semaphore_mem>>
          %dma_start3A_405 = arith.constant 0 : i32
          %dma_start3A_406 = tpu.memref_slice %arg7[%dma_start3A_397, %dma_start3A_405] : memref<4x128xi32, #tpu.memory_space<vmem>> -> memref<1x128xi32, #tpu.memory_space<vmem>>
          %dma_start3A_407 = tpu.memref_squeeze %dma_start3A_406 : memref<1x128xi32, #tpu.memory_space<vmem>> -> memref<128xi32, #tpu.memory_space<vmem>>
          %dma_start3A_408 = tpu.memref_slice %arg3[%mul3A_396] : memref<320000xi32, #tpu.memory_space<hbm>> -> memref<128xi32, #tpu.memory_space<hbm>>
          tpu.enqueue_dma source(%dma_start3A_408 : memref<128xi32, #tpu.memory_space<hbm>>) target(%dma_start3A_407 : memref<128xi32, #tpu.memory_space<vmem>>) target_semaphore(%dma_start3A_404 : memref<!tpu.dma_semaphore, #tpu.memory_space<semaphore_mem>>)
        } else {
        }
        %ge3A_390 = arith.constant 2500 : i32
        %ge3A_391 = arith.cmpi sge, %add3A_384, %ge3A_390 : i32
        %convert_element_type3A_392 = arith.extui %ge3A_391 : i1 to i32
        %cond3A_393 = arith.constant 0 : i32
        %cond3A_394 = arith.cmpi ne, %convert_element_type3A_392, %cond3A_393 : i32
        scf.if %cond3A_394 {
          %sub3A_395 = arith.constant 2500 : i32
          %sub3A_396 = arith.subi %add3A_384, %sub3A_395 : i32
          %mul3A_397 = arith.constant 128 : i32
          %mul3A_398 = arith.muli %sub3A_396, %mul3A_397 : i32
          %dma_start3A_399 = arith.constant 0 : i32
          %dma_start3A_400 = arith.constant 0 : i32
          %dma_start3A_401 = arith.constant 0 : i32
          %dma_start3A_402 = tpu.memref_slice %arg7[%dma_start3A_399, %dma_start3A_401] : memref<4x128xi32, #tpu.memory_space<vmem>> -> memref<1x128xi32, #tpu.memory_space<vmem>>
          %dma_start3A_403 = tpu.memref_squeeze %dma_start3A_402 : memref<1x128xi32, #tpu.memory_space<vmem>> -> memref<128xi32, #tpu.memory_space<vmem>>
          %dma_start3A_404 = tpu.memref_slice %arg4[%mul3A_398] : memref<7680xi32, #tpu.memory_space<hbm>> -> memref<128xi32, #tpu.memory_space<hbm>>
          %dma_start3A_405 = tpu.memref_slice %arg11[%dma_start3A_400] : memref<4x!tpu.dma_semaphore, #tpu.memory_space<semaphore_mem>> -> memref<1x!tpu.dma_semaphore, #tpu.memory_space<semaphore_mem>>
          %dma_start3A_406 = tpu.memref_squeeze %dma_start3A_405 : memref<1x!tpu.dma_semaphore, #tpu.memory_space<semaphore_mem>> -> memref<!tpu.dma_semaphore, #tpu.memory_space<semaphore_mem>>
          %dma_start3A_407 = arith.constant 0 : i32
          %dma_start3A_408 = tpu.memref_slice %arg7[%dma_start3A_399, %dma_start3A_407] : memref<4x128xi32, #tpu.memory_space<vmem>> -> memref<1x128xi32, #tpu.memory_space<vmem>>
          %dma_start3A_409 = tpu.memref_squeeze %dma_start3A_408 : memref<1x128xi32, #tpu.memory_space<vmem>> -> memref<128xi32, #tpu.memory_space<vmem>>
          %dma_start3A_410 = tpu.memref_slice %arg4[%mul3A_398] : memref<7680xi32, #tpu.memory_space<hbm>> -> memref<128xi32, #tpu.memory_space<hbm>>
          tpu.enqueue_dma source(%dma_start3A_410 : memref<128xi32, #tpu.memory_space<hbm>>) target(%dma_start3A_409 : memref<128xi32, #tpu.memory_space<vmem>>) target_semaphore(%dma_start3A_406 : memref<!tpu.dma_semaphore, #tpu.memory_space<semaphore_mem>>)
        } else {
        }
      } else {
      }
      %add3A_301 = arith.constant 1 : i32
      %add3A_302 = arith.addi %add3A_265, %add3A_301 : i32
      %lt3A_303 = arith.cmpi slt, %add3A_302, %select_n3A : i32
      %convert_element_type3A_304 = arith.extui %lt3A_303 : i1 to i32
      %cond3A_305 = arith.constant 0 : i32
      %cond3A_306 = arith.cmpi ne, %convert_element_type3A_304, %cond3A_305 : i32
      scf.if %cond3A_306 {
        %dma_wait3A_382 = arith.constant 3 : i32
        %dma_wait3A_383 = arith.constant 3 : i32
        %dma_wait3A_384 = arith.constant 0 : i32
        %dma_wait3A_385 = tpu.memref_slice %arg7[%dma_wait3A_382, %dma_wait3A_384] : memref<4x128xi32, #tpu.memory_space<vmem>> -> memref<1x128xi32, #tpu.memory_space<vmem>>
        %dma_wait3A_386 = tpu.memref_squeeze %dma_wait3A_385 : memref<1x128xi32, #tpu.memory_space<vmem>> -> memref<128xi32, #tpu.memory_space<vmem>>
        %dma_wait3A_387 = arith.constant 0 : i32
        %dma_wait3A_388 = tpu.memref_slice %arg3[%dma_wait3A_387] : memref<320000xi32, #tpu.memory_space<hbm>> -> memref<128xi32, #tpu.memory_space<hbm>>
        %dma_wait3A_389 = tpu.memref_slice %arg11[%dma_wait3A_383] : memref<4x!tpu.dma_semaphore, #tpu.memory_space<semaphore_mem>> -> memref<1x!tpu.dma_semaphore, #tpu.memory_space<semaphore_mem>>
        %dma_wait3A_390 = tpu.memref_squeeze %dma_wait3A_389 : memref<1x!tpu.dma_semaphore, #tpu.memory_space<semaphore_mem>> -> memref<!tpu.dma_semaphore, #tpu.memory_space<semaphore_mem>>
        %dma_wait3A_391 = arith.constant 0 : i32
        %dma_wait3A_392 = tpu.memref_slice %arg7[%dma_wait3A_382, %dma_wait3A_391] : memref<4x128xi32, #tpu.memory_space<vmem>> -> memref<1x128xi32, #tpu.memory_space<vmem>>
        %dma_wait3A_393 = tpu.memref_squeeze %dma_wait3A_392 : memref<1x128xi32, #tpu.memory_space<vmem>> -> memref<128xi32, #tpu.memory_space<vmem>>
        %dma_wait3A_394 = arith.constant 0 : i32
        %dma_wait3A_395 = tpu.memref_slice %arg3[%dma_wait3A_394] : memref<320000xi32, #tpu.memory_space<hbm>> -> memref<128xi32, #tpu.memory_space<hbm>>
        tpu.wait_dma2 semaphore(%dma_wait3A_390 : memref<!tpu.dma_semaphore, #tpu.memory_space<semaphore_mem>>) src(%dma_wait3A_395 : memref<128xi32, #tpu.memory_space<hbm>>) dst(%dma_wait3A_393 : memref<128xi32, #tpu.memory_space<vmem>>)
      } else {
      }
      %add3A_307 = arith.constant 1 : i32
      %add3A_308 = arith.addi %add3A_265, %add3A_307 : i32
      %lt3A_309 = arith.cmpi slt, %add3A_308, %select_n3A : i32
      %ge3A_310 = arith.constant 1 : i32
      %ge3A_311 = arith.cmpi sge, %add3A_265, %ge3A_310 : i32
      %and3A_312 = arith.andi %lt3A_309, %ge3A_311 : i1
      %convert_element_type3A_313 = arith.extui %and3A_312 : i1 to i32
      %cond3A_314 = arith.constant 0 : i32
      %cond3A_315 = arith.cmpi ne, %convert_element_type3A_313, %cond3A_314 : i32
      scf.if %cond3A_315 {
        %sub3A_382 = arith.constant 1 : i32
        %sub3A_383 = arith.subi %add3A_265, %sub3A_382 : i32
        %dma_wait3A_384 = arith.constant 1 : i32
        %dma_wait3A_385 = arith.constant 1 : i32
        %dma_wait3A_386 = arith.constant 0 : i32
        %dma_wait3A_387 = arith.constant 0 : i32
        %dma_wait3A_388 = tpu.memref_slice %arg9[%dma_wait3A_384, %dma_wait3A_386, %dma_wait3A_387] : memref<2x128x128xf32, #tpu.memory_space<vmem>> -> memref<1x128x128xf32, #tpu.memory_space<vmem>>
        %dma_wait3A_389 = tpu.memref_squeeze %dma_wait3A_388 : memref<1x128x128xf32, #tpu.memory_space<vmem>> -> memref<128x128xf32, #tpu.memory_space<vmem>>
        %dma_wait3A_390 = arith.constant 0 : i32
        %dma_wait3A_391 = tpu.memref_slice %arg8[%sub3A_383, %dma_wait3A_390] : memref<80x128xi32, #tpu.memory_space<vmem>> -> memref<1x128xi32, #tpu.memory_space<vmem>>
        %dma_wait3A_392 = tpu.memref_squeeze %dma_wait3A_391 : memref<1x128xi32, #tpu.memory_space<vmem>> -> memref<128xi32, #tpu.memory_space<vmem>>
        %dma_wait3A_393 = arith.constant 0 : i32
        %dma_wait3A_394 = arith.constant 0 : i32
        %dma_wait3A_395 = tpu.memref_slice %arg10[%dma_wait3A_393, %dma_wait3A_394] : memref<10240x128xf32, #tpu.memory_space<vmem_shared>> -> memref<10240x128xf32, #tpu.memory_space<vmem_shared>>
        %dma_wait3A_396 = tpu.memref_slice %arg13[%dma_wait3A_385] : memref<2x!tpu.dma_semaphore, #tpu.memory_space<semaphore_mem>> -> memref<1x!tpu.dma_semaphore, #tpu.memory_space<semaphore_mem>>
        %dma_wait3A_397 = tpu.memref_squeeze %dma_wait3A_396 : memref<1x!tpu.dma_semaphore, #tpu.memory_space<semaphore_mem>> -> memref<!tpu.dma_semaphore, #tpu.memory_space<semaphore_mem>>
        tpu.wait_indirect_dma semaphore(%dma_wait3A_397 : memref<!tpu.dma_semaphore, #tpu.memory_space<semaphore_mem>>) src(%dma_wait3A_389 : memref<128x128xf32, #tpu.memory_space<vmem>>) dst(%dma_wait3A_395 : memref<10240x128xf32, #tpu.memory_space<vmem_shared>>)
      } else {
      }
      %add3A_316 = arith.constant 1 : i32
      %add3A_317 = arith.addi %add3A_265, %add3A_316 : i32
      %lt3A_318 = arith.cmpi slt, %add3A_317, %select_n3A : i32
      %convert_element_type3A_319 = arith.extui %lt3A_318 : i1 to i32
      %cond3A_320 = arith.constant 0 : i32
      %cond3A_321 = arith.cmpi ne, %convert_element_type3A_319, %cond3A_320 : i32
      scf.if %cond3A_321 {
        %dma_start3A_382 = arith.constant 3 : i32
        %dma_start3A_383 = arith.constant 1 : i32
        %dma_start3A_384 = arith.constant 1 : i32
        %dma_start3A_385 = arith.constant 0 : i32
        %dma_start3A_386 = arith.constant 0 : i32
        %dma_start3A_387 = tpu.memref_slice %arg9[%dma_start3A_383, %dma_start3A_385, %dma_start3A_386] : memref<2x128x128xf32, #tpu.memory_space<vmem>> -> memref<1x128x128xf32, #tpu.memory_space<vmem>>
        %dma_start3A_388 = tpu.memref_squeeze %dma_start3A_387 : memref<1x128x128xf32, #tpu.memory_space<vmem>> -> memref<128x128xf32, #tpu.memory_space<vmem>>
        %dma_start3A_389 = arith.constant 0 : i32
        %dma_start3A_390 = tpu.memref_slice %arg7[%dma_start3A_382, %dma_start3A_389] : memref<4x128xi32, #tpu.memory_space<vmem>> -> memref<1x128xi32, #tpu.memory_space<vmem>>
        %dma_start3A_391 = tpu.memref_squeeze %dma_start3A_390 : memref<1x128xi32, #tpu.memory_space<vmem>> -> memref<128xi32, #tpu.memory_space<vmem>>
        %dma_start3A_392 = arith.constant 0 : i32
        %dma_start3A_393 = arith.constant 0 : i32
        %dma_start3A_394 = tpu.memref_slice %arg2[%dma_start3A_392, %dma_start3A_393] : memref<10000x128xf32, #tpu.memory_space<hbm>> -> memref<10000x128xf32, #tpu.memory_space<hbm>>
        %dma_start3A_395 = tpu.memref_slice %arg12[%dma_start3A_384] : memref<2x!tpu.dma_semaphore, #tpu.memory_space<semaphore_mem>> -> memref<1x!tpu.dma_semaphore, #tpu.memory_space<semaphore_mem>>
        %dma_start3A_396 = tpu.memref_squeeze %dma_start3A_395 : memref<1x!tpu.dma_semaphore, #tpu.memory_space<semaphore_mem>> -> memref<!tpu.dma_semaphore, #tpu.memory_space<semaphore_mem>>
        tpu.enqueue_indirect_dma source(%dma_start3A_394 : memref<10000x128xf32, #tpu.memory_space<hbm>>) target(%dma_start3A_388 : memref<128x128xf32, #tpu.memory_space<vmem>>) offsets(%dma_start3A_391 : memref<128xi32, #tpu.memory_space<vmem>>) semaphore(%dma_start3A_396 : memref<!tpu.dma_semaphore, #tpu.memory_space<semaphore_mem>>)
      } else {
      }
      %mul3A_322 = arith.constant 4 : i32
      %mul3A_323 = arith.muli %mul3A_322, %while3A_141 : i32
      %add3A_324 = arith.constant 3 : i32
      %add3A_325 = arith.addi %mul3A_323, %add3A_324 : i32
      %dma_wait3A_326 = arith.constant 3 : i32
      %dma_wait3A_327 = arith.constant 1 : i32
      %dma_wait3A_328 = arith.constant 1 : i32
      %dma_wait3A_329 = arith.constant 0 : i32
      %dma_wait3A_330 = arith.constant 0 : i32
      %dma_wait3A_331 = tpu.memref_slice %arg9[%dma_wait3A_327, %dma_wait3A_329, %dma_wait3A_330] : memref<2x128x128xf32, #tpu.memory_space<vmem>> -> memref<1x128x128xf32, #tpu.memory_space<vmem>>
      %dma_wait3A_332 = tpu.memref_squeeze %dma_wait3A_331 : memref<1x128x128xf32, #tpu.memory_space<vmem>> -> memref<128x128xf32, #tpu.memory_space<vmem>>
      %dma_wait3A_333 = arith.constant 0 : i32
      %dma_wait3A_334 = tpu.memref_slice %arg7[%dma_wait3A_326, %dma_wait3A_333] : memref<4x128xi32, #tpu.memory_space<vmem>> -> memref<1x128xi32, #tpu.memory_space<vmem>>
      %dma_wait3A_335 = tpu.memref_squeeze %dma_wait3A_334 : memref<1x128xi32, #tpu.memory_space<vmem>> -> memref<128xi32, #tpu.memory_space<vmem>>
      %dma_wait3A_336 = arith.constant 0 : i32
      %dma_wait3A_337 = arith.constant 0 : i32
      %dma_wait3A_338 = tpu.memref_slice %arg2[%dma_wait3A_336, %dma_wait3A_337] : memref<10000x128xf32, #tpu.memory_space<hbm>> -> memref<10000x128xf32, #tpu.memory_space<hbm>>
      %dma_wait3A_339 = tpu.memref_slice %arg12[%dma_wait3A_328] : memref<2x!tpu.dma_semaphore, #tpu.memory_space<semaphore_mem>> -> memref<1x!tpu.dma_semaphore, #tpu.memory_space<semaphore_mem>>
      %dma_wait3A_340 = tpu.memref_squeeze %dma_wait3A_339 : memref<1x!tpu.dma_semaphore, #tpu.memory_space<semaphore_mem>> -> memref<!tpu.dma_semaphore, #tpu.memory_space<semaphore_mem>>
      tpu.wait_indirect_dma semaphore(%dma_wait3A_340 : memref<!tpu.dma_semaphore, #tpu.memory_space<semaphore_mem>>) src(%dma_wait3A_338 : memref<10000x128xf32, #tpu.memory_space<hbm>>) dst(%dma_wait3A_332 : memref<128x128xf32, #tpu.memory_space<vmem>>)
      %dma_start3A_341 = arith.constant 1 : i32
      %dma_start3A_342 = arith.constant 1 : i32
      %dma_start3A_343 = arith.constant 0 : i32
      %dma_start3A_344 = arith.constant 0 : i32
      %dma_start3A_345 = tpu.memref_slice %arg9[%dma_start3A_341, %dma_start3A_343, %dma_start3A_344] : memref<2x128x128xf32, #tpu.memory_space<vmem>> -> memref<1x128x128xf32, #tpu.memory_space<vmem>>
      %dma_start3A_346 = tpu.memref_squeeze %dma_start3A_345 : memref<1x128x128xf32, #tpu.memory_space<vmem>> -> memref<128x128xf32, #tpu.memory_space<vmem>>
      %dma_start3A_347 = arith.constant 0 : i32
      %dma_start3A_348 = tpu.memref_slice %arg8[%add3A_325, %dma_start3A_347] : memref<80x128xi32, #tpu.memory_space<vmem>> -> memref<1x128xi32, #tpu.memory_space<vmem>>
      %dma_start3A_349 = tpu.memref_squeeze %dma_start3A_348 : memref<1x128xi32, #tpu.memory_space<vmem>> -> memref<128xi32, #tpu.memory_space<vmem>>
      %dma_start3A_350 = arith.constant 0 : i32
      %dma_start3A_351 = arith.constant 0 : i32
      %dma_start3A_352 = tpu.memref_slice %arg10[%dma_start3A_350, %dma_start3A_351] : memref<10240x128xf32, #tpu.memory_space<vmem_shared>> -> memref<10240x128xf32, #tpu.memory_space<vmem_shared>>
      %dma_start3A_353 = tpu.memref_slice %arg13[%dma_start3A_342] : memref<2x!tpu.dma_semaphore, #tpu.memory_space<semaphore_mem>> -> memref<1x!tpu.dma_semaphore, #tpu.memory_space<semaphore_mem>>
      %dma_start3A_354 = tpu.memref_squeeze %dma_start3A_353 : memref<1x!tpu.dma_semaphore, #tpu.memory_space<semaphore_mem>> -> memref<!tpu.dma_semaphore, #tpu.memory_space<semaphore_mem>>
      tpu.enqueue_indirect_dma source(%dma_start3A_346 : memref<128x128xf32, #tpu.memory_space<vmem>>) target(%dma_start3A_352 : memref<10240x128xf32, #tpu.memory_space<vmem_shared>>) offsets(%dma_start3A_349 : memref<128xi32, #tpu.memory_space<vmem>>) semaphore(%dma_start3A_354 : memref<!tpu.dma_semaphore, #tpu.memory_space<semaphore_mem>>) {add = true}
      %add3A_355 = arith.constant 2 : i32
      %add3A_356 = arith.addi %add3A_325, %add3A_355 : i32
      %lt3A_357 = arith.cmpi slt, %add3A_356, %select_n3A : i32
      %convert_element_type3A_358 = arith.extui %lt3A_357 : i1 to i32
      %cond3A_359 = arith.constant 0 : i32
      %cond3A_360 = arith.cmpi ne, %convert_element_type3A_358, %cond3A_359 : i32
      scf.if %cond3A_360 {
        %add3A_382 = arith.constant 2 : i32
        %add3A_383 = arith.addi %add3A_325, %add3A_382 : i32
        %add3A_384 = arith.addi %select_n3A_8, %add3A_383 : i32
        %lt3A_385 = arith.constant 2500 : i32
        %lt3A_386 = arith.cmpi slt, %add3A_384, %lt3A_385 : i32
        %convert_element_type3A_387 = arith.extui %lt3A_386 : i1 to i32
        %cond3A_388 = arith.constant 0 : i32
        %cond3A_389 = arith.cmpi ne, %convert_element_type3A_387, %cond3A_388 : i32
        scf.if %cond3A_389 {
          %mul3A_395 = arith.constant 128 : i32
          %mul3A_396 = arith.muli %add3A_384, %mul3A_395 : i32
          %dma_start3A_397 = arith.constant 1 : i32
          %dma_start3A_398 = arith.constant 1 : i32
          %dma_start3A_399 = arith.constant 0 : i32
          %dma_start3A_400 = tpu.memref_slice %arg7[%dma_start3A_397, %dma_start3A_399] : memref<4x128xi32, #tpu.memory_space<vmem>> -> memref<1x128xi32, #tpu.memory_space<vmem>>
          %dma_start3A_401 = tpu.memref_squeeze %dma_start3A_400 : memref<1x128xi32, #tpu.memory_space<vmem>> -> memref<128xi32, #tpu.memory_space<vmem>>
          %dma_start3A_402 = tpu.memref_slice %arg3[%mul3A_396] : memref<320000xi32, #tpu.memory_space<hbm>> -> memref<128xi32, #tpu.memory_space<hbm>>
          %dma_start3A_403 = tpu.memref_slice %arg11[%dma_start3A_398] : memref<4x!tpu.dma_semaphore, #tpu.memory_space<semaphore_mem>> -> memref<1x!tpu.dma_semaphore, #tpu.memory_space<semaphore_mem>>
          %dma_start3A_404 = tpu.memref_squeeze %dma_start3A_403 : memref<1x!tpu.dma_semaphore, #tpu.memory_space<semaphore_mem>> -> memref<!tpu.dma_semaphore, #tpu.memory_space<semaphore_mem>>
          %dma_start3A_405 = arith.constant 0 : i32
          %dma_start3A_406 = tpu.memref_slice %arg7[%dma_start3A_397, %dma_start3A_405] : memref<4x128xi32, #tpu.memory_space<vmem>> -> memref<1x128xi32, #tpu.memory_space<vmem>>
          %dma_start3A_407 = tpu.memref_squeeze %dma_start3A_406 : memref<1x128xi32, #tpu.memory_space<vmem>> -> memref<128xi32, #tpu.memory_space<vmem>>
          %dma_start3A_408 = tpu.memref_slice %arg3[%mul3A_396] : memref<320000xi32, #tpu.memory_space<hbm>> -> memref<128xi32, #tpu.memory_space<hbm>>
          tpu.enqueue_dma source(%dma_start3A_408 : memref<128xi32, #tpu.memory_space<hbm>>) target(%dma_start3A_407 : memref<128xi32, #tpu.memory_space<vmem>>) target_semaphore(%dma_start3A_404 : memref<!tpu.dma_semaphore, #tpu.memory_space<semaphore_mem>>)
        } else {
        }
        %ge3A_390 = arith.constant 2500 : i32
        %ge3A_391 = arith.cmpi sge, %add3A_384, %ge3A_390 : i32
        %convert_element_type3A_392 = arith.extui %ge3A_391 : i1 to i32
        %cond3A_393 = arith.constant 0 : i32
        %cond3A_394 = arith.cmpi ne, %convert_element_type3A_392, %cond3A_393 : i32
        scf.if %cond3A_394 {
          %sub3A_395 = arith.constant 2500 : i32
          %sub3A_396 = arith.subi %add3A_384, %sub3A_395 : i32
          %mul3A_397 = arith.constant 128 : i32
          %mul3A_398 = arith.muli %sub3A_396, %mul3A_397 : i32
          %dma_start3A_399 = arith.constant 1 : i32
          %dma_start3A_400 = arith.constant 1 : i32
          %dma_start3A_401 = arith.constant 0 : i32
          %dma_start3A_402 = tpu.memref_slice %arg7[%dma_start3A_399, %dma_start3A_401] : memref<4x128xi32, #tpu.memory_space<vmem>> -> memref<1x128xi32, #tpu.memory_space<vmem>>
          %dma_start3A_403 = tpu.memref_squeeze %dma_start3A_402 : memref<1x128xi32, #tpu.memory_space<vmem>> -> memref<128xi32, #tpu.memory_space<vmem>>
          %dma_start3A_404 = tpu.memref_slice %arg4[%mul3A_398] : memref<7680xi32, #tpu.memory_space<hbm>> -> memref<128xi32, #tpu.memory_space<hbm>>
          %dma_start3A_405 = tpu.memref_slice %arg11[%dma_start3A_400] : memref<4x!tpu.dma_semaphore, #tpu.memory_space<semaphore_mem>> -> memref<1x!tpu.dma_semaphore, #tpu.memory_space<semaphore_mem>>
          %dma_start3A_406 = tpu.memref_squeeze %dma_start3A_405 : memref<1x!tpu.dma_semaphore, #tpu.memory_space<semaphore_mem>> -> memref<!tpu.dma_semaphore, #tpu.memory_space<semaphore_mem>>
          %dma_start3A_407 = arith.constant 0 : i32
          %dma_start3A_408 = tpu.memref_slice %arg7[%dma_start3A_399, %dma_start3A_407] : memref<4x128xi32, #tpu.memory_space<vmem>> -> memref<1x128xi32, #tpu.memory_space<vmem>>
          %dma_start3A_409 = tpu.memref_squeeze %dma_start3A_408 : memref<1x128xi32, #tpu.memory_space<vmem>> -> memref<128xi32, #tpu.memory_space<vmem>>
          %dma_start3A_410 = tpu.memref_slice %arg4[%mul3A_398] : memref<7680xi32, #tpu.memory_space<hbm>> -> memref<128xi32, #tpu.memory_space<hbm>>
          tpu.enqueue_dma source(%dma_start3A_410 : memref<128xi32, #tpu.memory_space<hbm>>) target(%dma_start3A_409 : memref<128xi32, #tpu.memory_space<vmem>>) target_semaphore(%dma_start3A_406 : memref<!tpu.dma_semaphore, #tpu.memory_space<semaphore_mem>>)
        } else {
        }
      } else {
      }
      %add3A_361 = arith.constant 1 : i32
      %add3A_362 = arith.addi %add3A_325, %add3A_361 : i32
      %lt3A_363 = arith.cmpi slt, %add3A_362, %select_n3A : i32
      %convert_element_type3A_364 = arith.extui %lt3A_363 : i1 to i32
      %cond3A_365 = arith.constant 0 : i32
      %cond3A_366 = arith.cmpi ne, %convert_element_type3A_364, %cond3A_365 : i32
      scf.if %cond3A_366 {
        %dma_wait3A_382 = arith.constant 0 : i32
        %dma_wait3A_383 = arith.constant 0 : i32
        %dma_wait3A_384 = arith.constant 0 : i32
        %dma_wait3A_385 = tpu.memref_slice %arg7[%dma_wait3A_382, %dma_wait3A_384] : memref<4x128xi32, #tpu.memory_space<vmem>> -> memref<1x128xi32, #tpu.memory_space<vmem>>
        %dma_wait3A_386 = tpu.memref_squeeze %dma_wait3A_385 : memref<1x128xi32, #tpu.memory_space<vmem>> -> memref<128xi32, #tpu.memory_space<vmem>>
        %dma_wait3A_387 = arith.constant 0 : i32
        %dma_wait3A_388 = tpu.memref_slice %arg3[%dma_wait3A_387] : memref<320000xi32, #tpu.memory_space<hbm>> -> memref<128xi32, #tpu.memory_space<hbm>>
        %dma_wait3A_389 = tpu.memref_slice %arg11[%dma_wait3A_383] : memref<4x!tpu.dma_semaphore, #tpu.memory_space<semaphore_mem>> -> memref<1x!tpu.dma_semaphore, #tpu.memory_space<semaphore_mem>>
        %dma_wait3A_390 = tpu.memref_squeeze %dma_wait3A_389 : memref<1x!tpu.dma_semaphore, #tpu.memory_space<semaphore_mem>> -> memref<!tpu.dma_semaphore, #tpu.memory_space<semaphore_mem>>
        %dma_wait3A_391 = arith.constant 0 : i32
        %dma_wait3A_392 = tpu.memref_slice %arg7[%dma_wait3A_382, %dma_wait3A_391] : memref<4x128xi32, #tpu.memory_space<vmem>> -> memref<1x128xi32, #tpu.memory_space<vmem>>
        %dma_wait3A_393 = tpu.memref_squeeze %dma_wait3A_392 : memref<1x128xi32, #tpu.memory_space<vmem>> -> memref<128xi32, #tpu.memory_space<vmem>>
        %dma_wait3A_394 = arith.constant 0 : i32
        %dma_wait3A_395 = tpu.memref_slice %arg3[%dma_wait3A_394] : memref<320000xi32, #tpu.memory_space<hbm>> -> memref<128xi32, #tpu.memory_space<hbm>>
        tpu.wait_dma2 semaphore(%dma_wait3A_390 : memref<!tpu.dma_semaphore, #tpu.memory_space<semaphore_mem>>) src(%dma_wait3A_395 : memref<128xi32, #tpu.memory_space<hbm>>) dst(%dma_wait3A_393 : memref<128xi32, #tpu.memory_space<vmem>>)
      } else {
      }
      %add3A_367 = arith.constant 1 : i32
      %add3A_368 = arith.addi %add3A_325, %add3A_367 : i32
      %lt3A_369 = arith.cmpi slt, %add3A_368, %select_n3A : i32
      %ge3A_370 = arith.constant 1 : i32
      %ge3A_371 = arith.cmpi sge, %add3A_325, %ge3A_370 : i32
      %and3A_372 = arith.andi %lt3A_369, %ge3A_371 : i1
      %convert_element_type3A_373 = arith.extui %and3A_372 : i1 to i32
      %cond3A_374 = arith.constant 0 : i32
      %cond3A_375 = arith.cmpi ne, %convert_element_type3A_373, %cond3A_374 : i32
      scf.if %cond3A_375 {
        %sub3A_382 = arith.constant 1 : i32
        %sub3A_383 = arith.subi %add3A_325, %sub3A_382 : i32
        %dma_wait3A_384 = arith.constant 0 : i32
        %dma_wait3A_385 = arith.constant 0 : i32
        %dma_wait3A_386 = arith.constant 0 : i32
        %dma_wait3A_387 = arith.constant 0 : i32
        %dma_wait3A_388 = tpu.memref_slice %arg9[%dma_wait3A_384, %dma_wait3A_386, %dma_wait3A_387] : memref<2x128x128xf32, #tpu.memory_space<vmem>> -> memref<1x128x128xf32, #tpu.memory_space<vmem>>
        %dma_wait3A_389 = tpu.memref_squeeze %dma_wait3A_388 : memref<1x128x128xf32, #tpu.memory_space<vmem>> -> memref<128x128xf32, #tpu.memory_space<vmem>>
        %dma_wait3A_390 = arith.constant 0 : i32
        %dma_wait3A_391 = tpu.memref_slice %arg8[%sub3A_383, %dma_wait3A_390] : memref<80x128xi32, #tpu.memory_space<vmem>> -> memref<1x128xi32, #tpu.memory_space<vmem>>
        %dma_wait3A_392 = tpu.memref_squeeze %dma_wait3A_391 : memref<1x128xi32, #tpu.memory_space<vmem>> -> memref<128xi32, #tpu.memory_space<vmem>>
        %dma_wait3A_393 = arith.constant 0 : i32
        %dma_wait3A_394 = arith.constant 0 : i32
        %dma_wait3A_395 = tpu.memref_slice %arg10[%dma_wait3A_393, %dma_wait3A_394] : memref<10240x128xf32, #tpu.memory_space<vmem_shared>> -> memref<10240x128xf32, #tpu.memory_space<vmem_shared>>
        %dma_wait3A_396 = tpu.memref_slice %arg13[%dma_wait3A_385] : memref<2x!tpu.dma_semaphore, #tpu.memory_space<semaphore_mem>> -> memref<1x!tpu.dma_semaphore, #tpu.memory_space<semaphore_mem>>
        %dma_wait3A_397 = tpu.memref_squeeze %dma_wait3A_396 : memref<1x!tpu.dma_semaphore, #tpu.memory_space<semaphore_mem>> -> memref<!tpu.dma_semaphore, #tpu.memory_space<semaphore_mem>>
        tpu.wait_indirect_dma semaphore(%dma_wait3A_397 : memref<!tpu.dma_semaphore, #tpu.memory_space<semaphore_mem>>) src(%dma_wait3A_389 : memref<128x128xf32, #tpu.memory_space<vmem>>) dst(%dma_wait3A_395 : memref<10240x128xf32, #tpu.memory_space<vmem_shared>>)
      } else {
      }
      %add3A_376 = arith.constant 1 : i32
      %add3A_377 = arith.addi %add3A_325, %add3A_376 : i32
      %lt3A_378 = arith.cmpi slt, %add3A_377, %select_n3A : i32
      %convert_element_type3A_379 = arith.extui %lt3A_378 : i1 to i32
      %cond3A_380 = arith.constant 0 : i32
      %cond3A_381 = arith.cmpi ne, %convert_element_type3A_379, %cond3A_380 : i32
      scf.if %cond3A_381 {
        %dma_start3A_382 = arith.constant 0 : i32
        %dma_start3A_383 = arith.constant 0 : i32
        %dma_start3A_384 = arith.constant 0 : i32
        %dma_start3A_385 = arith.constant 0 : i32
        %dma_start3A_386 = arith.constant 0 : i32
        %dma_start3A_387 = tpu.memref_slice %arg9[%dma_start3A_383, %dma_start3A_385, %dma_start3A_386] : memref<2x128x128xf32, #tpu.memory_space<vmem>> -> memref<1x128x128xf32, #tpu.memory_space<vmem>>
        %dma_start3A_388 = tpu.memref_squeeze %dma_start3A_387 : memref<1x128x128xf32, #tpu.memory_space<vmem>> -> memref<128x128xf32, #tpu.memory_space<vmem>>
        %dma_start3A_389 = arith.constant 0 : i32
        %dma_start3A_390 = tpu.memref_slice %arg7[%dma_start3A_382, %dma_start3A_389] : memref<4x128xi32, #tpu.memory_space<vmem>> -> memref<1x128xi32, #tpu.memory_space<vmem>>
        %dma_start3A_391 = tpu.memref_squeeze %dma_start3A_390 : memref<1x128xi32, #tpu.memory_space<vmem>> -> memref<128xi32, #tpu.memory_space<vmem>>
        %dma_start3A_392 = arith.constant 0 : i32
        %dma_start3A_393 = arith.constant 0 : i32
        %dma_start3A_394 = tpu.memref_slice %arg2[%dma_start3A_392, %dma_start3A_393] : memref<10000x128xf32, #tpu.memory_space<hbm>> -> memref<10000x128xf32, #tpu.memory_space<hbm>>
        %dma_start3A_395 = tpu.memref_slice %arg12[%dma_start3A_384] : memref<2x!tpu.dma_semaphore, #tpu.memory_space<semaphore_mem>> -> memref<1x!tpu.dma_semaphore, #tpu.memory_space<semaphore_mem>>
        %dma_start3A_396 = tpu.memref_squeeze %dma_start3A_395 : memref<1x!tpu.dma_semaphore, #tpu.memory_space<semaphore_mem>> -> memref<!tpu.dma_semaphore, #tpu.memory_space<semaphore_mem>>
        tpu.enqueue_indirect_dma source(%dma_start3A_394 : memref<10000x128xf32, #tpu.memory_space<hbm>>) target(%dma_start3A_388 : memref<128x128xf32, #tpu.memory_space<vmem>>) offsets(%dma_start3A_391 : memref<128xi32, #tpu.memory_space<vmem>>) semaphore(%dma_start3A_396 : memref<!tpu.dma_semaphore, #tpu.memory_space<semaphore_mem>>)
      } else {
      }
    }
    %while3A_103 = arith.constant 1 : i32
    scf.for %while3A_141 = %while3A_101 to %while3A_97 step %while3A_103  : i32 {
      %mul3A_142 = arith.constant 4 : i32
      %mul3A_143 = arith.muli %mul3A_142, %while3A_141 : i32
      %add3A_144 = arith.constant 0 : i32
      %add3A_145 = arith.addi %mul3A_143, %add3A_144 : i32
      %dma_wait3A_146 = arith.constant 0 : i32
      %dma_wait3A_147 = arith.constant 0 : i32
      %dma_wait3A_148 = arith.constant 0 : i32
      %dma_wait3A_149 = arith.constant 0 : i32
      %dma_wait3A_150 = arith.constant 0 : i32
      %dma_wait3A_151 = tpu.memref_slice %arg9[%dma_wait3A_147, %dma_wait3A_149, %dma_wait3A_150] : memref<2x128x128xf32, #tpu.memory_space<vmem>> -> memref<1x128x128xf32, #tpu.memory_space<vmem>>
      %dma_wait3A_152 = tpu.memref_squeeze %dma_wait3A_151 : memref<1x128x128xf32, #tpu.memory_space<vmem>> -> memref<128x128xf32, #tpu.memory_space<vmem>>
      %dma_wait3A_153 = arith.constant 0 : i32
      %dma_wait3A_154 = tpu.memref_slice %arg7[%dma_wait3A_146, %dma_wait3A_153] : memref<4x128xi32, #tpu.memory_space<vmem>> -> memref<1x128xi32, #tpu.memory_space<vmem>>
      %dma_wait3A_155 = tpu.memref_squeeze %dma_wait3A_154 : memref<1x128xi32, #tpu.memory_space<vmem>> -> memref<128xi32, #tpu.memory_space<vmem>>
      %dma_wait3A_156 = arith.constant 0 : i32
      %dma_wait3A_157 = arith.constant 0 : i32
      %dma_wait3A_158 = tpu.memref_slice %arg2[%dma_wait3A_156, %dma_wait3A_157] : memref<10000x128xf32, #tpu.memory_space<hbm>> -> memref<10000x128xf32, #tpu.memory_space<hbm>>
      %dma_wait3A_159 = tpu.memref_slice %arg12[%dma_wait3A_148] : memref<2x!tpu.dma_semaphore, #tpu.memory_space<semaphore_mem>> -> memref<1x!tpu.dma_semaphore, #tpu.memory_space<semaphore_mem>>
      %dma_wait3A_160 = tpu.memref_squeeze %dma_wait3A_159 : memref<1x!tpu.dma_semaphore, #tpu.memory_space<semaphore_mem>> -> memref<!tpu.dma_semaphore, #tpu.memory_space<semaphore_mem>>
      tpu.wait_indirect_dma semaphore(%dma_wait3A_160 : memref<!tpu.dma_semaphore, #tpu.memory_space<semaphore_mem>>) src(%dma_wait3A_158 : memref<10000x128xf32, #tpu.memory_space<hbm>>) dst(%dma_wait3A_152 : memref<128x128xf32, #tpu.memory_space<vmem>>)
      %dma_start3A_161 = arith.constant 0 : i32
      %dma_start3A_162 = arith.constant 0 : i32
      %dma_start3A_163 = arith.constant 0 : i32
      %dma_start3A_164 = arith.constant 0 : i32
      %dma_start3A_165 = tpu.memref_slice %arg9[%dma_start3A_161, %dma_start3A_163, %dma_start3A_164] : memref<2x128x128xf32, #tpu.memory_space<vmem>> -> memref<1x128x128xf32, #tpu.memory_space<vmem>>
      %dma_start3A_166 = tpu.memref_squeeze %dma_start3A_165 : memref<1x128x128xf32, #tpu.memory_space<vmem>> -> memref<128x128xf32, #tpu.memory_space<vmem>>
      %dma_start3A_167 = arith.constant 0 : i32
      %dma_start3A_168 = tpu.memref_slice %arg8[%add3A_145, %dma_start3A_167] : memref<80x128xi32, #tpu.memory_space<vmem>> -> memref<1x128xi32, #tpu.memory_space<vmem>>
      %dma_start3A_169 = tpu.memref_squeeze %dma_start3A_168 : memref<1x128xi32, #tpu.memory_space<vmem>> -> memref<128xi32, #tpu.memory_space<vmem>>
      %dma_start3A_170 = arith.constant 0 : i32
      %dma_start3A_171 = arith.constant 0 : i32
      %dma_start3A_172 = tpu.memref_slice %arg10[%dma_start3A_170, %dma_start3A_171] : memref<10240x128xf32, #tpu.memory_space<vmem_shared>> -> memref<10240x128xf32, #tpu.memory_space<vmem_shared>>
      %dma_start3A_173 = tpu.memref_slice %arg13[%dma_start3A_162] : memref<2x!tpu.dma_semaphore, #tpu.memory_space<semaphore_mem>> -> memref<1x!tpu.dma_semaphore, #tpu.memory_space<semaphore_mem>>
      %dma_start3A_174 = tpu.memref_squeeze %dma_start3A_173 : memref<1x!tpu.dma_semaphore, #tpu.memory_space<semaphore_mem>> -> memref<!tpu.dma_semaphore, #tpu.memory_space<semaphore_mem>>
      tpu.enqueue_indirect_dma source(%dma_start3A_166 : memref<128x128xf32, #tpu.memory_space<vmem>>) target(%dma_start3A_172 : memref<10240x128xf32, #tpu.memory_space<vmem_shared>>) offsets(%dma_start3A_169 : memref<128xi32, #tpu.memory_space<vmem>>) semaphore(%dma_start3A_174 : memref<!tpu.dma_semaphore, #tpu.memory_space<semaphore_mem>>) {add = true}
      %add3A_175 = arith.constant 2 : i32
      %add3A_176 = arith.addi %add3A_145, %add3A_175 : i32
      %lt3A_177 = arith.cmpi slt, %add3A_176, %select_n3A : i32
      %convert_element_type3A_178 = arith.extui %lt3A_177 : i1 to i32
      %cond3A_179 = arith.constant 0 : i32
      %cond3A_180 = arith.cmpi ne, %convert_element_type3A_178, %cond3A_179 : i32
      scf.if %cond3A_180 {
        %add3A_382 = arith.constant 2 : i32
        %add3A_383 = arith.addi %add3A_145, %add3A_382 : i32
        %add3A_384 = arith.addi %select_n3A_8, %add3A_383 : i32
        %lt3A_385 = arith.constant 2500 : i32
        %lt3A_386 = arith.cmpi slt, %add3A_384, %lt3A_385 : i32
        %convert_element_type3A_387 = arith.extui %lt3A_386 : i1 to i32
        %cond3A_388 = arith.constant 0 : i32
        %cond3A_389 = arith.cmpi ne, %convert_element_type3A_387, %cond3A_388 : i32
        scf.if %cond3A_389 {
          %mul3A_395 = arith.constant 128 : i32
          %mul3A_396 = arith.muli %add3A_384, %mul3A_395 : i32
          %dma_start3A_397 = arith.constant 2 : i32
          %dma_start3A_398 = arith.constant 2 : i32
          %dma_start3A_399 = arith.constant 0 : i32
          %dma_start3A_400 = tpu.memref_slice %arg7[%dma_start3A_397, %dma_start3A_399] : memref<4x128xi32, #tpu.memory_space<vmem>> -> memref<1x128xi32, #tpu.memory_space<vmem>>
          %dma_start3A_401 = tpu.memref_squeeze %dma_start3A_400 : memref<1x128xi32, #tpu.memory_space<vmem>> -> memref<128xi32, #tpu.memory_space<vmem>>
          %dma_start3A_402 = tpu.memref_slice %arg3[%mul3A_396] : memref<320000xi32, #tpu.memory_space<hbm>> -> memref<128xi32, #tpu.memory_space<hbm>>
          %dma_start3A_403 = tpu.memref_slice %arg11[%dma_start3A_398] : memref<4x!tpu.dma_semaphore, #tpu.memory_space<semaphore_mem>> -> memref<1x!tpu.dma_semaphore, #tpu.memory_space<semaphore_mem>>
          %dma_start3A_404 = tpu.memref_squeeze %dma_start3A_403 : memref<1x!tpu.dma_semaphore, #tpu.memory_space<semaphore_mem>> -> memref<!tpu.dma_semaphore, #tpu.memory_space<semaphore_mem>>
          %dma_start3A_405 = arith.constant 0 : i32
          %dma_start3A_406 = tpu.memref_slice %arg7[%dma_start3A_397, %dma_start3A_405] : memref<4x128xi32, #tpu.memory_space<vmem>> -> memref<1x128xi32, #tpu.memory_space<vmem>>
          %dma_start3A_407 = tpu.memref_squeeze %dma_start3A_406 : memref<1x128xi32, #tpu.memory_space<vmem>> -> memref<128xi32, #tpu.memory_space<vmem>>
          %dma_start3A_408 = tpu.memref_slice %arg3[%mul3A_396] : memref<320000xi32, #tpu.memory_space<hbm>> -> memref<128xi32, #tpu.memory_space<hbm>>
          tpu.enqueue_dma source(%dma_start3A_408 : memref<128xi32, #tpu.memory_space<hbm>>) target(%dma_start3A_407 : memref<128xi32, #tpu.memory_space<vmem>>) target_semaphore(%dma_start3A_404 : memref<!tpu.dma_semaphore, #tpu.memory_space<semaphore_mem>>)
        } else {
        }
        %ge3A_390 = arith.constant 2500 : i32
        %ge3A_391 = arith.cmpi sge, %add3A_384, %ge3A_390 : i32
        %convert_element_type3A_392 = arith.extui %ge3A_391 : i1 to i32
        %cond3A_393 = arith.constant 0 : i32
        %cond3A_394 = arith.cmpi ne, %convert_element_type3A_392, %cond3A_393 : i32
        scf.if %cond3A_394 {
          %sub3A_395 = arith.constant 2500 : i32
          %sub3A_396 = arith.subi %add3A_384, %sub3A_395 : i32
          %mul3A_397 = arith.constant 128 : i32
          %mul3A_398 = arith.muli %sub3A_396, %mul3A_397 : i32
          %dma_start3A_399 = arith.constant 2 : i32
          %dma_start3A_400 = arith.constant 2 : i32
          %dma_start3A_401 = arith.constant 0 : i32
          %dma_start3A_402 = tpu.memref_slice %arg7[%dma_start3A_399, %dma_start3A_401] : memref<4x128xi32, #tpu.memory_space<vmem>> -> memref<1x128xi32, #tpu.memory_space<vmem>>
          %dma_start3A_403 = tpu.memref_squeeze %dma_start3A_402 : memref<1x128xi32, #tpu.memory_space<vmem>> -> memref<128xi32, #tpu.memory_space<vmem>>
          %dma_start3A_404 = tpu.memref_slice %arg4[%mul3A_398] : memref<7680xi32, #tpu.memory_space<hbm>> -> memref<128xi32, #tpu.memory_space<hbm>>
          %dma_start3A_405 = tpu.memref_slice %arg11[%dma_start3A_400] : memref<4x!tpu.dma_semaphore, #tpu.memory_space<semaphore_mem>> -> memref<1x!tpu.dma_semaphore, #tpu.memory_space<semaphore_mem>>
          %dma_start3A_406 = tpu.memref_squeeze %dma_start3A_405 : memref<1x!tpu.dma_semaphore, #tpu.memory_space<semaphore_mem>> -> memref<!tpu.dma_semaphore, #tpu.memory_space<semaphore_mem>>
          %dma_start3A_407 = arith.constant 0 : i32
          %dma_start3A_408 = tpu.memref_slice %arg7[%dma_start3A_399, %dma_start3A_407] : memref<4x128xi32, #tpu.memory_space<vmem>> -> memref<1x128xi32, #tpu.memory_space<vmem>>
          %dma_start3A_409 = tpu.memref_squeeze %dma_start3A_408 : memref<1x128xi32, #tpu.memory_space<vmem>> -> memref<128xi32, #tpu.memory_space<vmem>>
          %dma_start3A_410 = tpu.memref_slice %arg4[%mul3A_398] : memref<7680xi32, #tpu.memory_space<hbm>> -> memref<128xi32, #tpu.memory_space<hbm>>
          tpu.enqueue_dma source(%dma_start3A_410 : memref<128xi32, #tpu.memory_space<hbm>>) target(%dma_start3A_409 : memref<128xi32, #tpu.memory_space<vmem>>) target_semaphore(%dma_start3A_406 : memref<!tpu.dma_semaphore, #tpu.memory_space<semaphore_mem>>)
        } else {
        }
      } else {
      }
      %add3A_181 = arith.constant 1 : i32
      %add3A_182 = arith.addi %add3A_145, %add3A_181 : i32
      %lt3A_183 = arith.cmpi slt, %add3A_182, %select_n3A : i32
      %convert_element_type3A_184 = arith.extui %lt3A_183 : i1 to i32
      %cond3A_185 = arith.constant 0 : i32
      %cond3A_186 = arith.cmpi ne, %convert_element_type3A_184, %cond3A_185 : i32
      scf.if %cond3A_186 {
        %dma_wait3A_382 = arith.constant 1 : i32
        %dma_wait3A_383 = arith.constant 1 : i32
        %dma_wait3A_384 = arith.constant 0 : i32
        %dma_wait3A_385 = tpu.memref_slice %arg7[%dma_wait3A_382, %dma_wait3A_384] : memref<4x128xi32, #tpu.memory_space<vmem>> -> memref<1x128xi32, #tpu.memory_space<vmem>>
        %dma_wait3A_386 = tpu.memref_squeeze %dma_wait3A_385 : memref<1x128xi32, #tpu.memory_space<vmem>> -> memref<128xi32, #tpu.memory_space<vmem>>
        %dma_wait3A_387 = arith.constant 0 : i32
        %dma_wait3A_388 = tpu.memref_slice %arg3[%dma_wait3A_387] : memref<320000xi32, #tpu.memory_space<hbm>> -> memref<128xi32, #tpu.memory_space<hbm>>
        %dma_wait3A_389 = tpu.memref_slice %arg11[%dma_wait3A_383] : memref<4x!tpu.dma_semaphore, #tpu.memory_space<semaphore_mem>> -> memref<1x!tpu.dma_semaphore, #tpu.memory_space<semaphore_mem>>
        %dma_wait3A_390 = tpu.memref_squeeze %dma_wait3A_389 : memref<1x!tpu.dma_semaphore, #tpu.memory_space<semaphore_mem>> -> memref<!tpu.dma_semaphore, #tpu.memory_space<semaphore_mem>>
        %dma_wait3A_391 = arith.constant 0 : i32
        %dma_wait3A_392 = tpu.memref_slice %arg7[%dma_wait3A_382, %dma_wait3A_391] : memref<4x128xi32, #tpu.memory_space<vmem>> -> memref<1x128xi32, #tpu.memory_space<vmem>>
        %dma_wait3A_393 = tpu.memref_squeeze %dma_wait3A_392 : memref<1x128xi32, #tpu.memory_space<vmem>> -> memref<128xi32, #tpu.memory_space<vmem>>
        %dma_wait3A_394 = arith.constant 0 : i32
        %dma_wait3A_395 = tpu.memref_slice %arg3[%dma_wait3A_394] : memref<320000xi32, #tpu.memory_space<hbm>> -> memref<128xi32, #tpu.memory_space<hbm>>
        tpu.wait_dma2 semaphore(%dma_wait3A_390 : memref<!tpu.dma_semaphore, #tpu.memory_space<semaphore_mem>>) src(%dma_wait3A_395 : memref<128xi32, #tpu.memory_space<hbm>>) dst(%dma_wait3A_393 : memref<128xi32, #tpu.memory_space<vmem>>)
      } else {
      }
      %add3A_187 = arith.constant 1 : i32
      %add3A_188 = arith.addi %add3A_145, %add3A_187 : i32
      %lt3A_189 = arith.cmpi slt, %add3A_188, %select_n3A : i32
      %ge3A_190 = arith.constant 1 : i32
      %ge3A_191 = arith.cmpi sge, %add3A_145, %ge3A_190 : i32
      %and3A_192 = arith.andi %lt3A_189, %ge3A_191 : i1
      %convert_element_type3A_193 = arith.extui %and3A_192 : i1 to i32
      %cond3A_194 = arith.constant 0 : i32
      %cond3A_195 = arith.cmpi ne, %convert_element_type3A_193, %cond3A_194 : i32
      scf.if %cond3A_195 {
        %sub3A_382 = arith.constant 1 : i32
        %sub3A_383 = arith.subi %add3A_145, %sub3A_382 : i32
        %dma_wait3A_384 = arith.constant 1 : i32
        %dma_wait3A_385 = arith.constant 1 : i32
        %dma_wait3A_386 = arith.constant 0 : i32
        %dma_wait3A_387 = arith.constant 0 : i32
        %dma_wait3A_388 = tpu.memref_slice %arg9[%dma_wait3A_384, %dma_wait3A_386, %dma_wait3A_387] : memref<2x128x128xf32, #tpu.memory_space<vmem>> -> memref<1x128x128xf32, #tpu.memory_space<vmem>>
        %dma_wait3A_389 = tpu.memref_squeeze %dma_wait3A_388 : memref<1x128x128xf32, #tpu.memory_space<vmem>> -> memref<128x128xf32, #tpu.memory_space<vmem>>
        %dma_wait3A_390 = arith.constant 0 : i32
        %dma_wait3A_391 = tpu.memref_slice %arg8[%sub3A_383, %dma_wait3A_390] : memref<80x128xi32, #tpu.memory_space<vmem>> -> memref<1x128xi32, #tpu.memory_space<vmem>>
        %dma_wait3A_392 = tpu.memref_squeeze %dma_wait3A_391 : memref<1x128xi32, #tpu.memory_space<vmem>> -> memref<128xi32, #tpu.memory_space<vmem>>
        %dma_wait3A_393 = arith.constant 0 : i32
        %dma_wait3A_394 = arith.constant 0 : i32
        %dma_wait3A_395 = tpu.memref_slice %arg10[%dma_wait3A_393, %dma_wait3A_394] : memref<10240x128xf32, #tpu.memory_space<vmem_shared>> -> memref<10240x128xf32, #tpu.memory_space<vmem_shared>>
        %dma_wait3A_396 = tpu.memref_slice %arg13[%dma_wait3A_385] : memref<2x!tpu.dma_semaphore, #tpu.memory_space<semaphore_mem>> -> memref<1x!tpu.dma_semaphore, #tpu.memory_space<semaphore_mem>>
        %dma_wait3A_397 = tpu.memref_squeeze %dma_wait3A_396 : memref<1x!tpu.dma_semaphore, #tpu.memory_space<semaphore_mem>> -> memref<!tpu.dma_semaphore, #tpu.memory_space<semaphore_mem>>
        tpu.wait_indirect_dma semaphore(%dma_wait3A_397 : memref<!tpu.dma_semaphore, #tpu.memory_space<semaphore_mem>>) src(%dma_wait3A_389 : memref<128x128xf32, #tpu.memory_space<vmem>>) dst(%dma_wait3A_395 : memref<10240x128xf32, #tpu.memory_space<vmem_shared>>)
      } else {
      }
      %add3A_196 = arith.constant 1 : i32
      %add3A_197 = arith.addi %add3A_145, %add3A_196 : i32
      %lt3A_198 = arith.cmpi slt, %add3A_197, %select_n3A : i32
      %convert_element_type3A_199 = arith.extui %lt3A_198 : i1 to i32
      %cond3A_200 = arith.constant 0 : i32
      %cond3A_201 = arith.cmpi ne, %convert_element_type3A_199, %cond3A_200 : i32
      scf.if %cond3A_201 {
        %dma_start3A_382 = arith.constant 1 : i32
        %dma_start3A_383 = arith.constant 1 : i32
        %dma_start3A_384 = arith.constant 1 : i32
        %dma_start3A_385 = arith.constant 0 : i32
        %dma_start3A_386 = arith.constant 0 : i32
        %dma_start3A_387 = tpu.memref_slice %arg9[%dma_start3A_383, %dma_start3A_385, %dma_start3A_386] : memref<2x128x128xf32, #tpu.memory_space<vmem>> -> memref<1x128x128xf32, #tpu.memory_space<vmem>>
        %dma_start3A_388 = tpu.memref_squeeze %dma_start3A_387 : memref<1x128x128xf32, #tpu.memory_space<vmem>> -> memref<128x128xf32, #tpu.memory_space<vmem>>
        %dma_start3A_389 = arith.constant 0 : i32
        %dma_start3A_390 = tpu.memref_slice %arg7[%dma_start3A_382, %dma_start3A_389] : memref<4x128xi32, #tpu.memory_space<vmem>> -> memref<1x128xi32, #tpu.memory_space<vmem>>
        %dma_start3A_391 = tpu.memref_squeeze %dma_start3A_390 : memref<1x128xi32, #tpu.memory_space<vmem>> -> memref<128xi32, #tpu.memory_space<vmem>>
        %dma_start3A_392 = arith.constant 0 : i32
        %dma_start3A_393 = arith.constant 0 : i32
        %dma_start3A_394 = tpu.memref_slice %arg2[%dma_start3A_392, %dma_start3A_393] : memref<10000x128xf32, #tpu.memory_space<hbm>> -> memref<10000x128xf32, #tpu.memory_space<hbm>>
        %dma_start3A_395 = tpu.memref_slice %arg12[%dma_start3A_384] : memref<2x!tpu.dma_semaphore, #tpu.memory_space<semaphore_mem>> -> memref<1x!tpu.dma_semaphore, #tpu.memory_space<semaphore_mem>>
        %dma_start3A_396 = tpu.memref_squeeze %dma_start3A_395 : memref<1x!tpu.dma_semaphore, #tpu.memory_space<semaphore_mem>> -> memref<!tpu.dma_semaphore, #tpu.memory_space<semaphore_mem>>
        tpu.enqueue_indirect_dma source(%dma_start3A_394 : memref<10000x128xf32, #tpu.memory_space<hbm>>) target(%dma_start3A_388 : memref<128x128xf32, #tpu.memory_space<vmem>>) offsets(%dma_start3A_391 : memref<128xi32, #tpu.memory_space<vmem>>) semaphore(%dma_start3A_396 : memref<!tpu.dma_semaphore, #tpu.memory_space<semaphore_mem>>)
      } else {
      }
      %mul3A_202 = arith.constant 4 : i32
      %mul3A_203 = arith.muli %mul3A_202, %while3A_141 : i32
      %add3A_204 = arith.constant 1 : i32
      %add3A_205 = arith.addi %mul3A_203, %add3A_204 : i32
      %dma_wait3A_206 = arith.constant 1 : i32
      %dma_wait3A_207 = arith.constant 1 : i32
      %dma_wait3A_208 = arith.constant 1 : i32
      %dma_wait3A_209 = arith.constant 0 : i32
      %dma_wait3A_210 = arith.constant 0 : i32
      %dma_wait3A_211 = tpu.memref_slice %arg9[%dma_wait3A_207, %dma_wait3A_209, %dma_wait3A_210] : memref<2x128x128xf32, #tpu.memory_space<vmem>> -> memref<1x128x128xf32, #tpu.memory_space<vmem>>
      %dma_wait3A_212 = tpu.memref_squeeze %dma_wait3A_211 : memref<1x128x128xf32, #tpu.memory_space<vmem>> -> memref<128x128xf32, #tpu.memory_space<vmem>>
      %dma_wait3A_213 = arith.constant 0 : i32
      %dma_wait3A_214 = tpu.memref_slice %arg7[%dma_wait3A_206, %dma_wait3A_213] : memref<4x128xi32, #tpu.memory_space<vmem>> -> memref<1x128xi32, #tpu.memory_space<vmem>>
      %dma_wait3A_215 = tpu.memref_squeeze %dma_wait3A_214 : memref<1x128xi32, #tpu.memory_space<vmem>> -> memref<128xi32, #tpu.memory_space<vmem>>
      %dma_wait3A_216 = arith.constant 0 : i32
      %dma_wait3A_217 = arith.constant 0 : i32
      %dma_wait3A_218 = tpu.memref_slice %arg2[%dma_wait3A_216, %dma_wait3A_217] : memref<10000x128xf32, #tpu.memory_space<hbm>> -> memref<10000x128xf32, #tpu.memory_space<hbm>>
      %dma_wait3A_219 = tpu.memref_slice %arg12[%dma_wait3A_208] : memref<2x!tpu.dma_semaphore, #tpu.memory_space<semaphore_mem>> -> memref<1x!tpu.dma_semaphore, #tpu.memory_space<semaphore_mem>>
      %dma_wait3A_220 = tpu.memref_squeeze %dma_wait3A_219 : memref<1x!tpu.dma_semaphore, #tpu.memory_space<semaphore_mem>> -> memref<!tpu.dma_semaphore, #tpu.memory_space<semaphore_mem>>
      tpu.wait_indirect_dma semaphore(%dma_wait3A_220 : memref<!tpu.dma_semaphore, #tpu.memory_space<semaphore_mem>>) src(%dma_wait3A_218 : memref<10000x128xf32, #tpu.memory_space<hbm>>) dst(%dma_wait3A_212 : memref<128x128xf32, #tpu.memory_space<vmem>>)
      %dma_start3A_221 = arith.constant 1 : i32
      %dma_start3A_222 = arith.constant 1 : i32
      %dma_start3A_223 = arith.constant 0 : i32
      %dma_start3A_224 = arith.constant 0 : i32
      %dma_start3A_225 = tpu.memref_slice %arg9[%dma_start3A_221, %dma_start3A_223, %dma_start3A_224] : memref<2x128x128xf32, #tpu.memory_space<vmem>> -> memref<1x128x128xf32, #tpu.memory_space<vmem>>
      %dma_start3A_226 = tpu.memref_squeeze %dma_start3A_225 : memref<1x128x128xf32, #tpu.memory_space<vmem>> -> memref<128x128xf32, #tpu.memory_space<vmem>>
      %dma_start3A_227 = arith.constant 0 : i32
      %dma_start3A_228 = tpu.memref_slice %arg8[%add3A_205, %dma_start3A_227] : memref<80x128xi32, #tpu.memory_space<vmem>> -> memref<1x128xi32, #tpu.memory_space<vmem>>
      %dma_start3A_229 = tpu.memref_squeeze %dma_start3A_228 : memref<1x128xi32, #tpu.memory_space<vmem>> -> memref<128xi32, #tpu.memory_space<vmem>>
      %dma_start3A_230 = arith.constant 0 : i32
      %dma_start3A_231 = arith.constant 0 : i32
      %dma_start3A_232 = tpu.memref_slice %arg10[%dma_start3A_230, %dma_start3A_231] : memref<10240x128xf32, #tpu.memory_space<vmem_shared>> -> memref<10240x128xf32, #tpu.memory_space<vmem_shared>>
      %dma_start3A_233 = tpu.memref_slice %arg13[%dma_start3A_222] : memref<2x!tpu.dma_semaphore, #tpu.memory_space<semaphore_mem>> -> memref<1x!tpu.dma_semaphore, #tpu.memory_space<semaphore_mem>>
      %dma_start3A_234 = tpu.memref_squeeze %dma_start3A_233 : memref<1x!tpu.dma_semaphore, #tpu.memory_space<semaphore_mem>> -> memref<!tpu.dma_semaphore, #tpu.memory_space<semaphore_mem>>
      tpu.enqueue_indirect_dma source(%dma_start3A_226 : memref<128x128xf32, #tpu.memory_space<vmem>>) target(%dma_start3A_232 : memref<10240x128xf32, #tpu.memory_space<vmem_shared>>) offsets(%dma_start3A_229 : memref<128xi32, #tpu.memory_space<vmem>>) semaphore(%dma_start3A_234 : memref<!tpu.dma_semaphore, #tpu.memory_space<semaphore_mem>>) {add = true}
      %add3A_235 = arith.constant 2 : i32
      %add3A_236 = arith.addi %add3A_205, %add3A_235 : i32
      %lt3A_237 = arith.cmpi slt, %add3A_236, %select_n3A : i32
      %convert_element_type3A_238 = arith.extui %lt3A_237 : i1 to i32
      %cond3A_239 = arith.constant 0 : i32
      %cond3A_240 = arith.cmpi ne, %convert_element_type3A_238, %cond3A_239 : i32
      scf.if %cond3A_240 {
        %add3A_382 = arith.constant 2 : i32
        %add3A_383 = arith.addi %add3A_205, %add3A_382 : i32
        %add3A_384 = arith.addi %select_n3A_8, %add3A_383 : i32
        %lt3A_385 = arith.constant 2500 : i32
        %lt3A_386 = arith.cmpi slt, %add3A_384, %lt3A_385 : i32
        %convert_element_type3A_387 = arith.extui %lt3A_386 : i1 to i32
        %cond3A_388 = arith.constant 0 : i32
        %cond3A_389 = arith.cmpi ne, %convert_element_type3A_387, %cond3A_388 : i32
        scf.if %cond3A_389 {
          %mul3A_395 = arith.constant 128 : i32
          %mul3A_396 = arith.muli %add3A_384, %mul3A_395 : i32
          %dma_start3A_397 = arith.constant 3 : i32
          %dma_start3A_398 = arith.constant 3 : i32
          %dma_start3A_399 = arith.constant 0 : i32
          %dma_start3A_400 = tpu.memref_slice %arg7[%dma_start3A_397, %dma_start3A_399] : memref<4x128xi32, #tpu.memory_space<vmem>> -> memref<1x128xi32, #tpu.memory_space<vmem>>
          %dma_start3A_401 = tpu.memref_squeeze %dma_start3A_400 : memref<1x128xi32, #tpu.memory_space<vmem>> -> memref<128xi32, #tpu.memory_space<vmem>>
          %dma_start3A_402 = tpu.memref_slice %arg3[%mul3A_396] : memref<320000xi32, #tpu.memory_space<hbm>> -> memref<128xi32, #tpu.memory_space<hbm>>
          %dma_start3A_403 = tpu.memref_slice %arg11[%dma_start3A_398] : memref<4x!tpu.dma_semaphore, #tpu.memory_space<semaphore_mem>> -> memref<1x!tpu.dma_semaphore, #tpu.memory_space<semaphore_mem>>
          %dma_start3A_404 = tpu.memref_squeeze %dma_start3A_403 : memref<1x!tpu.dma_semaphore, #tpu.memory_space<semaphore_mem>> -> memref<!tpu.dma_semaphore, #tpu.memory_space<semaphore_mem>>
          %dma_start3A_405 = arith.constant 0 : i32
          %dma_start3A_406 = tpu.memref_slice %arg7[%dma_start3A_397, %dma_start3A_405] : memref<4x128xi32, #tpu.memory_space<vmem>> -> memref<1x128xi32, #tpu.memory_space<vmem>>
          %dma_start3A_407 = tpu.memref_squeeze %dma_start3A_406 : memref<1x128xi32, #tpu.memory_space<vmem>> -> memref<128xi32, #tpu.memory_space<vmem>>
          %dma_start3A_408 = tpu.memref_slice %arg3[%mul3A_396] : memref<320000xi32, #tpu.memory_space<hbm>> -> memref<128xi32, #tpu.memory_space<hbm>>
          tpu.enqueue_dma source(%dma_start3A_408 : memref<128xi32, #tpu.memory_space<hbm>>) target(%dma_start3A_407 : memref<128xi32, #tpu.memory_space<vmem>>) target_semaphore(%dma_start3A_404 : memref<!tpu.dma_semaphore, #tpu.memory_space<semaphore_mem>>)
        } else {
        }
        %ge3A_390 = arith.constant 2500 : i32
        %ge3A_391 = arith.cmpi sge, %add3A_384, %ge3A_390 : i32
        %convert_element_type3A_392 = arith.extui %ge3A_391 : i1 to i32
        %cond3A_393 = arith.constant 0 : i32
        %cond3A_394 = arith.cmpi ne, %convert_element_type3A_392, %cond3A_393 : i32
        scf.if %cond3A_394 {
          %sub3A_395 = arith.constant 2500 : i32
          %sub3A_396 = arith.subi %add3A_384, %sub3A_395 : i32
          %mul3A_397 = arith.constant 128 : i32
          %mul3A_398 = arith.muli %sub3A_396, %mul3A_397 : i32
          %dma_start3A_399 = arith.constant 3 : i32
          %dma_start3A_400 = arith.constant 3 : i32
          %dma_start3A_401 = arith.constant 0 : i32
          %dma_start3A_402 = tpu.memref_slice %arg7[%dma_start3A_399, %dma_start3A_401] : memref<4x128xi32, #tpu.memory_space<vmem>> -> memref<1x128xi32, #tpu.memory_space<vmem>>
          %dma_start3A_403 = tpu.memref_squeeze %dma_start3A_402 : memref<1x128xi32, #tpu.memory_space<vmem>> -> memref<128xi32, #tpu.memory_space<vmem>>
          %dma_start3A_404 = tpu.memref_slice %arg4[%mul3A_398] : memref<7680xi32, #tpu.memory_space<hbm>> -> memref<128xi32, #tpu.memory_space<hbm>>
          %dma_start3A_405 = tpu.memref_slice %arg11[%dma_start3A_400] : memref<4x!tpu.dma_semaphore, #tpu.memory_space<semaphore_mem>> -> memref<1x!tpu.dma_semaphore, #tpu.memory_space<semaphore_mem>>
          %dma_start3A_406 = tpu.memref_squeeze %dma_start3A_405 : memref<1x!tpu.dma_semaphore, #tpu.memory_space<semaphore_mem>> -> memref<!tpu.dma_semaphore, #tpu.memory_space<semaphore_mem>>
          %dma_start3A_407 = arith.constant 0 : i32
          %dma_start3A_408 = tpu.memref_slice %arg7[%dma_start3A_399, %dma_start3A_407] : memref<4x128xi32, #tpu.memory_space<vmem>> -> memref<1x128xi32, #tpu.memory_space<vmem>>
          %dma_start3A_409 = tpu.memref_squeeze %dma_start3A_408 : memref<1x128xi32, #tpu.memory_space<vmem>> -> memref<128xi32, #tpu.memory_space<vmem>>
          %dma_start3A_410 = tpu.memref_slice %arg4[%mul3A_398] : memref<7680xi32, #tpu.memory_space<hbm>> -> memref<128xi32, #tpu.memory_space<hbm>>
          tpu.enqueue_dma source(%dma_start3A_410 : memref<128xi32, #tpu.memory_space<hbm>>) target(%dma_start3A_409 : memref<128xi32, #tpu.memory_space<vmem>>) target_semaphore(%dma_start3A_406 : memref<!tpu.dma_semaphore, #tpu.memory_space<semaphore_mem>>)
        } else {
        }
      } else {
      }
      %add3A_241 = arith.constant 1 : i32
      %add3A_242 = arith.addi %add3A_205, %add3A_241 : i32
      %lt3A_243 = arith.cmpi slt, %add3A_242, %select_n3A : i32
      %convert_element_type3A_244 = arith.extui %lt3A_243 : i1 to i32
      %cond3A_245 = arith.constant 0 : i32
      %cond3A_246 = arith.cmpi ne, %convert_element_type3A_244, %cond3A_245 : i32
      scf.if %cond3A_246 {
        %dma_wait3A_382 = arith.constant 2 : i32
        %dma_wait3A_383 = arith.constant 2 : i32
        %dma_wait3A_384 = arith.constant 0 : i32
        %dma_wait3A_385 = tpu.memref_slice %arg7[%dma_wait3A_382, %dma_wait3A_384] : memref<4x128xi32, #tpu.memory_space<vmem>> -> memref<1x128xi32, #tpu.memory_space<vmem>>
        %dma_wait3A_386 = tpu.memref_squeeze %dma_wait3A_385 : memref<1x128xi32, #tpu.memory_space<vmem>> -> memref<128xi32, #tpu.memory_space<vmem>>
        %dma_wait3A_387 = arith.constant 0 : i32
        %dma_wait3A_388 = tpu.memref_slice %arg3[%dma_wait3A_387] : memref<320000xi32, #tpu.memory_space<hbm>> -> memref<128xi32, #tpu.memory_space<hbm>>
        %dma_wait3A_389 = tpu.memref_slice %arg11[%dma_wait3A_383] : memref<4x!tpu.dma_semaphore, #tpu.memory_space<semaphore_mem>> -> memref<1x!tpu.dma_semaphore, #tpu.memory_space<semaphore_mem>>
        %dma_wait3A_390 = tpu.memref_squeeze %dma_wait3A_389 : memref<1x!tpu.dma_semaphore, #tpu.memory_space<semaphore_mem>> -> memref<!tpu.dma_semaphore, #tpu.memory_space<semaphore_mem>>
        %dma_wait3A_391 = arith.constant 0 : i32
        %dma_wait3A_392 = tpu.memref_slice %arg7[%dma_wait3A_382, %dma_wait3A_391] : memref<4x128xi32, #tpu.memory_space<vmem>> -> memref<1x128xi32, #tpu.memory_space<vmem>>
        %dma_wait3A_393 = tpu.memref_squeeze %dma_wait3A_392 : memref<1x128xi32, #tpu.memory_space<vmem>> -> memref<128xi32, #tpu.memory_space<vmem>>
        %dma_wait3A_394 = arith.constant 0 : i32
        %dma_wait3A_395 = tpu.memref_slice %arg3[%dma_wait3A_394] : memref<320000xi32, #tpu.memory_space<hbm>> -> memref<128xi32, #tpu.memory_space<hbm>>
        tpu.wait_dma2 semaphore(%dma_wait3A_390 : memref<!tpu.dma_semaphore, #tpu.memory_space<semaphore_mem>>) src(%dma_wait3A_395 : memref<128xi32, #tpu.memory_space<hbm>>) dst(%dma_wait3A_393 : memref<128xi32, #tpu.memory_space<vmem>>)
      } else {
      }
      %add3A_247 = arith.constant 1 : i32
      %add3A_248 = arith.addi %add3A_205, %add3A_247 : i32
      %lt3A_249 = arith.cmpi slt, %add3A_248, %select_n3A : i32
      %ge3A_250 = arith.constant 1 : i32
      %ge3A_251 = arith.cmpi sge, %add3A_205, %ge3A_250 : i32
      %and3A_252 = arith.andi %lt3A_249, %ge3A_251 : i1
      %convert_element_type3A_253 = arith.extui %and3A_252 : i1 to i32
      %cond3A_254 = arith.constant 0 : i32
      %cond3A_255 = arith.cmpi ne, %convert_element_type3A_253, %cond3A_254 : i32
      scf.if %cond3A_255 {
        %sub3A_382 = arith.constant 1 : i32
        %sub3A_383 = arith.subi %add3A_205, %sub3A_382 : i32
        %dma_wait3A_384 = arith.constant 0 : i32
        %dma_wait3A_385 = arith.constant 0 : i32
        %dma_wait3A_386 = arith.constant 0 : i32
        %dma_wait3A_387 = arith.constant 0 : i32
        %dma_wait3A_388 = tpu.memref_slice %arg9[%dma_wait3A_384, %dma_wait3A_386, %dma_wait3A_387] : memref<2x128x128xf32, #tpu.memory_space<vmem>> -> memref<1x128x128xf32, #tpu.memory_space<vmem>>
        %dma_wait3A_389 = tpu.memref_squeeze %dma_wait3A_388 : memref<1x128x128xf32, #tpu.memory_space<vmem>> -> memref<128x128xf32, #tpu.memory_space<vmem>>
        %dma_wait3A_390 = arith.constant 0 : i32
        %dma_wait3A_391 = tpu.memref_slice %arg8[%sub3A_383, %dma_wait3A_390] : memref<80x128xi32, #tpu.memory_space<vmem>> -> memref<1x128xi32, #tpu.memory_space<vmem>>
        %dma_wait3A_392 = tpu.memref_squeeze %dma_wait3A_391 : memref<1x128xi32, #tpu.memory_space<vmem>> -> memref<128xi32, #tpu.memory_space<vmem>>
        %dma_wait3A_393 = arith.constant 0 : i32
        %dma_wait3A_394 = arith.constant 0 : i32
        %dma_wait3A_395 = tpu.memref_slice %arg10[%dma_wait3A_393, %dma_wait3A_394] : memref<10240x128xf32, #tpu.memory_space<vmem_shared>> -> memref<10240x128xf32, #tpu.memory_space<vmem_shared>>
        %dma_wait3A_396 = tpu.memref_slice %arg13[%dma_wait3A_385] : memref<2x!tpu.dma_semaphore, #tpu.memory_space<semaphore_mem>> -> memref<1x!tpu.dma_semaphore, #tpu.memory_space<semaphore_mem>>
        %dma_wait3A_397 = tpu.memref_squeeze %dma_wait3A_396 : memref<1x!tpu.dma_semaphore, #tpu.memory_space<semaphore_mem>> -> memref<!tpu.dma_semaphore, #tpu.memory_space<semaphore_mem>>
        tpu.wait_indirect_dma semaphore(%dma_wait3A_397 : memref<!tpu.dma_semaphore, #tpu.memory_space<semaphore_mem>>) src(%dma_wait3A_389 : memref<128x128xf32, #tpu.memory_space<vmem>>) dst(%dma_wait3A_395 : memref<10240x128xf32, #tpu.memory_space<vmem_shared>>)
      } else {
      }
      %add3A_256 = arith.constant 1 : i32
      %add3A_257 = arith.addi %add3A_205, %add3A_256 : i32
      %lt3A_258 = arith.cmpi slt, %add3A_257, %select_n3A : i32
      %convert_element_type3A_259 = arith.extui %lt3A_258 : i1 to i32
      %cond3A_260 = arith.constant 0 : i32
      %cond3A_261 = arith.cmpi ne, %convert_element_type3A_259, %cond3A_260 : i32
      scf.if %cond3A_261 {
        %dma_start3A_382 = arith.constant 2 : i32
        %dma_start3A_383 = arith.constant 0 : i32
        %dma_start3A_384 = arith.constant 0 : i32
        %dma_start3A_385 = arith.constant 0 : i32
        %dma_start3A_386 = arith.constant 0 : i32
        %dma_start3A_387 = tpu.memref_slice %arg9[%dma_start3A_383, %dma_start3A_385, %dma_start3A_386] : memref<2x128x128xf32, #tpu.memory_space<vmem>> -> memref<1x128x128xf32, #tpu.memory_space<vmem>>
        %dma_start3A_388 = tpu.memref_squeeze %dma_start3A_387 : memref<1x128x128xf32, #tpu.memory_space<vmem>> -> memref<128x128xf32, #tpu.memory_space<vmem>>
        %dma_start3A_389 = arith.constant 0 : i32
        %dma_start3A_390 = tpu.memref_slice %arg7[%dma_start3A_382, %dma_start3A_389] : memref<4x128xi32, #tpu.memory_space<vmem>> -> memref<1x128xi32, #tpu.memory_space<vmem>>
        %dma_start3A_391 = tpu.memref_squeeze %dma_start3A_390 : memref<1x128xi32, #tpu.memory_space<vmem>> -> memref<128xi32, #tpu.memory_space<vmem>>
        %dma_start3A_392 = arith.constant 0 : i32
        %dma_start3A_393 = arith.constant 0 : i32
        %dma_start3A_394 = tpu.memref_slice %arg2[%dma_start3A_392, %dma_start3A_393] : memref<10000x128xf32, #tpu.memory_space<hbm>> -> memref<10000x128xf32, #tpu.memory_space<hbm>>
        %dma_start3A_395 = tpu.memref_slice %arg12[%dma_start3A_384] : memref<2x!tpu.dma_semaphore, #tpu.memory_space<semaphore_mem>> -> memref<1x!tpu.dma_semaphore, #tpu.memory_space<semaphore_mem>>
        %dma_start3A_396 = tpu.memref_squeeze %dma_start3A_395 : memref<1x!tpu.dma_semaphore, #tpu.memory_space<semaphore_mem>> -> memref<!tpu.dma_semaphore, #tpu.memory_space<semaphore_mem>>
        tpu.enqueue_indirect_dma source(%dma_start3A_394 : memref<10000x128xf32, #tpu.memory_space<hbm>>) target(%dma_start3A_388 : memref<128x128xf32, #tpu.memory_space<vmem>>) offsets(%dma_start3A_391 : memref<128xi32, #tpu.memory_space<vmem>>) semaphore(%dma_start3A_396 : memref<!tpu.dma_semaphore, #tpu.memory_space<semaphore_mem>>)
      } else {
      }
      %mul3A_262 = arith.constant 4 : i32
      %mul3A_263 = arith.muli %mul3A_262, %while3A_141 : i32
      %add3A_264 = arith.constant 2 : i32
      %add3A_265 = arith.addi %mul3A_263, %add3A_264 : i32
      %dma_wait3A_266 = arith.constant 2 : i32
      %dma_wait3A_267 = arith.constant 0 : i32
      %dma_wait3A_268 = arith.constant 0 : i32
      %dma_wait3A_269 = arith.constant 0 : i32
      %dma_wait3A_270 = arith.constant 0 : i32
      %dma_wait3A_271 = tpu.memref_slice %arg9[%dma_wait3A_267, %dma_wait3A_269, %dma_wait3A_270] : memref<2x128x128xf32, #tpu.memory_space<vmem>> -> memref<1x128x128xf32, #tpu.memory_space<vmem>>
      %dma_wait3A_272 = tpu.memref_squeeze %dma_wait3A_271 : memref<1x128x128xf32, #tpu.memory_space<vmem>> -> memref<128x128xf32, #tpu.memory_space<vmem>>
      %dma_wait3A_273 = arith.constant 0 : i32
      %dma_wait3A_274 = tpu.memref_slice %arg7[%dma_wait3A_266, %dma_wait3A_273] : memref<4x128xi32, #tpu.memory_space<vmem>> -> memref<1x128xi32, #tpu.memory_space<vmem>>
      %dma_wait3A_275 = tpu.memref_squeeze %dma_wait3A_274 : memref<1x128xi32, #tpu.memory_space<vmem>> -> memref<128xi32, #tpu.memory_space<vmem>>
      %dma_wait3A_276 = arith.constant 0 : i32
      %dma_wait3A_277 = arith.constant 0 : i32
      %dma_wait3A_278 = tpu.memref_slice %arg2[%dma_wait3A_276, %dma_wait3A_277] : memref<10000x128xf32, #tpu.memory_space<hbm>> -> memref<10000x128xf32, #tpu.memory_space<hbm>>
      %dma_wait3A_279 = tpu.memref_slice %arg12[%dma_wait3A_268] : memref<2x!tpu.dma_semaphore, #tpu.memory_space<semaphore_mem>> -> memref<1x!tpu.dma_semaphore, #tpu.memory_space<semaphore_mem>>
      %dma_wait3A_280 = tpu.memref_squeeze %dma_wait3A_279 : memref<1x!tpu.dma_semaphore, #tpu.memory_space<semaphore_mem>> -> memref<!tpu.dma_semaphore, #tpu.memory_space<semaphore_mem>>
      tpu.wait_indirect_dma semaphore(%dma_wait3A_280 : memref<!tpu.dma_semaphore, #tpu.memory_space<semaphore_mem>>) src(%dma_wait3A_278 : memref<10000x128xf32, #tpu.memory_space<hbm>>) dst(%dma_wait3A_272 : memref<128x128xf32, #tpu.memory_space<vmem>>)
      %dma_start3A_281 = arith.constant 0 : i32
      %dma_start3A_282 = arith.constant 0 : i32
      %dma_start3A_283 = arith.constant 0 : i32
      %dma_start3A_284 = arith.constant 0 : i32
      %dma_start3A_285 = tpu.memref_slice %arg9[%dma_start3A_281, %dma_start3A_283, %dma_start3A_284] : memref<2x128x128xf32, #tpu.memory_space<vmem>> -> memref<1x128x128xf32, #tpu.memory_space<vmem>>
      %dma_start3A_286 = tpu.memref_squeeze %dma_start3A_285 : memref<1x128x128xf32, #tpu.memory_space<vmem>> -> memref<128x128xf32, #tpu.memory_space<vmem>>
      %dma_start3A_287 = arith.constant 0 : i32
      %dma_start3A_288 = tpu.memref_slice %arg8[%add3A_265, %dma_start3A_287] : memref<80x128xi32, #tpu.memory_space<vmem>> -> memref<1x128xi32, #tpu.memory_space<vmem>>
      %dma_start3A_289 = tpu.memref_squeeze %dma_start3A_288 : memref<1x128xi32, #tpu.memory_space<vmem>> -> memref<128xi32, #tpu.memory_space<vmem>>
      %dma_start3A_290 = arith.constant 0 : i32
      %dma_start3A_291 = arith.constant 0 : i32
      %dma_start3A_292 = tpu.memref_slice %arg10[%dma_start3A_290, %dma_start3A_291] : memref<10240x128xf32, #tpu.memory_space<vmem_shared>> -> memref<10240x128xf32, #tpu.memory_space<vmem_shared>>
      %dma_start3A_293 = tpu.memref_slice %arg13[%dma_start3A_282] : memref<2x!tpu.dma_semaphore, #tpu.memory_space<semaphore_mem>> -> memref<1x!tpu.dma_semaphore, #tpu.memory_space<semaphore_mem>>
      %dma_start3A_294 = tpu.memref_squeeze %dma_start3A_293 : memref<1x!tpu.dma_semaphore, #tpu.memory_space<semaphore_mem>> -> memref<!tpu.dma_semaphore, #tpu.memory_space<semaphore_mem>>
      tpu.enqueue_indirect_dma source(%dma_start3A_286 : memref<128x128xf32, #tpu.memory_space<vmem>>) target(%dma_start3A_292 : memref<10240x128xf32, #tpu.memory_space<vmem_shared>>) offsets(%dma_start3A_289 : memref<128xi32, #tpu.memory_space<vmem>>) semaphore(%dma_start3A_294 : memref<!tpu.dma_semaphore, #tpu.memory_space<semaphore_mem>>) {add = true}
      %add3A_295 = arith.constant 2 : i32
      %add3A_296 = arith.addi %add3A_265, %add3A_295 : i32
      %lt3A_297 = arith.cmpi slt, %add3A_296, %select_n3A : i32
      %convert_element_type3A_298 = arith.extui %lt3A_297 : i1 to i32
      %cond3A_299 = arith.constant 0 : i32
      %cond3A_300 = arith.cmpi ne, %convert_element_type3A_298, %cond3A_299 : i32
      scf.if %cond3A_300 {
        %add3A_382 = arith.constant 2 : i32
        %add3A_383 = arith.addi %add3A_265, %add3A_382 : i32
        %add3A_384 = arith.addi %select_n3A_8, %add3A_383 : i32
        %lt3A_385 = arith.constant 2500 : i32
        %lt3A_386 = arith.cmpi slt, %add3A_384, %lt3A_385 : i32
        %convert_element_type3A_387 = arith.extui %lt3A_386 : i1 to i32
        %cond3A_388 = arith.constant 0 : i32
        %cond3A_389 = arith.cmpi ne, %convert_element_type3A_387, %cond3A_388 : i32
        scf.if %cond3A_389 {
          %mul3A_395 = arith.constant 128 : i32
          %mul3A_396 = arith.muli %add3A_384, %mul3A_395 : i32
          %dma_start3A_397 = arith.constant 0 : i32
          %dma_start3A_398 = arith.constant 0 : i32
          %dma_start3A_399 = arith.constant 0 : i32
          %dma_start3A_400 = tpu.memref_slice %arg7[%dma_start3A_397, %dma_start3A_399] : memref<4x128xi32, #tpu.memory_space<vmem>> -> memref<1x128xi32, #tpu.memory_space<vmem>>
          %dma_start3A_401 = tpu.memref_squeeze %dma_start3A_400 : memref<1x128xi32, #tpu.memory_space<vmem>> -> memref<128xi32, #tpu.memory_space<vmem>>
          %dma_start3A_402 = tpu.memref_slice %arg3[%mul3A_396] : memref<320000xi32, #tpu.memory_space<hbm>> -> memref<128xi32, #tpu.memory_space<hbm>>
          %dma_start3A_403 = tpu.memref_slice %arg11[%dma_start3A_398] : memref<4x!tpu.dma_semaphore, #tpu.memory_space<semaphore_mem>> -> memref<1x!tpu.dma_semaphore, #tpu.memory_space<semaphore_mem>>
          %dma_start3A_404 = tpu.memref_squeeze %dma_start3A_403 : memref<1x!tpu.dma_semaphore, #tpu.memory_space<semaphore_mem>> -> memref<!tpu.dma_semaphore, #tpu.memory_space<semaphore_mem>>
          %dma_start3A_405 = arith.constant 0 : i32
          %dma_start3A_406 = tpu.memref_slice %arg7[%dma_start3A_397, %dma_start3A_405] : memref<4x128xi32, #tpu.memory_space<vmem>> -> memref<1x128xi32, #tpu.memory_space<vmem>>
          %dma_start3A_407 = tpu.memref_squeeze %dma_start3A_406 : memref<1x128xi32, #tpu.memory_space<vmem>> -> memref<128xi32, #tpu.memory_space<vmem>>
          %dma_start3A_408 = tpu.memref_slice %arg3[%mul3A_396] : memref<320000xi32, #tpu.memory_space<hbm>> -> memref<128xi32, #tpu.memory_space<hbm>>
          tpu.enqueue_dma source(%dma_start3A_408 : memref<128xi32, #tpu.memory_space<hbm>>) target(%dma_start3A_407 : memref<128xi32, #tpu.memory_space<vmem>>) target_semaphore(%dma_start3A_404 : memref<!tpu.dma_semaphore, #tpu.memory_space<semaphore_mem>>)
        } else {
        }
        %ge3A_390 = arith.constant 2500 : i32
        %ge3A_391 = arith.cmpi sge, %add3A_384, %ge3A_390 : i32
        %convert_element_type3A_392 = arith.extui %ge3A_391 : i1 to i32
        %cond3A_393 = arith.constant 0 : i32
        %cond3A_394 = arith.cmpi ne, %convert_element_type3A_392, %cond3A_393 : i32
        scf.if %cond3A_394 {
          %sub3A_395 = arith.constant 2500 : i32
          %sub3A_396 = arith.subi %add3A_384, %sub3A_395 : i32
          %mul3A_397 = arith.constant 128 : i32
          %mul3A_398 = arith.muli %sub3A_396, %mul3A_397 : i32
          %dma_start3A_399 = arith.constant 0 : i32
          %dma_start3A_400 = arith.constant 0 : i32
          %dma_start3A_401 = arith.constant 0 : i32
          %dma_start3A_402 = tpu.memref_slice %arg7[%dma_start3A_399, %dma_start3A_401] : memref<4x128xi32, #tpu.memory_space<vmem>> -> memref<1x128xi32, #tpu.memory_space<vmem>>
          %dma_start3A_403 = tpu.memref_squeeze %dma_start3A_402 : memref<1x128xi32, #tpu.memory_space<vmem>> -> memref<128xi32, #tpu.memory_space<vmem>>
          %dma_start3A_404 = tpu.memref_slice %arg4[%mul3A_398] : memref<7680xi32, #tpu.memory_space<hbm>> -> memref<128xi32, #tpu.memory_space<hbm>>
          %dma_start3A_405 = tpu.memref_slice %arg11[%dma_start3A_400] : memref<4x!tpu.dma_semaphore, #tpu.memory_space<semaphore_mem>> -> memref<1x!tpu.dma_semaphore, #tpu.memory_space<semaphore_mem>>
          %dma_start3A_406 = tpu.memref_squeeze %dma_start3A_405 : memref<1x!tpu.dma_semaphore, #tpu.memory_space<semaphore_mem>> -> memref<!tpu.dma_semaphore, #tpu.memory_space<semaphore_mem>>
          %dma_start3A_407 = arith.constant 0 : i32
          %dma_start3A_408 = tpu.memref_slice %arg7[%dma_start3A_399, %dma_start3A_407] : memref<4x128xi32, #tpu.memory_space<vmem>> -> memref<1x128xi32, #tpu.memory_space<vmem>>
          %dma_start3A_409 = tpu.memref_squeeze %dma_start3A_408 : memref<1x128xi32, #tpu.memory_space<vmem>> -> memref<128xi32, #tpu.memory_space<vmem>>
          %dma_start3A_410 = tpu.memref_slice %arg4[%mul3A_398] : memref<7680xi32, #tpu.memory_space<hbm>> -> memref<128xi32, #tpu.memory_space<hbm>>
          tpu.enqueue_dma source(%dma_start3A_410 : memref<128xi32, #tpu.memory_space<hbm>>) target(%dma_start3A_409 : memref<128xi32, #tpu.memory_space<vmem>>) target_semaphore(%dma_start3A_406 : memref<!tpu.dma_semaphore, #tpu.memory_space<semaphore_mem>>)
        } else {
        }
      } else {
      }
      %add3A_301 = arith.constant 1 : i32
      %add3A_302 = arith.addi %add3A_265, %add3A_301 : i32
      %lt3A_303 = arith.cmpi slt, %add3A_302, %select_n3A : i32
      %convert_element_type3A_304 = arith.extui %lt3A_303 : i1 to i32
      %cond3A_305 = arith.constant 0 : i32
      %cond3A_306 = arith.cmpi ne, %convert_element_type3A_304, %cond3A_305 : i32
      scf.if %cond3A_306 {
        %dma_wait3A_382 = arith.constant 3 : i32
        %dma_wait3A_383 = arith.constant 3 : i32
        %dma_wait3A_384 = arith.constant 0 : i32
        %dma_wait3A_385 = tpu.memref_slice %arg7[%dma_wait3A_382, %dma_wait3A_384] : memref<4x128xi32, #tpu.memory_space<vmem>> -> memref<1x128xi32, #tpu.memory_space<vmem>>
        %dma_wait3A_386 = tpu.memref_squeeze %dma_wait3A_385 : memref<1x128xi32, #tpu.memory_space<vmem>> -> memref<128xi32, #tpu.memory_space<vmem>>
        %dma_wait3A_387 = arith.constant 0 : i32
        %dma_wait3A_388 = tpu.memref_slice %arg3[%dma_wait3A_387] : memref<320000xi32, #tpu.memory_space<hbm>> -> memref<128xi32, #tpu.memory_space<hbm>>
        %dma_wait3A_389 = tpu.memref_slice %arg11[%dma_wait3A_383] : memref<4x!tpu.dma_semaphore, #tpu.memory_space<semaphore_mem>> -> memref<1x!tpu.dma_semaphore, #tpu.memory_space<semaphore_mem>>
        %dma_wait3A_390 = tpu.memref_squeeze %dma_wait3A_389 : memref<1x!tpu.dma_semaphore, #tpu.memory_space<semaphore_mem>> -> memref<!tpu.dma_semaphore, #tpu.memory_space<semaphore_mem>>
        %dma_wait3A_391 = arith.constant 0 : i32
        %dma_wait3A_392 = tpu.memref_slice %arg7[%dma_wait3A_382, %dma_wait3A_391] : memref<4x128xi32, #tpu.memory_space<vmem>> -> memref<1x128xi32, #tpu.memory_space<vmem>>
        %dma_wait3A_393 = tpu.memref_squeeze %dma_wait3A_392 : memref<1x128xi32, #tpu.memory_space<vmem>> -> memref<128xi32, #tpu.memory_space<vmem>>
        %dma_wait3A_394 = arith.constant 0 : i32
        %dma_wait3A_395 = tpu.memref_slice %arg3[%dma_wait3A_394] : memref<320000xi32, #tpu.memory_space<hbm>> -> memref<128xi32, #tpu.memory_space<hbm>>
        tpu.wait_dma2 semaphore(%dma_wait3A_390 : memref<!tpu.dma_semaphore, #tpu.memory_space<semaphore_mem>>) src(%dma_wait3A_395 : memref<128xi32, #tpu.memory_space<hbm>>) dst(%dma_wait3A_393 : memref<128xi32, #tpu.memory_space<vmem>>)
      } else {
      }
      %add3A_307 = arith.constant 1 : i32
      %add3A_308 = arith.addi %add3A_265, %add3A_307 : i32
      %lt3A_309 = arith.cmpi slt, %add3A_308, %select_n3A : i32
      %ge3A_310 = arith.constant 1 : i32
      %ge3A_311 = arith.cmpi sge, %add3A_265, %ge3A_310 : i32
      %and3A_312 = arith.andi %lt3A_309, %ge3A_311 : i1
      %convert_element_type3A_313 = arith.extui %and3A_312 : i1 to i32
      %cond3A_314 = arith.constant 0 : i32
      %cond3A_315 = arith.cmpi ne, %convert_element_type3A_313, %cond3A_314 : i32
      scf.if %cond3A_315 {
        %sub3A_382 = arith.constant 1 : i32
        %sub3A_383 = arith.subi %add3A_265, %sub3A_382 : i32
        %dma_wait3A_384 = arith.constant 1 : i32
        %dma_wait3A_385 = arith.constant 1 : i32
        %dma_wait3A_386 = arith.constant 0 : i32
        %dma_wait3A_387 = arith.constant 0 : i32
        %dma_wait3A_388 = tpu.memref_slice %arg9[%dma_wait3A_384, %dma_wait3A_386, %dma_wait3A_387] : memref<2x128x128xf32, #tpu.memory_space<vmem>> -> memref<1x128x128xf32, #tpu.memory_space<vmem>>
        %dma_wait3A_389 = tpu.memref_squeeze %dma_wait3A_388 : memref<1x128x128xf32, #tpu.memory_space<vmem>> -> memref<128x128xf32, #tpu.memory_space<vmem>>
        %dma_wait3A_390 = arith.constant 0 : i32
        %dma_wait3A_391 = tpu.memref_slice %arg8[%sub3A_383, %dma_wait3A_390] : memref<80x128xi32, #tpu.memory_space<vmem>> -> memref<1x128xi32, #tpu.memory_space<vmem>>
        %dma_wait3A_392 = tpu.memref_squeeze %dma_wait3A_391 : memref<1x128xi32, #tpu.memory_space<vmem>> -> memref<128xi32, #tpu.memory_space<vmem>>
        %dma_wait3A_393 = arith.constant 0 : i32
        %dma_wait3A_394 = arith.constant 0 : i32
        %dma_wait3A_395 = tpu.memref_slice %arg10[%dma_wait3A_393, %dma_wait3A_394] : memref<10240x128xf32, #tpu.memory_space<vmem_shared>> -> memref<10240x128xf32, #tpu.memory_space<vmem_shared>>
        %dma_wait3A_396 = tpu.memref_slice %arg13[%dma_wait3A_385] : memref<2x!tpu.dma_semaphore, #tpu.memory_space<semaphore_mem>> -> memref<1x!tpu.dma_semaphore, #tpu.memory_space<semaphore_mem>>
        %dma_wait3A_397 = tpu.memref_squeeze %dma_wait3A_396 : memref<1x!tpu.dma_semaphore, #tpu.memory_space<semaphore_mem>> -> memref<!tpu.dma_semaphore, #tpu.memory_space<semaphore_mem>>
        tpu.wait_indirect_dma semaphore(%dma_wait3A_397 : memref<!tpu.dma_semaphore, #tpu.memory_space<semaphore_mem>>) src(%dma_wait3A_389 : memref<128x128xf32, #tpu.memory_space<vmem>>) dst(%dma_wait3A_395 : memref<10240x128xf32, #tpu.memory_space<vmem_shared>>)
      } else {
      }
      %add3A_316 = arith.constant 1 : i32
      %add3A_317 = arith.addi %add3A_265, %add3A_316 : i32
      %lt3A_318 = arith.cmpi slt, %add3A_317, %select_n3A : i32
      %convert_element_type3A_319 = arith.extui %lt3A_318 : i1 to i32
      %cond3A_320 = arith.constant 0 : i32
      %cond3A_321 = arith.cmpi ne, %convert_element_type3A_319, %cond3A_320 : i32
      scf.if %cond3A_321 {
        %dma_start3A_382 = arith.constant 3 : i32
        %dma_start3A_383 = arith.constant 1 : i32
        %dma_start3A_384 = arith.constant 1 : i32
        %dma_start3A_385 = arith.constant 0 : i32
        %dma_start3A_386 = arith.constant 0 : i32
        %dma_start3A_387 = tpu.memref_slice %arg9[%dma_start3A_383, %dma_start3A_385, %dma_start3A_386] : memref<2x128x128xf32, #tpu.memory_space<vmem>> -> memref<1x128x128xf32, #tpu.memory_space<vmem>>
        %dma_start3A_388 = tpu.memref_squeeze %dma_start3A_387 : memref<1x128x128xf32, #tpu.memory_space<vmem>> -> memref<128x128xf32, #tpu.memory_space<vmem>>
        %dma_start3A_389 = arith.constant 0 : i32
        %dma_start3A_390 = tpu.memref_slice %arg7[%dma_start3A_382, %dma_start3A_389] : memref<4x128xi32, #tpu.memory_space<vmem>> -> memref<1x128xi32, #tpu.memory_space<vmem>>
        %dma_start3A_391 = tpu.memref_squeeze %dma_start3A_390 : memref<1x128xi32, #tpu.memory_space<vmem>> -> memref<128xi32, #tpu.memory_space<vmem>>
        %dma_start3A_392 = arith.constant 0 : i32
        %dma_start3A_393 = arith.constant 0 : i32
        %dma_start3A_394 = tpu.memref_slice %arg2[%dma_start3A_392, %dma_start3A_393] : memref<10000x128xf32, #tpu.memory_space<hbm>> -> memref<10000x128xf32, #tpu.memory_space<hbm>>
        %dma_start3A_395 = tpu.memref_slice %arg12[%dma_start3A_384] : memref<2x!tpu.dma_semaphore, #tpu.memory_space<semaphore_mem>> -> memref<1x!tpu.dma_semaphore, #tpu.memory_space<semaphore_mem>>
        %dma_start3A_396 = tpu.memref_squeeze %dma_start3A_395 : memref<1x!tpu.dma_semaphore, #tpu.memory_space<semaphore_mem>> -> memref<!tpu.dma_semaphore, #tpu.memory_space<semaphore_mem>>
        tpu.enqueue_indirect_dma source(%dma_start3A_394 : memref<10000x128xf32, #tpu.memory_space<hbm>>) target(%dma_start3A_388 : memref<128x128xf32, #tpu.memory_space<vmem>>) offsets(%dma_start3A_391 : memref<128xi32, #tpu.memory_space<vmem>>) semaphore(%dma_start3A_396 : memref<!tpu.dma_semaphore, #tpu.memory_space<semaphore_mem>>)
      } else {
      }
      %mul3A_322 = arith.constant 4 : i32
      %mul3A_323 = arith.muli %mul3A_322, %while3A_141 : i32
      %add3A_324 = arith.constant 3 : i32
      %add3A_325 = arith.addi %mul3A_323, %add3A_324 : i32
      %dma_wait3A_326 = arith.constant 3 : i32
      %dma_wait3A_327 = arith.constant 1 : i32
      %dma_wait3A_328 = arith.constant 1 : i32
      %dma_wait3A_329 = arith.constant 0 : i32
      %dma_wait3A_330 = arith.constant 0 : i32
      %dma_wait3A_331 = tpu.memref_slice %arg9[%dma_wait3A_327, %dma_wait3A_329, %dma_wait3A_330] : memref<2x128x128xf32, #tpu.memory_space<vmem>> -> memref<1x128x128xf32, #tpu.memory_space<vmem>>
      %dma_wait3A_332 = tpu.memref_squeeze %dma_wait3A_331 : memref<1x128x128xf32, #tpu.memory_space<vmem>> -> memref<128x128xf32, #tpu.memory_space<vmem>>
      %dma_wait3A_333 = arith.constant 0 : i32
      %dma_wait3A_334 = tpu.memref_slice %arg7[%dma_wait3A_326, %dma_wait3A_333] : memref<4x128xi32, #tpu.memory_space<vmem>> -> memref<1x128xi32, #tpu.memory_space<vmem>>
      %dma_wait3A_335 = tpu.memref_squeeze %dma_wait3A_334 : memref<1x128xi32, #tpu.memory_space<vmem>> -> memref<128xi32, #tpu.memory_space<vmem>>
      %dma_wait3A_336 = arith.constant 0 : i32
      %dma_wait3A_337 = arith.constant 0 : i32
      %dma_wait3A_338 = tpu.memref_slice %arg2[%dma_wait3A_336, %dma_wait3A_337] : memref<10000x128xf32, #tpu.memory_space<hbm>> -> memref<10000x128xf32, #tpu.memory_space<hbm>>
      %dma_wait3A_339 = tpu.memref_slice %arg12[%dma_wait3A_328] : memref<2x!tpu.dma_semaphore, #tpu.memory_space<semaphore_mem>> -> memref<1x!tpu.dma_semaphore, #tpu.memory_space<semaphore_mem>>
      %dma_wait3A_340 = tpu.memref_squeeze %dma_wait3A_339 : memref<1x!tpu.dma_semaphore, #tpu.memory_space<semaphore_mem>> -> memref<!tpu.dma_semaphore, #tpu.memory_space<semaphore_mem>>
      tpu.wait_indirect_dma semaphore(%dma_wait3A_340 : memref<!tpu.dma_semaphore, #tpu.memory_space<semaphore_mem>>) src(%dma_wait3A_338 : memref<10000x128xf32, #tpu.memory_space<hbm>>) dst(%dma_wait3A_332 : memref<128x128xf32, #tpu.memory_space<vmem>>)
      %dma_start3A_341 = arith.constant 1 : i32
      %dma_start3A_342 = arith.constant 1 : i32
      %dma_start3A_343 = arith.constant 0 : i32
      %dma_start3A_344 = arith.constant 0 : i32
      %dma_start3A_345 = tpu.memref_slice %arg9[%dma_start3A_341, %dma_start3A_343, %dma_start3A_344] : memref<2x128x128xf32, #tpu.memory_space<vmem>> -> memref<1x128x128xf32, #tpu.memory_space<vmem>>
      %dma_start3A_346 = tpu.memref_squeeze %dma_start3A_345 : memref<1x128x128xf32, #tpu.memory_space<vmem>> -> memref<128x128xf32, #tpu.memory_space<vmem>>
      %dma_start3A_347 = arith.constant 0 : i32
      %dma_start3A_348 = tpu.memref_slice %arg8[%add3A_325, %dma_start3A_347] : memref<80x128xi32, #tpu.memory_space<vmem>> -> memref<1x128xi32, #tpu.memory_space<vmem>>
      %dma_start3A_349 = tpu.memref_squeeze %dma_start3A_348 : memref<1x128xi32, #tpu.memory_space<vmem>> -> memref<128xi32, #tpu.memory_space<vmem>>
      %dma_start3A_350 = arith.constant 0 : i32
      %dma_start3A_351 = arith.constant 0 : i32
      %dma_start3A_352 = tpu.memref_slice %arg10[%dma_start3A_350, %dma_start3A_351] : memref<10240x128xf32, #tpu.memory_space<vmem_shared>> -> memref<10240x128xf32, #tpu.memory_space<vmem_shared>>
      %dma_start3A_353 = tpu.memref_slice %arg13[%dma_start3A_342] : memref<2x!tpu.dma_semaphore, #tpu.memory_space<semaphore_mem>> -> memref<1x!tpu.dma_semaphore, #tpu.memory_space<semaphore_mem>>
      %dma_start3A_354 = tpu.memref_squeeze %dma_start3A_353 : memref<1x!tpu.dma_semaphore, #tpu.memory_space<semaphore_mem>> -> memref<!tpu.dma_semaphore, #tpu.memory_space<semaphore_mem>>
      tpu.enqueue_indirect_dma source(%dma_start3A_346 : memref<128x128xf32, #tpu.memory_space<vmem>>) target(%dma_start3A_352 : memref<10240x128xf32, #tpu.memory_space<vmem_shared>>) offsets(%dma_start3A_349 : memref<128xi32, #tpu.memory_space<vmem>>) semaphore(%dma_start3A_354 : memref<!tpu.dma_semaphore, #tpu.memory_space<semaphore_mem>>) {add = true}
      %add3A_355 = arith.constant 2 : i32
      %add3A_356 = arith.addi %add3A_325, %add3A_355 : i32
      %lt3A_357 = arith.cmpi slt, %add3A_356, %select_n3A : i32
      %convert_element_type3A_358 = arith.extui %lt3A_357 : i1 to i32
      %cond3A_359 = arith.constant 0 : i32
      %cond3A_360 = arith.cmpi ne, %convert_element_type3A_358, %cond3A_359 : i32
      scf.if %cond3A_360 {
        %add3A_382 = arith.constant 2 : i32
        %add3A_383 = arith.addi %add3A_325, %add3A_382 : i32
        %add3A_384 = arith.addi %select_n3A_8, %add3A_383 : i32
        %lt3A_385 = arith.constant 2500 : i32
        %lt3A_386 = arith.cmpi slt, %add3A_384, %lt3A_385 : i32
        %convert_element_type3A_387 = arith.extui %lt3A_386 : i1 to i32
        %cond3A_388 = arith.constant 0 : i32
        %cond3A_389 = arith.cmpi ne, %convert_element_type3A_387, %cond3A_388 : i32
        scf.if %cond3A_389 {
          %mul3A_395 = arith.constant 128 : i32
          %mul3A_396 = arith.muli %add3A_384, %mul3A_395 : i32
          %dma_start3A_397 = arith.constant 1 : i32
          %dma_start3A_398 = arith.constant 1 : i32
          %dma_start3A_399 = arith.constant 0 : i32
          %dma_start3A_400 = tpu.memref_slice %arg7[%dma_start3A_397, %dma_start3A_399] : memref<4x128xi32, #tpu.memory_space<vmem>> -> memref<1x128xi32, #tpu.memory_space<vmem>>
          %dma_start3A_401 = tpu.memref_squeeze %dma_start3A_400 : memref<1x128xi32, #tpu.memory_space<vmem>> -> memref<128xi32, #tpu.memory_space<vmem>>
          %dma_start3A_402 = tpu.memref_slice %arg3[%mul3A_396] : memref<320000xi32, #tpu.memory_space<hbm>> -> memref<128xi32, #tpu.memory_space<hbm>>
          %dma_start3A_403 = tpu.memref_slice %arg11[%dma_start3A_398] : memref<4x!tpu.dma_semaphore, #tpu.memory_space<semaphore_mem>> -> memref<1x!tpu.dma_semaphore, #tpu.memory_space<semaphore_mem>>
          %dma_start3A_404 = tpu.memref_squeeze %dma_start3A_403 : memref<1x!tpu.dma_semaphore, #tpu.memory_space<semaphore_mem>> -> memref<!tpu.dma_semaphore, #tpu.memory_space<semaphore_mem>>
          %dma_start3A_405 = arith.constant 0 : i32
          %dma_start3A_406 = tpu.memref_slice %arg7[%dma_start3A_397, %dma_start3A_405] : memref<4x128xi32, #tpu.memory_space<vmem>> -> memref<1x128xi32, #tpu.memory_space<vmem>>
          %dma_start3A_407 = tpu.memref_squeeze %dma_start3A_406 : memref<1x128xi32, #tpu.memory_space<vmem>> -> memref<128xi32, #tpu.memory_space<vmem>>
          %dma_start3A_408 = tpu.memref_slice %arg3[%mul3A_396] : memref<320000xi32, #tpu.memory_space<hbm>> -> memref<128xi32, #tpu.memory_space<hbm>>
          tpu.enqueue_dma source(%dma_start3A_408 : memref<128xi32, #tpu.memory_space<hbm>>) target(%dma_start3A_407 : memref<128xi32, #tpu.memory_space<vmem>>) target_semaphore(%dma_start3A_404 : memref<!tpu.dma_semaphore, #tpu.memory_space<semaphore_mem>>)
        } else {
        }
        %ge3A_390 = arith.constant 2500 : i32
        %ge3A_391 = arith.cmpi sge, %add3A_384, %ge3A_390 : i32
        %convert_element_type3A_392 = arith.extui %ge3A_391 : i1 to i32
        %cond3A_393 = arith.constant 0 : i32
        %cond3A_394 = arith.cmpi ne, %convert_element_type3A_392, %cond3A_393 : i32
        scf.if %cond3A_394 {
          %sub3A_395 = arith.constant 2500 : i32
          %sub3A_396 = arith.subi %add3A_384, %sub3A_395 : i32
          %mul3A_397 = arith.constant 128 : i32
          %mul3A_398 = arith.muli %sub3A_396, %mul3A_397 : i32
          %dma_start3A_399 = arith.constant 1 : i32
          %dma_start3A_400 = arith.constant 1 : i32
          %dma_start3A_401 = arith.constant 0 : i32
          %dma_start3A_402 = tpu.memref_slice %arg7[%dma_start3A_399, %dma_start3A_401] : memref<4x128xi32, #tpu.memory_space<vmem>> -> memref<1x128xi32, #tpu.memory_space<vmem>>
          %dma_start3A_403 = tpu.memref_squeeze %dma_start3A_402 : memref<1x128xi32, #tpu.memory_space<vmem>> -> memref<128xi32, #tpu.memory_space<vmem>>
          %dma_start3A_404 = tpu.memref_slice %arg4[%mul3A_398] : memref<7680xi32, #tpu.memory_space<hbm>> -> memref<128xi32, #tpu.memory_space<hbm>>
          %dma_start3A_405 = tpu.memref_slice %arg11[%dma_start3A_400] : memref<4x!tpu.dma_semaphore, #tpu.memory_space<semaphore_mem>> -> memref<1x!tpu.dma_semaphore, #tpu.memory_space<semaphore_mem>>
          %dma_start3A_406 = tpu.memref_squeeze %dma_start3A_405 : memref<1x!tpu.dma_semaphore, #tpu.memory_space<semaphore_mem>> -> memref<!tpu.dma_semaphore, #tpu.memory_space<semaphore_mem>>
          %dma_start3A_407 = arith.constant 0 : i32
          %dma_start3A_408 = tpu.memref_slice %arg7[%dma_start3A_399, %dma_start3A_407] : memref<4x128xi32, #tpu.memory_space<vmem>> -> memref<1x128xi32, #tpu.memory_space<vmem>>
          %dma_start3A_409 = tpu.memref_squeeze %dma_start3A_408 : memref<1x128xi32, #tpu.memory_space<vmem>> -> memref<128xi32, #tpu.memory_space<vmem>>
          %dma_start3A_410 = tpu.memref_slice %arg4[%mul3A_398] : memref<7680xi32, #tpu.memory_space<hbm>> -> memref<128xi32, #tpu.memory_space<hbm>>
          tpu.enqueue_dma source(%dma_start3A_410 : memref<128xi32, #tpu.memory_space<hbm>>) target(%dma_start3A_409 : memref<128xi32, #tpu.memory_space<vmem>>) target_semaphore(%dma_start3A_406 : memref<!tpu.dma_semaphore, #tpu.memory_space<semaphore_mem>>)
        } else {
        }
      } else {
      }
      %add3A_361 = arith.constant 1 : i32
      %add3A_362 = arith.addi %add3A_325, %add3A_361 : i32
      %lt3A_363 = arith.cmpi slt, %add3A_362, %select_n3A : i32
      %convert_element_type3A_364 = arith.extui %lt3A_363 : i1 to i32
      %cond3A_365 = arith.constant 0 : i32
      %cond3A_366 = arith.cmpi ne, %convert_element_type3A_364, %cond3A_365 : i32
      scf.if %cond3A_366 {
        %dma_wait3A_382 = arith.constant 0 : i32
        %dma_wait3A_383 = arith.constant 0 : i32
        %dma_wait3A_384 = arith.constant 0 : i32
        %dma_wait3A_385 = tpu.memref_slice %arg7[%dma_wait3A_382, %dma_wait3A_384] : memref<4x128xi32, #tpu.memory_space<vmem>> -> memref<1x128xi32, #tpu.memory_space<vmem>>
        %dma_wait3A_386 = tpu.memref_squeeze %dma_wait3A_385 : memref<1x128xi32, #tpu.memory_space<vmem>> -> memref<128xi32, #tpu.memory_space<vmem>>
        %dma_wait3A_387 = arith.constant 0 : i32
        %dma_wait3A_388 = tpu.memref_slice %arg3[%dma_wait3A_387] : memref<320000xi32, #tpu.memory_space<hbm>> -> memref<128xi32, #tpu.memory_space<hbm>>
        %dma_wait3A_389 = tpu.memref_slice %arg11[%dma_wait3A_383] : memref<4x!tpu.dma_semaphore, #tpu.memory_space<semaphore_mem>> -> memref<1x!tpu.dma_semaphore, #tpu.memory_space<semaphore_mem>>
        %dma_wait3A_390 = tpu.memref_squeeze %dma_wait3A_389 : memref<1x!tpu.dma_semaphore, #tpu.memory_space<semaphore_mem>> -> memref<!tpu.dma_semaphore, #tpu.memory_space<semaphore_mem>>
        %dma_wait3A_391 = arith.constant 0 : i32
        %dma_wait3A_392 = tpu.memref_slice %arg7[%dma_wait3A_382, %dma_wait3A_391] : memref<4x128xi32, #tpu.memory_space<vmem>> -> memref<1x128xi32, #tpu.memory_space<vmem>>
        %dma_wait3A_393 = tpu.memref_squeeze %dma_wait3A_392 : memref<1x128xi32, #tpu.memory_space<vmem>> -> memref<128xi32, #tpu.memory_space<vmem>>
        %dma_wait3A_394 = arith.constant 0 : i32
        %dma_wait3A_395 = tpu.memref_slice %arg3[%dma_wait3A_394] : memref<320000xi32, #tpu.memory_space<hbm>> -> memref<128xi32, #tpu.memory_space<hbm>>
        tpu.wait_dma2 semaphore(%dma_wait3A_390 : memref<!tpu.dma_semaphore, #tpu.memory_space<semaphore_mem>>) src(%dma_wait3A_395 : memref<128xi32, #tpu.memory_space<hbm>>) dst(%dma_wait3A_393 : memref<128xi32, #tpu.memory_space<vmem>>)
      } else {
      }
      %add3A_367 = arith.constant 1 : i32
      %add3A_368 = arith.addi %add3A_325, %add3A_367 : i32
      %lt3A_369 = arith.cmpi slt, %add3A_368, %select_n3A : i32
      %ge3A_370 = arith.constant 1 : i32
      %ge3A_371 = arith.cmpi sge, %add3A_325, %ge3A_370 : i32
      %and3A_372 = arith.andi %lt3A_369, %ge3A_371 : i1
      %convert_element_type3A_373 = arith.extui %and3A_372 : i1 to i32
      %cond3A_374 = arith.constant 0 : i32
      %cond3A_375 = arith.cmpi ne, %convert_element_type3A_373, %cond3A_374 : i32
      scf.if %cond3A_375 {
        %sub3A_382 = arith.constant 1 : i32
        %sub3A_383 = arith.subi %add3A_325, %sub3A_382 : i32
        %dma_wait3A_384 = arith.constant 0 : i32
        %dma_wait3A_385 = arith.constant 0 : i32
        %dma_wait3A_386 = arith.constant 0 : i32
        %dma_wait3A_387 = arith.constant 0 : i32
        %dma_wait3A_388 = tpu.memref_slice %arg9[%dma_wait3A_384, %dma_wait3A_386, %dma_wait3A_387] : memref<2x128x128xf32, #tpu.memory_space<vmem>> -> memref<1x128x128xf32, #tpu.memory_space<vmem>>
        %dma_wait3A_389 = tpu.memref_squeeze %dma_wait3A_388 : memref<1x128x128xf32, #tpu.memory_space<vmem>> -> memref<128x128xf32, #tpu.memory_space<vmem>>
        %dma_wait3A_390 = arith.constant 0 : i32
        %dma_wait3A_391 = tpu.memref_slice %arg8[%sub3A_383, %dma_wait3A_390] : memref<80x128xi32, #tpu.memory_space<vmem>> -> memref<1x128xi32, #tpu.memory_space<vmem>>
        %dma_wait3A_392 = tpu.memref_squeeze %dma_wait3A_391 : memref<1x128xi32, #tpu.memory_space<vmem>> -> memref<128xi32, #tpu.memory_space<vmem>>
        %dma_wait3A_393 = arith.constant 0 : i32
        %dma_wait3A_394 = arith.constant 0 : i32
        %dma_wait3A_395 = tpu.memref_slice %arg10[%dma_wait3A_393, %dma_wait3A_394] : memref<10240x128xf32, #tpu.memory_space<vmem_shared>> -> memref<10240x128xf32, #tpu.memory_space<vmem_shared>>
        %dma_wait3A_396 = tpu.memref_slice %arg13[%dma_wait3A_385] : memref<2x!tpu.dma_semaphore, #tpu.memory_space<semaphore_mem>> -> memref<1x!tpu.dma_semaphore, #tpu.memory_space<semaphore_mem>>
        %dma_wait3A_397 = tpu.memref_squeeze %dma_wait3A_396 : memref<1x!tpu.dma_semaphore, #tpu.memory_space<semaphore_mem>> -> memref<!tpu.dma_semaphore, #tpu.memory_space<semaphore_mem>>
        tpu.wait_indirect_dma semaphore(%dma_wait3A_397 : memref<!tpu.dma_semaphore, #tpu.memory_space<semaphore_mem>>) src(%dma_wait3A_389 : memref<128x128xf32, #tpu.memory_space<vmem>>) dst(%dma_wait3A_395 : memref<10240x128xf32, #tpu.memory_space<vmem_shared>>)
      } else {
      }
      %add3A_376 = arith.constant 1 : i32
      %add3A_377 = arith.addi %add3A_325, %add3A_376 : i32
      %lt3A_378 = arith.cmpi slt, %add3A_377, %select_n3A : i32
      %convert_element_type3A_379 = arith.extui %lt3A_378 : i1 to i32
      %cond3A_380 = arith.constant 0 : i32
      %cond3A_381 = arith.cmpi ne, %convert_element_type3A_379, %cond3A_380 : i32
      scf.if %cond3A_381 {
        %dma_start3A_382 = arith.constant 0 : i32
        %dma_start3A_383 = arith.constant 0 : i32
        %dma_start3A_384 = arith.constant 0 : i32
        %dma_start3A_385 = arith.constant 0 : i32
        %dma_start3A_386 = arith.constant 0 : i32
        %dma_start3A_387 = tpu.memref_slice %arg9[%dma_start3A_383, %dma_start3A_385, %dma_start3A_386] : memref<2x128x128xf32, #tpu.memory_space<vmem>> -> memref<1x128x128xf32, #tpu.memory_space<vmem>>
        %dma_start3A_388 = tpu.memref_squeeze %dma_start3A_387 : memref<1x128x128xf32, #tpu.memory_space<vmem>> -> memref<128x128xf32, #tpu.memory_space<vmem>>
        %dma_start3A_389 = arith.constant 0 : i32
        %dma_start3A_390 = tpu.memref_slice %arg7[%dma_start3A_382, %dma_start3A_389] : memref<4x128xi32, #tpu.memory_space<vmem>> -> memref<1x128xi32, #tpu.memory_space<vmem>>
        %dma_start3A_391 = tpu.memref_squeeze %dma_start3A_390 : memref<1x128xi32, #tpu.memory_space<vmem>> -> memref<128xi32, #tpu.memory_space<vmem>>
        %dma_start3A_392 = arith.constant 0 : i32
        %dma_start3A_393 = arith.constant 0 : i32
        %dma_start3A_394 = tpu.memref_slice %arg2[%dma_start3A_392, %dma_start3A_393] : memref<10000x128xf32, #tpu.memory_space<hbm>> -> memref<10000x128xf32, #tpu.memory_space<hbm>>
        %dma_start3A_395 = tpu.memref_slice %arg12[%dma_start3A_384] : memref<2x!tpu.dma_semaphore, #tpu.memory_space<semaphore_mem>> -> memref<1x!tpu.dma_semaphore, #tpu.memory_space<semaphore_mem>>
        %dma_start3A_396 = tpu.memref_squeeze %dma_start3A_395 : memref<1x!tpu.dma_semaphore, #tpu.memory_space<semaphore_mem>> -> memref<!tpu.dma_semaphore, #tpu.memory_space<semaphore_mem>>
        tpu.enqueue_indirect_dma source(%dma_start3A_394 : memref<10000x128xf32, #tpu.memory_space<hbm>>) target(%dma_start3A_388 : memref<128x128xf32, #tpu.memory_space<vmem>>) offsets(%dma_start3A_391 : memref<128xi32, #tpu.memory_space<vmem>>) semaphore(%dma_start3A_396 : memref<!tpu.dma_semaphore, #tpu.memory_space<semaphore_mem>>)
      } else {
      }
    }
    %sub3A_104 = arith.constant 2 : i32
    %sub3A_105 = arith.subi %select_n3A, %sub3A_104 : i32
    %add3A_106 = arith.constant 0 : i32
    %add3A_107 = arith.addi %sub3A_105, %add3A_106 : i32
    %dma_wait3A_108 = arith.constant 0 : i32
    %dma_wait3A_109 = arith.constant 0 : i32
    %dma_wait3A_110 = arith.constant 0 : i32
    %dma_wait3A_111 = arith.constant 0 : i32
    %dma_wait3A_112 = tpu.memref_slice %arg9[%dma_wait3A_108, %dma_wait3A_110, %dma_wait3A_111] : memref<2x128x128xf32, #tpu.memory_space<vmem>> -> memref<1x128x128xf32, #tpu.memory_space<vmem>>
    %dma_wait3A_113 = tpu.memref_squeeze %dma_wait3A_112 : memref<1x128x128xf32, #tpu.memory_space<vmem>> -> memref<128x128xf32, #tpu.memory_space<vmem>>
    %dma_wait3A_114 = arith.constant 0 : i32
    %dma_wait3A_115 = tpu.memref_slice %arg8[%add3A_107, %dma_wait3A_114] : memref<80x128xi32, #tpu.memory_space<vmem>> -> memref<1x128xi32, #tpu.memory_space<vmem>>
    %dma_wait3A_116 = tpu.memref_squeeze %dma_wait3A_115 : memref<1x128xi32, #tpu.memory_space<vmem>> -> memref<128xi32, #tpu.memory_space<vmem>>
    %dma_wait3A_117 = arith.constant 0 : i32
    %dma_wait3A_118 = arith.constant 0 : i32
    %dma_wait3A_119 = tpu.memref_slice %arg10[%dma_wait3A_117, %dma_wait3A_118] : memref<10240x128xf32, #tpu.memory_space<vmem_shared>> -> memref<10240x128xf32, #tpu.memory_space<vmem_shared>>
    %dma_wait3A_120 = tpu.memref_slice %arg13[%dma_wait3A_109] : memref<2x!tpu.dma_semaphore, #tpu.memory_space<semaphore_mem>> -> memref<1x!tpu.dma_semaphore, #tpu.memory_space<semaphore_mem>>
    %dma_wait3A_121 = tpu.memref_squeeze %dma_wait3A_120 : memref<1x!tpu.dma_semaphore, #tpu.memory_space<semaphore_mem>> -> memref<!tpu.dma_semaphore, #tpu.memory_space<semaphore_mem>>
    tpu.wait_indirect_dma semaphore(%dma_wait3A_121 : memref<!tpu.dma_semaphore, #tpu.memory_space<semaphore_mem>>) src(%dma_wait3A_113 : memref<128x128xf32, #tpu.memory_space<vmem>>) dst(%dma_wait3A_119 : memref<10240x128xf32, #tpu.memory_space<vmem_shared>>)
    %sub3A_122 = arith.constant 2 : i32
    %sub3A_123 = arith.subi %select_n3A, %sub3A_122 : i32
    %add3A_124 = arith.constant 1 : i32
    %add3A_125 = arith.addi %sub3A_123, %add3A_124 : i32
    %dma_wait3A_126 = arith.constant 1 : i32
    %dma_wait3A_127 = arith.constant 1 : i32
    %dma_wait3A_128 = arith.constant 0 : i32
    %dma_wait3A_129 = arith.constant 0 : i32
    %dma_wait3A_130 = tpu.memref_slice %arg9[%dma_wait3A_126, %dma_wait3A_128, %dma_wait3A_129] : memref<2x128x128xf32, #tpu.memory_space<vmem>> -> memref<1x128x128xf32, #tpu.memory_space<vmem>>
    %dma_wait3A_131 = tpu.memref_squeeze %dma_wait3A_130 : memref<1x128x128xf32, #tpu.memory_space<vmem>> -> memref<128x128xf32, #tpu.memory_space<vmem>>
    %dma_wait3A_132 = arith.constant 0 : i32
    %dma_wait3A_133 = tpu.memref_slice %arg8[%add3A_125, %dma_wait3A_132] : memref<80x128xi32, #tpu.memory_space<vmem>> -> memref<1x128xi32, #tpu.memory_space<vmem>>
    %dma_wait3A_134 = tpu.memref_squeeze %dma_wait3A_133 : memref<1x128xi32, #tpu.memory_space<vmem>> -> memref<128xi32, #tpu.memory_space<vmem>>
    %dma_wait3A_135 = arith.constant 0 : i32
    %dma_wait3A_136 = arith.constant 0 : i32
    %dma_wait3A_137 = tpu.memref_slice %arg10[%dma_wait3A_135, %dma_wait3A_136] : memref<10240x128xf32, #tpu.memory_space<vmem_shared>> -> memref<10240x128xf32, #tpu.memory_space<vmem_shared>>
    %dma_wait3A_138 = tpu.memref_slice %arg13[%dma_wait3A_127] : memref<2x!tpu.dma_semaphore, #tpu.memory_space<semaphore_mem>> -> memref<1x!tpu.dma_semaphore, #tpu.memory_space<semaphore_mem>>
    %dma_wait3A_139 = tpu.memref_squeeze %dma_wait3A_138 : memref<1x!tpu.dma_semaphore, #tpu.memory_space<semaphore_mem>> -> memref<!tpu.dma_semaphore, #tpu.memory_space<semaphore_mem>>
    tpu.wait_indirect_dma semaphore(%dma_wait3A_139 : memref<!tpu.dma_semaphore, #tpu.memory_space<semaphore_mem>>) src(%dma_wait3A_131 : memref<128x128xf32, #tpu.memory_space<vmem>>) dst(%dma_wait3A_137 : memref<10240x128xf32, #tpu.memory_space<vmem_shared>>)
    %barrier3A_140 = arith.constant 0 : index
    tpu.barrier barrier_id(%barrier3A_140)
    "tpu.region"() ({
      %run_scoped3A_141 = tpu.sem_alloc : memref<!tpu.dma_semaphore, #tpu.memory_space<semaphore_mem>>
      %dma_start3A_142 = arith.constant 0 : i32
      %dma_start3A_143 = tpu.memref_slice %arg6[%arg0, %mul3A_10, %dma_start3A_142] : memref<2x10240x128xf32, #tpu.memory_space<hbm>> -> memref<1x640x128xf32, #tpu.memory_space<hbm>>
      %dma_start3A_144 = tpu.memref_squeeze %dma_start3A_143 : memref<1x640x128xf32, #tpu.memory_space<hbm>> -> memref<640x128xf32, #tpu.memory_space<hbm>>
      %dma_start3A_145 = arith.constant 0 : i32
      %dma_start3A_146 = tpu.memref_slice %arg10[%mul3A_10, %dma_start3A_145] : memref<10240x128xf32, #tpu.memory_space<vmem_shared>> -> memref<640x128xf32, #tpu.memory_space<vmem_shared>>
      tpu.enqueue_dma source(%dma_start3A_146 : memref<640x128xf32, #tpu.memory_space<vmem_shared>>) target(%dma_start3A_144 : memref<640x128xf32, #tpu.memory_space<hbm>>) target_semaphore(%run_scoped3A_141 : memref<!tpu.dma_semaphore, #tpu.memory_space<semaphore_mem>>)
      %dma_wait3A_147 = arith.constant 0 : i32
      %dma_wait3A_148 = tpu.memref_slice %arg6[%arg0, %mul3A_10, %dma_wait3A_147] : memref<2x10240x128xf32, #tpu.memory_space<hbm>> -> memref<1x640x128xf32, #tpu.memory_space<hbm>>
      %dma_wait3A_149 = tpu.memref_squeeze %dma_wait3A_148 : memref<1x640x128xf32, #tpu.memory_space<hbm>> -> memref<640x128xf32, #tpu.memory_space<hbm>>
      %dma_wait3A_150 = arith.constant 0 : i32
      %dma_wait3A_151 = tpu.memref_slice %arg10[%mul3A_10, %dma_wait3A_150] : memref<10240x128xf32, #tpu.memory_space<vmem_shared>> -> memref<640x128xf32, #tpu.memory_space<vmem_shared>>
      tpu.wait_dma2 semaphore(%run_scoped3A_141 : memref<!tpu.dma_semaphore, #tpu.memory_space<semaphore_mem>>) src(%dma_wait3A_151 : memref<640x128xf32, #tpu.memory_space<vmem_shared>>) dst(%dma_wait3A_149 : memref<640x128xf32, #tpu.memory_space<hbm>>)
      tpu.yield
    }) : () -> ()
    return
  }
}

module attributes {stable_mosaic.version = 14 : i64} {
  func.func @_xs_body(%arg0: i32, %arg1: memref<2000x2xf32, #tpu.memory_space<vmem>>, %arg2: memref<2000x128xf32, #tpu.memory_space<vmem>>, %arg3: memref<2000x128xf32, #tpu.memory_space<vmem>>) attributes {dimension_semantics = [#tpu.dimension_semantics<arbitrary>], iteration_bounds = array<i64: 5>, scalar_prefetch = 0 : i64, scratch_operands = 0 : i64, tpu.core_type = #tpu.core_type<tc>, window_params = [{transform_indices = @transform_0, window_bounds = array<i64: 2000, 2>}, {transform_indices = @transform_1, window_bounds = array<i64: 2000, 128>}, {transform_indices = @transform_2, window_bounds = array<i64: 2000, 128>}]} {
    %get3A = arith.constant 0 : index
    %get3A_0 = arith.constant 0 : index
    %get3A_1 = vector.load %arg1[%get3A, %get3A_0] : memref<2000x2xf32, #tpu.memory_space<vmem>>, vector<2000x1xf32>
    %get3A_2 = arith.constant 0 : index
    %get3A_3 = arith.constant 1 : index
    %get3A_4 = vector.load %arg1[%get3A_2, %get3A_3] : memref<2000x2xf32, #tpu.memory_space<vmem>>, vector<2000x1xf32>
    %add3A = arith.addf %get3A_1, %get3A_4 : vector<2000x1xf32>
    %add3A_5 = arith.constant 1.000000e+00 : f32
    %add3A_6 = vector.broadcast %add3A_5 : f32 to vector<2000x1xf32>
    %add3A_7 = arith.addf %add3A, %add3A_6 : vector<2000x1xf32>
    %get3A_8 = arith.constant 0 : index
    %get3A_9 = arith.constant 0 : index
    %get3A_10 = vector.load %arg2[%get3A_8, %get3A_9] : memref<2000x128xf32, #tpu.memory_space<vmem>>, vector<2000x128xf32>
    %rsqrt3A = math.rsqrt %add3A_7 : vector<2000x1xf32>
    %mul3A = vector.broadcast %rsqrt3A : vector<2000x1xf32> to vector<2000x128xf32>
    %mul3A_11 = arith.mulf %get3A_10, %mul3A : vector<2000x128xf32>
    %swap3A = arith.constant 0 : index
    %swap3A_12 = arith.constant 0 : index
    %swap3A_13 = vector.load %arg3[%swap3A, %swap3A_12] : memref<2000x128xf32, #tpu.memory_space<vmem>>, vector<2000x128xf32>
    tpu.vector_store %arg3[%swap3A, %swap3A_12], %mul3A_11 {strides = array<i32>} : memref<2000x128xf32, #tpu.memory_space<vmem>>, vector<2000x128xf32>,
    return
  }
  func.func @transform_0(%arg0: i32) -> (i32, i32) {
    %c0_i32 = arith.constant 0 : i32
    %c0_i32_0 = arith.constant 0 : i32
    return %arg0, %c0_i32 : i32, i32
  }
  func.func @transform_1(%arg0: i32) -> (i32, i32) {
    %c0_i32 = arith.constant 0 : i32
    %c0_i32_0 = arith.constant 0 : i32
    return %arg0, %c0_i32 : i32, i32
  }
  func.func @transform_2(%arg0: i32) -> (i32, i32) {
    %c0_i32 = arith.constant 0 : i32
    %c0_i32_0 = arith.constant 0 : i32
    return %arg0, %c0_i32 : i32, i32
  }
}

module attributes {stable_mosaic.version = 14 : i64} {
  func.func @_dense_body(%arg0: i32, %arg1: memref<2x2000x128xf32, #tpu.memory_space<vmem>>, %arg2: memref<2000x2xf32, #tpu.memory_space<vmem>>, %arg3: memref<2000x128xf32, #tpu.memory_space<vmem>>, %arg4: memref<128x128xf32, #tpu.memory_space<vmem>>, %arg5: memref<1x128xf32, #tpu.memory_space<vmem>>, %arg6: memref<128x128xf32, #tpu.memory_space<vmem>>, %arg7: memref<1x128xf32, #tpu.memory_space<vmem>>, %arg8: memref<128x128xf32, #tpu.memory_space<vmem>>, %arg9: memref<1x128xf32, #tpu.memory_space<vmem>>, %arg10: memref<128x128xf32, #tpu.memory_space<vmem>>, %arg11: memref<1x128xf32, #tpu.memory_space<vmem>>, %arg12: memref<128x64xf32, #tpu.memory_space<vmem>>, %arg13: memref<128x64xf32, #tpu.memory_space<vmem>>, %arg14: memref<1x64xf32, #tpu.memory_space<vmem>>, %arg15: memref<2000x64xf32, #tpu.memory_space<vmem>>) attributes {dimension_semantics = [#tpu.dimension_semantics<arbitrary>], iteration_bounds = array<i64: 5>, scalar_prefetch = 0 : i64, scratch_operands = 0 : i64, tpu.core_type = #tpu.core_type<tc>, window_params = [{transform_indices = @transform_0, window_bounds = array<i64: 2, 2000, 128>}, {transform_indices = @transform_1, window_bounds = array<i64: 2000, 2>}, {transform_indices = @transform_2, window_bounds = array<i64: 2000, 128>}, {pipeline_mode = #tpu.pipeline_mode<synchronous>, transform_indices = @transform_3, window_bounds = array<i64: 128, 128>}, {pipeline_mode = #tpu.pipeline_mode<synchronous>, transform_indices = @transform_4, window_bounds = array<i64: 1, 128>}, {pipeline_mode = #tpu.pipeline_mode<synchronous>, transform_indices = @transform_5, window_bounds = array<i64: 128, 128>}, {pipeline_mode = #tpu.pipeline_mode<synchronous>, transform_indices = @transform_6, window_bounds = array<i64: 1, 128>}, {pipeline_mode = #tpu.pipeline_mode<synchronous>, transform_indices = @transform_7, window_bounds = array<i64: 128, 128>}, {pipeline_mode = #tpu.pipeline_mode<synchronous>, transform_indices = @transform_8, window_bounds = array<i64: 1, 128>}, {pipeline_mode = #tpu.pipeline_mode<synchronous>, transform_indices = @transform_9, window_bounds = array<i64: 128, 128>}, {pipeline_mode = #tpu.pipeline_mode<synchronous>, transform_indices = @transform_10, window_bounds = array<i64: 1, 128>}, {pipeline_mode = #tpu.pipeline_mode<synchronous>, transform_indices = @transform_11, window_bounds = array<i64: 128, 64>}, {pipeline_mode = #tpu.pipeline_mode<synchronous>, transform_indices = @transform_12, window_bounds = array<i64: 128, 64>}, {pipeline_mode = #tpu.pipeline_mode<synchronous>, transform_indices = @transform_13, window_bounds = array<i64: 1, 64>}, {transform_indices = @transform_14, window_bounds = array<i64: 2000, 64>}]} {
    %get3A = arith.constant 0 : index
    %get3A_0 = arith.constant 0 : index
    %get3A_1 = vector.load %arg2[%get3A, %get3A_0] : memref<2000x2xf32, #tpu.memory_space<vmem>>, vector<2000x1xf32>
    %get3A_2 = arith.constant 0 : index
    %get3A_3 = arith.constant 1 : index
    %get3A_4 = vector.load %arg2[%get3A_2, %get3A_3] : memref<2000x2xf32, #tpu.memory_space<vmem>>, vector<2000x1xf32>
    %add3A = arith.addf %get3A_1, %get3A_4 : vector<2000x1xf32>
    %add3A_5 = arith.constant 1.000000e+00 : f32
    %add3A_6 = vector.broadcast %add3A_5 : f32 to vector<2000x1xf32>
    %add3A_7 = arith.addf %add3A, %add3A_6 : vector<2000x1xf32>
    %rsqrt3A = math.rsqrt %add3A_7 : vector<2000x1xf32>
    %get3A_8 = arith.constant 0 : index
    %get3A_9 = arith.constant 0 : index
    %get3A_10 = arith.constant 0 : index
    %get3A_11 = vector.load %arg1[%get3A_8, %get3A_9, %get3A_10] : memref<2x2000x128xf32, #tpu.memory_space<vmem>>, vector<1x2000x128xf32>
    %get3A_12 = vector.shape_cast %get3A_11 : vector<1x2000x128xf32> to vector<2000x128xf32>
    %get3A_13 = arith.constant 1 : index
    %get3A_14 = arith.constant 0 : index
    %get3A_15 = arith.constant 0 : index
    %get3A_16 = vector.load %arg1[%get3A_13, %get3A_14, %get3A_15] : memref<2x2000x128xf32, #tpu.memory_space<vmem>>, vector<1x2000x128xf32>
    %get3A_17 = vector.shape_cast %get3A_16 : vector<1x2000x128xf32> to vector<2000x128xf32>
    %add3A_18 = arith.addf %get3A_12, %get3A_17 : vector<2000x128xf32>
    %get3A_19 = arith.constant 0 : index
    %get3A_20 = arith.constant 0 : index
    %get3A_21 = vector.load %arg3[%get3A_19, %get3A_20] : memref<2000x128xf32, #tpu.memory_space<vmem>>, vector<2000x128xf32>
    %add3A_22 = arith.addf %add3A_18, %get3A_21 : vector<2000x128xf32>
    %mul3A = vector.broadcast %rsqrt3A : vector<2000x1xf32> to vector<2000x128xf32>
    %mul3A_23 = arith.mulf %add3A_22, %mul3A : vector<2000x128xf32>
    %get3A_24 = arith.constant 0 : index
    %get3A_25 = arith.constant 0 : index
    %get3A_26 = vector.load %arg4[%get3A_24, %get3A_25] : memref<128x128xf32, #tpu.memory_space<vmem>>, vector<128x128xf32>
    %dot_general3A = arith.constant dense<0.000000e+00> : vector<2000x128xf32>
    %dot_general3A_27 = tpu.matmul %mul3A_23, %get3A_26, %dot_general3A {dimension_numbers = #tpu.dot_dimension_numbers<[1], [0], [0], [1], [0, 0, 1, 1], [], []>, transpose_lhs_hint = false} : vector<2000x128xf32>, vector<128x128xf32>, vector<2000x128xf32> -> vector<2000x128xf32>
    %get3A_28 = arith.constant 0 : index
    %get3A_29 = arith.constant 0 : index
    %get3A_30 = vector.load %arg5[%get3A_28, %get3A_29] : memref<1x128xf32, #tpu.memory_space<vmem>>, vector<1x128xf32>
    %add3A_31 = vector.broadcast %get3A_30 : vector<1x128xf32> to vector<2000x128xf32>
    %add3A_32 = arith.addf %dot_general3A_27, %add3A_31 : vector<2000x128xf32>
    %max3A = arith.constant 0.000000e+00 : f32
    %max3A_33 = vector.broadcast %max3A : f32 to vector<2000x128xf32>
    %max3A_34 = arith.maximumf %add3A_32, %max3A_33 : vector<2000x128xf32>
    %min3A = arith.constant 0.000000e+00 : f32
    %min3A_35 = vector.broadcast %min3A : f32 to vector<2000x128xf32>
    %min3A_36 = arith.minimumf %add3A_32, %min3A_35 : vector<2000x128xf32>
    %exp3A = math.exp %min3A_36 : vector<2000x128xf32>
    %sub3A = arith.constant 1.000000e+00 : f32
    %sub3A_37 = vector.broadcast %sub3A : f32 to vector<2000x128xf32>
    %sub3A_38 = arith.subf %exp3A, %sub3A_37 : vector<2000x128xf32>
    %add3A_39 = arith.addf %max3A_34, %sub3A_38 : vector<2000x128xf32>
    %get3A_40 = arith.constant 0 : index
    %get3A_41 = arith.constant 0 : index
    %get3A_42 = vector.load %arg6[%get3A_40, %get3A_41] : memref<128x128xf32, #tpu.memory_space<vmem>>, vector<128x128xf32>
    %dot_general3A_43 = arith.constant dense<0.000000e+00> : vector<2000x128xf32>
    %dot_general3A_44 = tpu.matmul %add3A_39, %get3A_42, %dot_general3A_43 {dimension_numbers = #tpu.dot_dimension_numbers<[1], [0], [0], [1], [0, 0, 1, 1], [], []>, transpose_lhs_hint = false} : vector<2000x128xf32>, vector<128x128xf32>, vector<2000x128xf32> -> vector<2000x128xf32>
    %get3A_45 = arith.constant 0 : index
    %get3A_46 = arith.constant 0 : index
    %get3A_47 = vector.load %arg7[%get3A_45, %get3A_46] : memref<1x128xf32, #tpu.memory_space<vmem>>, vector<1x128xf32>
    %add3A_48 = vector.broadcast %get3A_47 : vector<1x128xf32> to vector<2000x128xf32>
    %add3A_49 = arith.addf %dot_general3A_44, %add3A_48 : vector<2000x128xf32>
    %get3A_50 = arith.constant 0 : index
    %get3A_51 = arith.constant 0 : index
    %get3A_52 = vector.load %arg8[%get3A_50, %get3A_51] : memref<128x128xf32, #tpu.memory_space<vmem>>, vector<128x128xf32>
    %dot_general3A_53 = arith.constant dense<0.000000e+00> : vector<2000x128xf32>
    %dot_general3A_54 = tpu.matmul %mul3A_23, %get3A_52, %dot_general3A_53 {dimension_numbers = #tpu.dot_dimension_numbers<[1], [0], [0], [1], [0, 0, 1, 1], [], []>, transpose_lhs_hint = false} : vector<2000x128xf32>, vector<128x128xf32>, vector<2000x128xf32> -> vector<2000x128xf32>
    %get3A_55 = arith.constant 0 : index
    %get3A_56 = arith.constant 0 : index
    %get3A_57 = vector.load %arg9[%get3A_55, %get3A_56] : memref<1x128xf32, #tpu.memory_space<vmem>>, vector<1x128xf32>
    %add3A_58 = vector.broadcast %get3A_57 : vector<1x128xf32> to vector<2000x128xf32>
    %add3A_59 = arith.addf %dot_general3A_54, %add3A_58 : vector<2000x128xf32>
    %max3A_60 = arith.constant 0.000000e+00 : f32
    %max3A_61 = vector.broadcast %max3A_60 : f32 to vector<2000x128xf32>
    %max3A_62 = arith.maximumf %add3A_59, %max3A_61 : vector<2000x128xf32>
    %min3A_63 = arith.constant 0.000000e+00 : f32
    %min3A_64 = vector.broadcast %min3A_63 : f32 to vector<2000x128xf32>
    %min3A_65 = arith.minimumf %add3A_59, %min3A_64 : vector<2000x128xf32>
    %exp3A_66 = math.exp %min3A_65 : vector<2000x128xf32>
    %sub3A_67 = arith.constant 1.000000e+00 : f32
    %sub3A_68 = vector.broadcast %sub3A_67 : f32 to vector<2000x128xf32>
    %sub3A_69 = arith.subf %exp3A_66, %sub3A_68 : vector<2000x128xf32>
    %add3A_70 = arith.addf %max3A_62, %sub3A_69 : vector<2000x128xf32>
    %get3A_71 = arith.constant 0 : index
    %get3A_72 = arith.constant 0 : index
    %get3A_73 = vector.load %arg10[%get3A_71, %get3A_72] : memref<128x128xf32, #tpu.memory_space<vmem>>, vector<128x128xf32>
    %dot_general3A_74 = arith.constant dense<0.000000e+00> : vector<2000x128xf32>
    %dot_general3A_75 = tpu.matmul %add3A_70, %get3A_73, %dot_general3A_74 {dimension_numbers = #tpu.dot_dimension_numbers<[1], [0], [0], [1], [0, 0, 1, 1], [], []>, transpose_lhs_hint = false} : vector<2000x128xf32>, vector<128x128xf32>, vector<2000x128xf32> -> vector<2000x128xf32>
    %get3A_76 = arith.constant 0 : index
    %get3A_77 = arith.constant 0 : index
    %get3A_78 = vector.load %arg11[%get3A_76, %get3A_77] : memref<1x128xf32, #tpu.memory_space<vmem>>, vector<1x128xf32>
    %add3A_79 = vector.broadcast %get3A_78 : vector<1x128xf32> to vector<2000x128xf32>
    %add3A_80 = arith.addf %dot_general3A_75, %add3A_79 : vector<2000x128xf32>
    %get3A_81 = arith.constant 0 : index
    %get3A_82 = arith.constant 0 : index
    %get3A_83 = vector.load %arg12[%get3A_81, %get3A_82] : memref<128x64xf32, #tpu.memory_space<vmem>>, vector<128x64xf32>
    %dot_general3A_84 = arith.constant dense<0.000000e+00> : vector<2000x64xf32>
    %dot_general3A_85 = tpu.matmul %add3A_49, %get3A_83, %dot_general3A_84 {dimension_numbers = #tpu.dot_dimension_numbers<[1], [0], [0], [1], [0, 0, 1, 1], [], []>, transpose_lhs_hint = false} : vector<2000x128xf32>, vector<128x64xf32>, vector<2000x64xf32> -> vector<2000x64xf32>
    %get3A_86 = arith.constant 0 : index
    %get3A_87 = arith.constant 0 : index
    %get3A_88 = vector.load %arg13[%get3A_86, %get3A_87] : memref<128x64xf32, #tpu.memory_space<vmem>>, vector<128x64xf32>
    %dot_general3A_89 = arith.constant dense<0.000000e+00> : vector<2000x64xf32>
    %dot_general3A_90 = tpu.matmul %add3A_80, %get3A_88, %dot_general3A_89 {dimension_numbers = #tpu.dot_dimension_numbers<[1], [0], [0], [1], [0, 0, 1, 1], [], []>, transpose_lhs_hint = false} : vector<2000x128xf32>, vector<128x64xf32>, vector<2000x64xf32> -> vector<2000x64xf32>
    %add3A_91 = arith.addf %dot_general3A_85, %dot_general3A_90 : vector<2000x64xf32>
    %get3A_92 = arith.constant 0 : index
    %get3A_93 = arith.constant 0 : index
    %get3A_94 = vector.load %arg14[%get3A_92, %get3A_93] : memref<1x64xf32, #tpu.memory_space<vmem>>, vector<1x64xf32>
    %add3A_95 = vector.broadcast %get3A_94 : vector<1x64xf32> to vector<2000x64xf32>
    %add3A_96 = arith.addf %add3A_91, %add3A_95 : vector<2000x64xf32>
    %swap3A = arith.constant 0 : index
    %swap3A_97 = arith.constant 0 : index
    %swap3A_98 = vector.load %arg15[%swap3A, %swap3A_97] : memref<2000x64xf32, #tpu.memory_space<vmem>>, vector<2000x64xf32>
    tpu.vector_store %arg15[%swap3A, %swap3A_97], %add3A_96 {strides = array<i32>} : memref<2000x64xf32, #tpu.memory_space<vmem>>, vector<2000x64xf32>,
    return
  }
  func.func @transform_0(%arg0: i32) -> (i32, i32, i32) {
    %c0_i32 = arith.constant 0 : i32
    %c0_i32_0 = arith.constant 0 : i32
    %c0_i32_1 = arith.constant 0 : i32
    return %c0_i32, %arg0, %c0_i32_0 : i32, i32, i32
  }
  func.func @transform_1(%arg0: i32) -> (i32, i32) {
    %c0_i32 = arith.constant 0 : i32
    %c0_i32_0 = arith.constant 0 : i32
    return %arg0, %c0_i32 : i32, i32
  }
  func.func @transform_2(%arg0: i32) -> (i32, i32) {
    %c0_i32 = arith.constant 0 : i32
    %c0_i32_0 = arith.constant 0 : i32
    return %arg0, %c0_i32 : i32, i32
  }
  func.func @transform_3(%arg0: i32) -> (i32, i32) {
    %c0_i32 = arith.constant 0 : i32
    %c0_i32_0 = arith.constant 0 : i32
    %c0_i32_1 = arith.constant 0 : i32
    return %c0_i32, %c0_i32_0 : i32, i32
  }
  func.func @transform_4(%arg0: i32) -> (i32, i32) {
    %c0_i32 = arith.constant 0 : i32
    %c0_i32_0 = arith.constant 0 : i32
    %c0_i32_1 = arith.constant 0 : i32
    return %c0_i32, %c0_i32_0 : i32, i32
  }
  func.func @transform_5(%arg0: i32) -> (i32, i32) {
    %c0_i32 = arith.constant 0 : i32
    %c0_i32_0 = arith.constant 0 : i32
    %c0_i32_1 = arith.constant 0 : i32
    return %c0_i32, %c0_i32_0 : i32, i32
  }
  func.func @transform_6(%arg0: i32) -> (i32, i32) {
    %c0_i32 = arith.constant 0 : i32
    %c0_i32_0 = arith.constant 0 : i32
    %c0_i32_1 = arith.constant 0 : i32
    return %c0_i32, %c0_i32_0 : i32, i32
  }
  func.func @transform_7(%arg0: i32) -> (i32, i32) {
    %c0_i32 = arith.constant 0 : i32
    %c0_i32_0 = arith.constant 0 : i32
    %c0_i32_1 = arith.constant 0 : i32
    return %c0_i32, %c0_i32_0 : i32, i32
  }
  func.func @transform_8(%arg0: i32) -> (i32, i32) {
    %c0_i32 = arith.constant 0 : i32
    %c0_i32_0 = arith.constant 0 : i32
    %c0_i32_1 = arith.constant 0 : i32
    return %c0_i32, %c0_i32_0 : i32, i32
  }
  func.func @transform_9(%arg0: i32) -> (i32, i32) {
    %c0_i32 = arith.constant 0 : i32
    %c0_i32_0 = arith.constant 0 : i32
    %c0_i32_1 = arith.constant 0 : i32
    return %c0_i32, %c0_i32_0 : i32, i32
  }
  func.func @transform_10(%arg0: i32) -> (i32, i32) {
    %c0_i32 = arith.constant 0 : i32
    %c0_i32_0 = arith.constant 0 : i32
    %c0_i32_1 = arith.constant 0 : i32
    return %c0_i32, %c0_i32_0 : i32, i32
  }
  func.func @transform_11(%arg0: i32) -> (i32, i32) {
    %c0_i32 = arith.constant 0 : i32
    %c0_i32_0 = arith.constant 0 : i32
    %c0_i32_1 = arith.constant 0 : i32
    return %c0_i32, %c0_i32_0 : i32, i32
  }
  func.func @transform_12(%arg0: i32) -> (i32, i32) {
    %c0_i32 = arith.constant 0 : i32
    %c0_i32_0 = arith.constant 0 : i32
    %c0_i32_1 = arith.constant 0 : i32
    return %c0_i32, %c0_i32_0 : i32, i32
  }
  func.func @transform_13(%arg0: i32) -> (i32, i32) {
    %c0_i32 = arith.constant 0 : i32
    %c0_i32_0 = arith.constant 0 : i32
    %c0_i32_1 = arith.constant 0 : i32
    return %c0_i32, %c0_i32_0 : i32, i32
  }
  func.func @transform_14(%arg0: i32) -> (i32, i32) {
    %c0_i32 = arith.constant 0 : i32
    %c0_i32_0 = arith.constant 0 : i32
    return %arg0, %c0_i32 : i32, i32
  }
}

</mosaic_0001>

<sc_bundles>
// kernel: kernel.6.cloned.1.call-start
scs
__scs_entry_jumppad:
0x0: {  	(pc) =	sbr.rel $0x88, $3  }
0x1: {  	(tag) =	ssettag $0x0;
	lr =	simm.s32 $0x1  }
0x2: {  	[smem:$0x3F95] =	sst lr;
	_ =	strace $0xD0000000  }
0x3: {  	_ = 	snop  }
0x4: {  	_ = 	snop  }
0x5: {  	_ = 	snop  }
0x6: {  	_ = 	snop  }
0x7: {  	_ = 	snop  }
__scs_overlays_trampoline_lowered:
0x8: {  	[smem:$0x3FA4] =	sst s0  }
0x9: {  	[smem:$0x3FA5] =	sst s1  }
0xa: {  	[smem:$0x3FA6] =	sst s2  }
0xb: {  	[smem:$0x3FA7] =	sst s3  }
0xc: {  	[smem:$0x3FA8] =	sst s4  }
0xd: {  	[smem:$0x3FA9] =	sst s5  }
0xe: {  	[smem:$0x3FAA] =	sst s6  }
0xf: {  	[smem:$0x3FAB] =	sst s7  }
0x10: {  	[smem:$0x3FAC] =	sst s8  }
0x11: {  	[smem:$0x3FAD] =	sst s9;
	s0 =	simm.s32 @!p0 $0x0  }
0x12: {  	s1 =	sld [smem:$0x3F93];
	s0 =	simm.s32 @p0 $0x1  }
0x13: {  	[smem:$0x3FAE] =	sst s0;
	s0 =	simm.s32 @!p1 $0x0  }
0x14: {  	s2 =	sld [smem:$0x3F92];
	s0 =	simm.s32 @p1 $0x1  }
0x15: {  	[smem:$0x3FAF] =	sst s0;
	s0 =	simm.s32 @!p2 $0x0  }
0x16: {  	s3 =	sld [smem:$0x3FDB];
	s0 =	simm.s32 @p2 $0x1  }
0x17: {  	s4 =	simm.s32 $0x1BF5;
	[smem:$0x3FB1] =	sst s0  }
0x18: {  	s0 =	sld [smem:$0x3F94];
	_ =	swait.ge [sflag:s4], $0x0  }
0x19: {  	s7 =	sld [smem:$0x3F95]  }
0x1a: {  	s8 =	sadd.s32 $0xFFFFE003, lr  }
0x1b: {  	s9 =	sadd.s32 $0xFFFFFEF7, lr;
	s5 =	simm.s32 $0xFFFFFFFF;
	p2 =	slt.u32 s8, $0xFFFFF086  }
0x1c: {  	p1 =	slt.u32 s9, $0xF7A;
	s5 =	simm.s32 @!p2 $0x0  }
0x1d: {  	s5 =	simm.s32 @p1 $0x1;
	p0 =	seq.s32 s7, s2  }
0x1e: {  	s7 =	smul.u32 @!p0 $0xF7A, s2;
	p2 =	seq.s32 @!p0 s5, $0x0  }
0x1f: {  	s9 =	smul.u32 $0xF7A, s1;
	s8 =	simm.s32 @!p0 $0x1BF5;
	p2 =	por !p2, p0  }
0x20: {  	[sflag:s8] =	ssyncset.s32 @!p0 $0xFFFFF086;
	s6 =	sadd.s32 @!p0 s3, s7;
	s7 =	simm.s32 @!p0 $0x108  }
0x21: {  	s3 =	sadd.s32 s3, s9;
	s6 =	sadd.s32 @!p0 $0x88, s6;
	s7 =	simm.s32 @p2 $0x1082  }
0x22: {  	[simem:s7], [sflag:s8] =	dma.local @!p0 [hbm:s6], $0xF7A  }
0x23: {  	s9 =	sor.u32 $0xD0000000, s2;
	s6 =	simm.s32 $0x108;
	_ =	swait.ge @!p0 [sflag:s8], $0x0  }
0x24: {  	s3 =	sadd.s32 $0x88, s3;
	s6 =	simm.s32 @!p1 $0x1082;
	[sflag:s4] =	ssyncset.s32 $0xFFFFF086  }
0x25: {  	[simem:s6], [sflag:s4] =	dma.local [hbm:s3], $0xF7A  }
0x26: {  	[smem:$0x3F95] =	sst s1;
	(tag) =	ssettag s2;
	_ =	strace s9  }
0x27: {  	s1 =	sld [smem:$0x3FA5]  }
0x28: {  	s2 =	sld [smem:$0x3FA6]  }
0x29: {  	s4 =	sld [smem:$0x3FA8]  }
0x2a: {  	p0 =	seq.s32 s5, $0x0;
	s5 =	sld [smem:$0x3FA9]  }
0x2b: {  	s6 =	sld [smem:$0x3FAA]  }
0x2c: {  	s7 =	sld [smem:$0x3FAB]  }
0x2d: {  	s3 =	simm.s32 $0x108;
	s8 =	sld [smem:$0x3FAC]  }
0x2e: {  	s3 =	simm.s32 @!p0 $0x1082;
	s9 =	sld [smem:$0x3FAD]  }
0x2f: {  	lr =	sadd.s32 s0, s3;
	s0 =	sld [smem:$0x3FA4]  }
0x30: {  	s3 =	sld [smem:$0x3FA7]  }
0x31: {  	[smem:$0x3FB0] =	sst s10  }
0x32: {  	s10 =	sld [smem:$0x3FAE];
	_ =	sdelay $0x3  }
0x33: {  	p0 =	seq.s32 s10, $0x1;
	s10 =	sld [smem:$0x3FB0];
	_ =	sdelay $0x3  }
0x34: {  	[smem:$0x3FB0] =	sst s10  }
0x35: {  	s10 =	sld [smem:$0x3FAF];
	_ =	sdelay $0x3  }
0x36: {  	p1 =	seq.s32 s10, $0x1;
	s10 =	sld [smem:$0x3FB0];
	_ =	sdelay $0x3  }
0x37: {  	[smem:$0x3FB0] =	sst s10  }
0x38: {  	s10 =	sld [smem:$0x3FB1]  }
0x39: {  	_ = 	snop;
	(pc) =	sbr.ind lr, $3  }
0x3a: {  	_ = 	snop  }
0x3b: {  	_ = 	snop  }
0x3c: {  	p2 =	seq.s32 s10, $0x1;
	s10 =	sld [smem:$0x3FB0]  }
0x3d: {  	_ =	shalt  }
0x3e: {  	_ =	shalt  }
0x3f: {  	_ =	shalt  }
0x40: {  	_ =	shalt  }
0x41: {  	_ =	shalt  }
0x42: {  	_ =	shalt  }
0x43: {  	_ =	shalt  }
0x44: {  	_ =	shalt  }
0x45: {  	_ =	shalt  }
0x46: {  	_ =	shalt  }
0x47: {  	_ =	shalt  }
0x48: {  	_ =	shalt  }
0x49: {  	_ =	shalt  }
0x4a: {  	_ =	shalt  }
0x4b: {  	_ =	shalt  }
0x4c: {  	_ =	shalt  }
0x4d: {  	_ =	shalt  }
0x4e: {  	_ =	shalt  }
0x4f: {  	_ =	shalt  }
0x50: {  	_ =	shalt  }
0x51: {  	_ =	shalt  }
0x52: {  	_ =	shalt  }
0x53: {  	_ =	shalt  }
0x54: {  	_ =	shalt  }
0x55: {  	_ =	shalt  }
0x56: {  	_ =	shalt  }
0x57: {  	_ =	shalt  }
0x58: {  	_ =	shalt  }
0x59: {  	_ =	shalt  }
0x5a: {  	_ =	shalt  }
0x5b: {  	_ =	shalt  }
0x5c: {  	_ =	shalt  }
0x5d: {  	_ =	shalt  }
0x5e: {  	_ =	shalt  }
0x5f: {  	_ =	shalt  }
0x60: {  	_ =	shalt  }
0x61: {  	_ =	shalt  }
0x62: {  	_ =	shalt  }
0x63: {  	_ =	shalt  }
0x64: {  	_ =	shalt  }
0x65: {  	_ =	shalt  }
0x66: {  	_ =	shalt  }
0x67: {  	_ =	shalt  }
0x68: {  	_ =	shalt  }
0x69: {  	_ =	shalt  }
0x6a: {  	_ =	shalt  }
0x6b: {  	_ =	shalt  }
0x6c: {  	_ =	shalt  }
0x6d: {  	_ =	shalt  }
0x6e: {  	_ =	shalt  }
0x6f: {  	_ =	shalt  }
0x70: {  	_ =	shalt  }
0x71: {  	_ =	shalt  }
0x72: {  	_ =	shalt  }
0x73: {  	_ =	shalt  }
0x74: {  	_ =	shalt  }
0x75: {  	_ =	shalt  }
0x76: {  	_ =	shalt  }
0x77: {  	_ =	shalt  }
0x78: {  	_ =	shalt  }
0x79: {  	_ =	shalt  }
0x7a: {  	_ =	shalt  }
0x7b: {  	_ =	shalt  }
0x7c: {  	_ =	shalt  }
0x7d: {  	_ =	shalt  }
0x7e: {  	_ =	shalt  }
0x7f: {  	_ =	shalt  }
0x80: {  	_ =	shalt  }
0x81: {  	_ =	shalt  }
0x82: {  	_ =	shalt  }
0x83: {  	_ =	shalt  }
0x84: {  	_ =	shalt  }
0x85: {  	_ =	shalt  }
0x86: {  	_ =	shalt  }
0x87: {  	_ =	shalt  }
.Lfunc_end0:
.L_simem_size_0:
called_computation_lowered:
.L_overlay_start_0:
0x88: {  	s2 =	sld [smem:$0x3FD9]  }
0x89: {  	s3 =	sld [smem:$0x3FFE];
	_ =	sdelay $0x1  }
0x8a: {  	s1 =	srdreg.scid  }
0x8b: {  	s0 =	sand.u32 $0x1, s1  }
0x8c: {  	s17 =	sshll.u32 s0, $0xA;
	s2 =	sadd.s32 s3, s2  }
0x8d: {  	s2 =	sadd.s32 s2, s17  }
0x8e: {  	[smem:$0x3FBC] =	sst s2  }
0x8f: {  	_ = 	snop  }
0x90: {  	s2 =	sld [smem:$0x3FD0];
	(tm) =	ssettm $0x1  }
0x91: {  	s18 =	sld [smem:$0x3FFB];
	_ =	sdelay $0x3  }
0x92: {  	_ =	strace s18  }
0x93: {  	s3 =	sld [smem:$0x3FFC];
	_ =	sdelay $0x3  }
0x94: {  	_ =	strace s3  }
0x95: {  	s3 =	sld [smem:$0x3FFD];
	_ =	sdelay $0x3  }
0x96: {  	_ =	strace s3  }
0x97: {  	_ =	strace $0x8FFFFFFF  }
0x98: {  	s19 =	sld [smem:$0x3FDB];
	_ =	sdelay $0x1  }
0x99: {  	s4 =	simm.s32 $_scs_section_size  }
0x9a: {  	s5 =	simm.s32 $_size__tile_overlayer_lowered;
	s6 =	simm.s32 $_tile_overlayer_lowered  }
0x9b: {  	s22 =	simm.s32 $0x1BFF;
	s21 =	sshll.u32 s6, $0x1;
	s3 =	sadd.s32 s4, s19  }
0x9c: {  	s7 =	simm.s32 $0x0;
	s20 =	sshll.u32 s5, $0x1;
	s5 =	sadd.s32 s21, s3  }
0x9d: {  	[timem:s7], [sflag:s22] =	dma.local [hbm:s5], s20  }
0x9e: {  	_ =	swait.ge [sflag:s22], s20  }
0x9f: {  	s4 =	ssub.s32 $0x0, s20;
	[sflag:s22] =	ssyncset.done $0x0  }
0xa0: {  	[sflag:s22] =	ssyncadd.s32 s4;
	_ =	sdelay $0x1  }
0xa1: {  	s23 =	simm.s32 $0x1B8B  }
0xa2: {  	_ =	swait.ge [sflag:s23], $0x1  }
0xa3: {  	[sflag:s23] =	ssyncset.done $0x0  }
0xa4: {  	s25 =	simm.s32 $0x1B8E;
	s24 =	sld [smem:$0x3FFE];
	[sflag:s23] =	ssyncadd.s32 $0xFFFFFFFF  }
0xa5: {  	s26 =	simm.s32 $execute0_lowered;
	[smem:$0x3FD2] =	sst s25  }
0xa6: {  	s5 =	sshll.u32 s26, $0x1;
	_ =	strace $0x80000046;
	[dreg:$0x1] =	wrdreg $0xFFFFFFFF  }
0xa7: {  	s28 =	simm.s32 $_size_execute0_lowered;
	s3 =	sadd.s32 s3, s5;
	[dreg:$0x0] =	wrdreg $0x0  }
0xa8: {  	s5 =	sshll.u32 s28, $0x1;
	[dreg:$0x2] =	wrdreg s3  }
0xa9: {  	[dreg:$0x3] =	wrdreg s5  }
0xaa: {  	[dreg:$0x4] =	wrdreg $0xC0  }
0xab: {  	_ =	task [dreg:s7], $0x5FFFF  }
0xac: {  	[dreg:$0x1] =	wrdreg $0xFFFFFFFF  }
0xad: {  	[dreg:$0x0] =	wrdreg $0x60  }
0xae: {  	[dreg:$0x2] =	wrdreg s2  }
0xaf: {  	[dreg:$0x3] =	wrdreg s24  }
0xb0: {  	[dreg:$0x4] =	wrdreg $0x2B000  }
0xb1: {  	[dreg:$0x5] =	wrdreg $0x9  }
0xb2: {  	_ =	task.clear_ibuf [dreg:s7], $0x6FFFF;
	_ =	strace $0x90000046  }
0xb3: {  	s29 =	simm.s32 $0x9;
	_ =	strace $0x80000048  }
0xb4: {  	_ =	swait.ge [sflag:s29], $0x1  }
0xb5: {  	[sflag:s29] =	ssyncadd.s32 $0xFFFFFFFF  }
0xb6: {  	_ =	strace $0x90000048  }
0xb7: {  	_ =	sfence  }
0xb8: {  	s30 =	sld [smem:$0x0];
	_ =	sdelay $0x2  }
0xb9: {  	s31 =	sshll.u32 s1, $0xD;
	s1 =	sshrl.u32 s1, $0x2  }
0xba: {  	s3 =	sand.u32 $0x4000, s31;
	s1 =	sadd.s32 s1, s30  }
0xbb: {  	s0 =	sor.u32 s3, s0;
	s1 =	sshll.u32 s1, $0x11  }
0xbc: {  	s0 =	sor.u32 s1, s0  }
0xbd: {  	s0 =	sadd.s32 $0x8F2B, s0  }
0xbe: {  	[sflag:s0] =	ssyncadd.remote.s32 $0x1  }
0xbf: {  	_ =	sfence.sel $0xFFFF  }
0xc0: {  	[dreg:$0x0] =	wrdreg $0xFFFFFFFF;
	(pc) =	sbr.abs _section_cstart, $3  }
0xc1: {  	[dreg:$0x1] =	wrdreg $0xFFFFFFFF  }
0xc2: {  	_ =	task.clear_ibuf [dreg:s7], $0x2FFFF;
	_ =	strace $0x9FFFFFFF  }
0xc3: {  	(tm) =	ssettm $0x7FFFFFFF  }
tec
execute0_lowered:
.L_overlay_start_1:
0x0: {  	(tag) =	ssettag $0x1  }
0x1: {  	s5 =	rddreg [dreg:$0x0]  }
0x2: {  	s4 =	rddreg [dreg:$0x1]  }
0x3: {  	s2 =	rddreg [dreg:$0x2]  }
0x4: {  	s0 =	rddreg [dreg:$0x3]  }
0x5: {  	s6 =	srdreg.scid;
	s1 =	stileid.u32;
	s3 =	simm.s32 $0x0  }
0x6: {  	s11 =	simm.s32 $0x2800;
	s12 =	simm.s32 $0x1;
	s15 =	simm.s32 $0x0  }
0x7: {  	s6 =	sand.u32 $0x1, s6;
	s7 =	smul.u32 $0x280, s1;
	[smem:$0x7FF] =	sst s3  }
0x8: {  	s13 =	sshll.u32 s1, $0x6;
	s8 =	smul.u32 $0x2800, s6;
	s9 =	sshll.u32 s6, $0x4  }
0x9: {  	_ =	strace $0x80000047;
	s6 =	ssub.s32 $0x2, s6;
	s9 =	sor.u32 s1, s9  }
0xa: {  	s10 =	sshrl.u32 s6, $0x1;
	s8 =	sadd.s32 s7, s8;
	s9 =	smul.u32 $0x500, s9  }
0xb: {  	s13 =	sor.u32 $0x1C02, s13;
	s10 =	ssub.s32 s6, s10;
	s8 =	sshrl.u32 s8, $0x3  }
0xc: {  	s8 =	sadd.s32 s8, s4;
	s4 =	sadd.s32 s7, s2;
	s5 =	sadd.s32 s5, s9  }
0xd: {  	s7 =	smax.u32 s10, $0x1;
	s9 =	simm.s32 $0x2;
	s10 =	simm.s32 $0x80  }
0xe: {  	v0 =	vimm.f32 $0.0e+00;
	v1 =	vimm.f32 $1.000000000e+00;
	s6 =	sadd.s32 $0xC800, s8;
	s8 =	simm.s32 $0x2880;
	s14 =	sshrl.u32 s4, $0x3  }
.LBB2_1:
0xf: {  	[tilespmem:$0x2880] =	vst v0  }
0x10: {  	[tilespmem:$0x2890] =	vst v0  }
0x11: {  	[tilespmem:$0x28A0] =	vst v0  }
0x12: {  	[tilespmem:$0x28B0] =	vst v0  }
0x13: {  	[tilespmem:$0x28C0] =	vst v0  }
0x14: {  	[tilespmem:$0x28D0] =	vst v0  }
0x15: {  	[tilespmem:$0x28E0] =	vst v0  }
0x16: {  	[tilespmem:$0x28F0] =	vst v0  }
0x17: {  	[tilespmem:$0x2900] =	vst v0  }
0x18: {  	[tilespmem:$0x2910] =	vst v0  }
0x19: {  	[tilespmem:$0x2920] =	vst v0  }
0x1a: {  	[tilespmem:$0x2930] =	vst v0  }
0x1b: {  	[tilespmem:$0x2940] =	vst v0  }
0x1c: {  	[tilespmem:$0x2950] =	vst v0  }
0x1d: {  	[tilespmem:$0x2960] =	vst v0  }
0x1e: {  	[tilespmem:$0x2970] =	vst v0  }
0x1f: {  	[tilespmem:$0x2980] =	vst v0  }
0x20: {  	[tilespmem:$0x2990] =	vst v0  }
0x21: {  	[tilespmem:$0x29A0] =	vst v0  }
0x22: {  	[tilespmem:$0x29B0] =	vst v0  }
0x23: {  	[tilespmem:$0x29C0] =	vst v0  }
0x24: {  	[tilespmem:$0x29D0] =	vst v0  }
0x25: {  	[tilespmem:$0x29E0] =	vst v0  }
0x26: {  	[tilespmem:$0x29F0] =	vst v0  }
0x27: {  	[tilespmem:$0x2A00] =	vst v0  }
0x28: {  	[tilespmem:$0x2A10] =	vst v0  }
0x29: {  	[tilespmem:$0x2A20] =	vst v0  }
0x2a: {  	[tilespmem:$0x2A30] =	vst v0  }
0x2b: {  	[tilespmem:$0x2A40] =	vst v0  }
0x2c: {  	[tilespmem:$0x2A50] =	vst v0  }
0x2d: {  	[tilespmem:$0x2A60] =	vst v0  }
0x2e: {  	[tilespmem:$0x2A70] =	vst v0  }
0x2f: {  	[tilespmem:$0x2A80] =	vst v0  }
0x30: {  	[tilespmem:$0x2A90] =	vst v0  }
0x31: {  	[tilespmem:$0x2AA0] =	vst v0  }
0x32: {  	[tilespmem:$0x2AB0] =	vst v0  }
0x33: {  	[tilespmem:$0x2AC0] =	vst v0  }
0x34: {  	[tilespmem:$0x2AD0] =	vst v0  }
0x35: {  	[tilespmem:$0x2AE0] =	vst v0  }
0x36: {  	[tilespmem:$0x2AF0] =	vst v0  }
0x37: {  	[spmem:s4] =	stream.linear.scatter [tilespmem:s8], [sflag:$0x2], $0x280, $0x38;
	[tilespmem:$0x2D80] =	vst v63  }
0x38: {  	_ =	swait.ge [sflag:s9], $0x280  }
0x39: {  	[sflag:s9] =	ssyncset.done $0x0  }
0x3a: {  	[sflag:s9] =	ssyncadd.s32 $0xFFFFFD80  }
0x3b: {  	[tilespmem:$0x2800] =	vst v1  }
0x3c: {  	[tilespmem:$0x2810] =	vst v1  }
0x3d: {  	[tilespmem:$0x2820] =	vst v1  }
0x3e: {  	[tilespmem:$0x2830] =	vst v1  }
0x3f: {  	[tilespmem:$0x2840] =	vst v1  }
0x40: {  	[tilespmem:$0x2850] =	vst v1  }
0x41: {  	[tilespmem:$0x2860] =	vst v1  }
0x42: {  	[tilespmem:$0x2870] =	vst v1  }
0x43: {  	[tilespmem:s3], [sflag:$0x2] =	stream.linear.gather [hbm4b:s5+s3], $0x2800, $0x38;
	[tilespmem:$0x2D80] =	vst v63  }
0x44: {  	_ =	swait.ge [sflag:s9], $0x2800  }
0x45: {  	[sflag:s9] =	ssyncset.done $0x0  }
0x46: {  	p0 =	por $0x1, $0x1;
	[sflag:s9] =	ssyncadd.s32 $0xFFFFD800  }
0x47: {  	s18 =	simm.s32 @!p0 $0x1;
	[bflag:$0x0] =	sbarrier.arrive $0xFFFF  }
0x48: {  	[spmem:s2] =	stream.indirect.scatter.add.f32 [tilespmem:s11], [sflag:$0x1], $0x1, s3, s10, $0xb8;
	[tilespmem:$0x2D80] =	vst v63  }
0x49: {  	_ =	swait.ge @!p0 [sflag:s18], $0x80  }
0x4a: {  	s16 =	simm.s32 $0x1;
	s17 =	simm.s32 $0x0;
	[sflag:s18] =	ssyncset.done @!p0 $0x0  }
.LBB2_2:
0x4b: {  	[sflag:s18] =	ssyncadd.s32 @!p0 $0xFFFFFF80  }
0x4c: {  	s17 =	sadd.s32 $0x80, s17;
	s18 =	smov.u32 s16;
	s16 =	sadd.s32 $0x1, s16  }
0x4d: {  	p1 =	sne.s32 s16, $0x50  }
0x4e: {  	[spmem:s2] =	stream.indirect.scatter.add.f32 [tilespmem:s11], [sflag:$0x1], $0x1, s17, s10, $0xb8;
	[tilespmem:$0x2D80] =	vst v63  }
.Ltmp0:
0x4f: {  	_ = 	snop;
	(pc) =	sbr.rel @p1 .LBB2_2-.Ltmp0, $4  }
0x50: {  	p0 =	slt.u32 s18, $0x8  }
0x51: {  	s18 =	simm.s32 @!p0 $0x1  }
0x52: {  	_ =	swait.ge @!p0 [sflag:s18], $0x80  }
0x53: {  	[sflag:s18] =	ssyncset.done @!p0 $0x0  }
0x54: {  	[sflag:s18] =	ssyncadd.s32 @!p0 $0xFFFFFF80  }
0x55: {  	_ =	swait.ge [sflag:s12], $0x80  }
0x56: {  	[sflag:s12] =	ssyncset.done $0x0  }
0x57: {  	[sflag:s12] =	ssyncadd.s32 $0xFFFFFF80  }
0x58: {  	_ =	swait.ge [sflag:s12], $0x80  }
0x59: {  	[sflag:s12] =	ssyncset.done $0x0  }
0x5a: {  	[sflag:s12] =	ssyncadd.s32 $0xFFFFFF80  }
0x5b: {  	_ =	swait.ge [sflag:s12], $0x80  }
0x5c: {  	[sflag:s12] =	ssyncset.done $0x0  }
0x5d: {  	[sflag:s12] =	ssyncadd.s32 $0xFFFFFF80  }
0x5e: {  	_ =	swait.ge [sflag:s12], $0x80  }
0x5f: {  	[sflag:s12] =	ssyncset.done $0x0  }
0x60: {  	[sflag:s12] =	ssyncadd.s32 $0xFFFFFF80  }
0x61: {  	_ =	swait.ge [sflag:s12], $0x80  }
0x62: {  	[sflag:s12] =	ssyncset.done $0x0  }
0x63: {  	[sflag:s12] =	ssyncadd.s32 $0xFFFFFF80  }
0x64: {  	_ =	swait.ge [sflag:s12], $0x80  }
0x65: {  	[sflag:s12] =	ssyncset.done $0x0  }
0x66: {  	[sflag:s12] =	ssyncadd.s32 $0xFFFFFF80  }
0x67: {  	_ =	swait.ge [sflag:s12], $0x80  }
0x68: {  	[sflag:s12] =	ssyncset.done $0x0  }
0x69: {  	[sflag:s12] =	ssyncadd.s32 $0xFFFFFF80  }
0x6a: {  	_ =	swait.ge [sflag:s12], $0x80  }
0x6b: {  	s15 =	sadd.s32 $0x1, s15;
	[sflag:s12] =	ssyncset.done $0x0  }
0x6c: {  	p0 =	sne.s32 s15, s7;
	[sflag:s12] =	ssyncadd.s32 $0xFFFFFF80  }
.Ltmp1:
0x6d: {  	[bflag:$0x0] =	sbarrier.arrive $0xFFFF;
	(pc) =	sbr.rel @p0 .LBB2_1-.Ltmp1, $4  }
0x6e: {  	[hbm:s6], [sflag:s13] =	dma.local [spmem:s14], $0x50  }
0x6f: {  	_ =	swait.ge [sflag:s9], $0x50  }
0x70: {  	[sflag:s9] =	ssyncset.done $0x0  }
0x71: {  	[sflag:s9] =	ssyncadd.s32 $0xFFFFFFB0  }
0x72: {  	_ =	sfence.sel $0x180000  }
0x73: {  	[bflag:$0x0] =	sbarrier.arrive $0xFFFF  }
0x74: {  	p0 =	sne.s32 s1, $0x0;
	_ =	strace $0x90000047  }
0x75: {  	s0 =	sadd.s32 @!p0 $0x100000, s0;
	[bflag:$0x2] =	sbarrier.arrive $0xFFFF  }
0x76: {  	[sflag:s0] =	ssyncadd.tile.s32 @!p0 $0x1;
	_ =	shalt  }
.Lfunc_end2:
_tile_overlayer_lowered:
.L_overlay_start_2:
0x77: {  	(tag) =	ssettag $0x2  }
0x78: {  	s0 =	rddreg [dreg:$0x0];
	s2 =	stileid.u32  }
0x79: {  	s1 =	rddreg [dreg:$0x1];
	p0 =	sne.s32 s2, $0x0  }
0x7a: {  	s3 =	rddreg [dreg:$0x2];
	[bflag:$0x3] =	sbarrier.arrive $0xFFFF;
	s2 =	simm.s32 @!p0 $0x1C02  }
0x7b: {  	[timem:s3], [sflag:s2] =	dma.local @!p0 [hbm:s0], s1  }
0x7c: {  	s0 =	simm.s32 @!p0 $0x2  }
0x7d: {  	_ =	swait.ge @!p0 [sflag:s0], s1  }
0x7e: {  	s1 =	ssub.s32 @!p0 $0x0, s1;
	[sflag:s0] =	ssyncset.done @!p0 $0x0  }
0x7f: {  	[sflag:s0] =	ssyncadd.s32 @!p0 s1  }
0x80: {  	[bflag:$0x3] =	sbarrier.arrive $0xFFFF  }
0x81: {  	_ =	shalt  }

// kernel: kernel.9.cloned.1.call-start
scs
__scs_entry_jumppad:
0x0: {  	(pc) =	sbr.rel $0x88, $3  }
0x1: {  	(tag) =	ssettag $0x0;
	lr =	simm.s32 $0x1  }
0x2: {  	[smem:$0x3F95] =	sst lr;
	_ =	strace $0xD0000000  }
0x3: {  	_ = 	snop  }
0x4: {  	_ = 	snop  }
0x5: {  	_ = 	snop  }
0x6: {  	_ = 	snop  }
0x7: {  	_ = 	snop  }
__scs_overlays_trampoline_lowered:
0x8: {  	[smem:$0x3FA4] =	sst s0  }
0x9: {  	[smem:$0x3FA5] =	sst s1  }
0xa: {  	[smem:$0x3FA6] =	sst s2  }
0xb: {  	[smem:$0x3FA7] =	sst s3  }
0xc: {  	[smem:$0x3FA8] =	sst s4  }
0xd: {  	[smem:$0x3FA9] =	sst s5  }
0xe: {  	[smem:$0x3FAA] =	sst s6  }
0xf: {  	[smem:$0x3FAB] =	sst s7  }
0x10: {  	[smem:$0x3FAC] =	sst s8  }
0x11: {  	[smem:$0x3FAD] =	sst s9;
	s0 =	simm.s32 @!p0 $0x0  }
0x12: {  	s1 =	sld [smem:$0x3F93];
	s0 =	simm.s32 @p0 $0x1  }
0x13: {  	[smem:$0x3FAE] =	sst s0;
	s0 =	simm.s32 @!p1 $0x0  }
0x14: {  	s2 =	sld [smem:$0x3F92];
	s0 =	simm.s32 @p1 $0x1  }
0x15: {  	[smem:$0x3FAF] =	sst s0;
	s0 =	simm.s32 @!p2 $0x0  }
0x16: {  	s3 =	sld [smem:$0x3FDB];
	s0 =	simm.s32 @p2 $0x1  }
0x17: {  	s4 =	simm.s32 $0x1BF5;
	[smem:$0x3FB1] =	sst s0  }
0x18: {  	s0 =	sld [smem:$0x3F94];
	_ =	swait.ge [sflag:s4], $0x0  }
0x19: {  	s7 =	sld [smem:$0x3F95]  }
0x1a: {  	s8 =	sadd.s32 $0xFFFFE003, lr  }
0x1b: {  	s9 =	sadd.s32 $0xFFFFFEF7, lr;
	s5 =	simm.s32 $0xFFFFFFFF;
	p2 =	slt.u32 s8, $0xFFFFF086  }
0x1c: {  	p1 =	slt.u32 s9, $0xF7A;
	s5 =	simm.s32 @!p2 $0x0  }
0x1d: {  	s5 =	simm.s32 @p1 $0x1;
	p0 =	seq.s32 s7, s2  }
0x1e: {  	s7 =	smul.u32 @!p0 $0xF7A, s2;
	p2 =	seq.s32 @!p0 s5, $0x0  }
0x1f: {  	s9 =	smul.u32 $0xF7A, s1;
	s8 =	simm.s32 @!p0 $0x1BF5;
	p2 =	por !p2, p0  }
0x20: {  	[sflag:s8] =	ssyncset.s32 @!p0 $0xFFFFF086;
	s6 =	sadd.s32 @!p0 s3, s7;
	s7 =	simm.s32 @!p0 $0x108  }
0x21: {  	s3 =	sadd.s32 s3, s9;
	s6 =	sadd.s32 @!p0 $0x88, s6;
	s7 =	simm.s32 @p2 $0x1082  }
0x22: {  	[simem:s7], [sflag:s8] =	dma.local @!p0 [hbm:s6], $0xF7A  }
0x23: {  	s9 =	sor.u32 $0xD0000000, s2;
	s6 =	simm.s32 $0x108;
	_ =	swait.ge @!p0 [sflag:s8], $0x0  }
0x24: {  	s3 =	sadd.s32 $0x88, s3;
	s6 =	simm.s32 @!p1 $0x1082;
	[sflag:s4] =	ssyncset.s32 $0xFFFFF086  }
0x25: {  	[simem:s6], [sflag:s4] =	dma.local [hbm:s3], $0xF7A  }
0x26: {  	[smem:$0x3F95] =	sst s1;
	(tag) =	ssettag s2;
	_ =	strace s9  }
0x27: {  	s1 =	sld [smem:$0x3FA5]  }
0x28: {  	s2 =	sld [smem:$0x3FA6]  }
0x29: {  	s4 =	sld [smem:$0x3FA8]  }
0x2a: {  	p0 =	seq.s32 s5, $0x0;
	s5 =	sld [smem:$0x3FA9]  }
0x2b: {  	s6 =	sld [smem:$0x3FAA]  }
0x2c: {  	s7 =	sld [smem:$0x3FAB]  }
0x2d: {  	s3 =	simm.s32 $0x108;
	s8 =	sld [smem:$0x3FAC]  }
0x2e: {  	s3 =	simm.s32 @!p0 $0x1082;
	s9 =	sld [smem:$0x3FAD]  }
0x2f: {  	lr =	sadd.s32 s0, s3;
	s0 =	sld [smem:$0x3FA4]  }
0x30: {  	s3 =	sld [smem:$0x3FA7]  }
0x31: {  	[smem:$0x3FB0] =	sst s10  }
0x32: {  	s10 =	sld [smem:$0x3FAE];
	_ =	sdelay $0x3  }
0x33: {  	p0 =	seq.s32 s10, $0x1;
	s10 =	sld [smem:$0x3FB0];
	_ =	sdelay $0x3  }
0x34: {  	[smem:$0x3FB0] =	sst s10  }
0x35: {  	s10 =	sld [smem:$0x3FAF];
	_ =	sdelay $0x3  }
0x36: {  	p1 =	seq.s32 s10, $0x1;
	s10 =	sld [smem:$0x3FB0];
	_ =	sdelay $0x3  }
0x37: {  	[smem:$0x3FB0] =	sst s10  }
0x38: {  	s10 =	sld [smem:$0x3FB1]  }
0x39: {  	_ = 	snop;
	(pc) =	sbr.ind lr, $3  }
0x3a: {  	_ = 	snop  }
0x3b: {  	_ = 	snop  }
0x3c: {  	p2 =	seq.s32 s10, $0x1;
	s10 =	sld [smem:$0x3FB0]  }
0x3d: {  	_ =	shalt  }
0x3e: {  	_ =	shalt  }
0x3f: {  	_ =	shalt  }
0x40: {  	_ =	shalt  }
0x41: {  	_ =	shalt  }
0x42: {  	_ =	shalt  }
0x43: {  	_ =	shalt  }
0x44: {  	_ =	shalt  }
0x45: {  	_ =	shalt  }
0x46: {  	_ =	shalt  }
0x47: {  	_ =	shalt  }
0x48: {  	_ =	shalt  }
0x49: {  	_ =	shalt  }
0x4a: {  	_ =	shalt  }
0x4b: {  	_ =	shalt  }
0x4c: {  	_ =	shalt  }
0x4d: {  	_ =	shalt  }
0x4e: {  	_ =	shalt  }
0x4f: {  	_ =	shalt  }
0x50: {  	_ =	shalt  }
0x51: {  	_ =	shalt  }
0x52: {  	_ =	shalt  }
0x53: {  	_ =	shalt  }
0x54: {  	_ =	shalt  }
0x55: {  	_ =	shalt  }
0x56: {  	_ =	shalt  }
0x57: {  	_ =	shalt  }
0x58: {  	_ =	shalt  }
0x59: {  	_ =	shalt  }
0x5a: {  	_ =	shalt  }
0x5b: {  	_ =	shalt  }
0x5c: {  	_ =	shalt  }
0x5d: {  	_ =	shalt  }
0x5e: {  	_ =	shalt  }
0x5f: {  	_ =	shalt  }
0x60: {  	_ =	shalt  }
0x61: {  	_ =	shalt  }
0x62: {  	_ =	shalt  }
0x63: {  	_ =	shalt  }
0x64: {  	_ =	shalt  }
0x65: {  	_ =	shalt  }
0x66: {  	_ =	shalt  }
0x67: {  	_ =	shalt  }
0x68: {  	_ =	shalt  }
0x69: {  	_ =	shalt  }
0x6a: {  	_ =	shalt  }
0x6b: {  	_ =	shalt  }
0x6c: {  	_ =	shalt  }
0x6d: {  	_ =	shalt  }
0x6e: {  	_ =	shalt  }
0x6f: {  	_ =	shalt  }
0x70: {  	_ =	shalt  }
0x71: {  	_ =	shalt  }
0x72: {  	_ =	shalt  }
0x73: {  	_ =	shalt  }
0x74: {  	_ =	shalt  }
0x75: {  	_ =	shalt  }
0x76: {  	_ =	shalt  }
0x77: {  	_ =	shalt  }
0x78: {  	_ =	shalt  }
0x79: {  	_ =	shalt  }
0x7a: {  	_ =	shalt  }
0x7b: {  	_ =	shalt  }
0x7c: {  	_ =	shalt  }
0x7d: {  	_ =	shalt  }
0x7e: {  	_ =	shalt  }
0x7f: {  	_ =	shalt  }
0x80: {  	_ =	shalt  }
0x81: {  	_ =	shalt  }
0x82: {  	_ =	shalt  }
0x83: {  	_ =	shalt  }
0x84: {  	_ =	shalt  }
0x85: {  	_ =	shalt  }
0x86: {  	_ =	shalt  }
0x87: {  	_ =	shalt  }
.Lfunc_end0:
.L_simem_size_0:
called_computation.1_lowered:
.L_overlay_start_0:
0x88: {  	s2 =	sld [smem:$0x3FD9]  }
0x89: {  	s3 =	sld [smem:$0x3FFE];
	_ =	sdelay $0x1  }
0x8a: {  	s1 =	srdreg.scid  }
0x8b: {  	s0 =	sand.u32 $0x1, s1  }
0x8c: {  	s17 =	sshll.u32 s0, $0xA;
	s2 =	sadd.s32 s3, s2  }
0x8d: {  	s2 =	sadd.s32 s2, s17  }
0x8e: {  	[smem:$0x3FBC] =	sst s2  }
0x8f: {  	_ = 	snop  }
0x90: {  	s2 =	sld [smem:$0x3FD0];
	(tm) =	ssettm $0x1  }
0x91: {  	s18 =	sld [smem:$0x3FFB];
	_ =	sdelay $0x3  }
0x92: {  	_ =	strace s18  }
0x93: {  	s3 =	sld [smem:$0x3FFC];
	_ =	sdelay $0x3  }
0x94: {  	_ =	strace s3  }
0x95: {  	s3 =	sld [smem:$0x3FFD];
	_ =	sdelay $0x3  }
0x96: {  	_ =	strace s3  }
0x97: {  	_ =	strace $0x8FFFFFFF  }
0x98: {  	s19 =	sld [smem:$0x3FDB];
	_ =	sdelay $0x1  }
0x99: {  	s4 =	simm.s32 $_scs_section_size  }
0x9a: {  	s5 =	simm.s32 $_size__tile_overlayer_lowered;
	s6 =	simm.s32 $_tile_overlayer_lowered  }
0x9b: {  	s22 =	simm.s32 $0x1BFF;
	s21 =	sshll.u32 s6, $0x1;
	s3 =	sadd.s32 s4, s19  }
0x9c: {  	s7 =	simm.s32 $0x0;
	s20 =	sshll.u32 s5, $0x1;
	s5 =	sadd.s32 s21, s3  }
0x9d: {  	[timem:s7], [sflag:s22] =	dma.local [hbm:s5], s20  }
0x9e: {  	_ =	swait.ge [sflag:s22], s20  }
0x9f: {  	s4 =	ssub.s32 $0x0, s20;
	[sflag:s22] =	ssyncset.done $0x0  }
0xa0: {  	[sflag:s22] =	ssyncadd.s32 s4;
	_ =	sdelay $0x1  }
0xa1: {  	s23 =	simm.s32 $0x1B8B  }
0xa2: {  	_ =	swait.ge [sflag:s23], $0x1  }
0xa3: {  	[sflag:s23] =	ssyncset.done $0x0  }
0xa4: {  	s25 =	simm.s32 $0x1B8E;
	s24 =	sld [smem:$0x3FFE];
	[sflag:s23] =	ssyncadd.s32 $0xFFFFFFFF  }
0xa5: {  	s26 =	simm.s32 $execute0_lowered;
	[smem:$0x3FD2] =	sst s25  }
0xa6: {  	s5 =	sshll.u32 s26, $0x1;
	_ =	strace $0x80000049;
	[dreg:$0x1] =	wrdreg $0xFFFFFFFF  }
0xa7: {  	s28 =	simm.s32 $_size_execute0_lowered;
	s3 =	sadd.s32 s3, s5;
	[dreg:$0x0] =	wrdreg $0x0  }
0xa8: {  	s5 =	sshll.u32 s28, $0x1;
	[dreg:$0x2] =	wrdreg s3  }
0xa9: {  	[dreg:$0x3] =	wrdreg s5  }
0xaa: {  	[dreg:$0x4] =	wrdreg $0xC0  }
0xab: {  	_ =	task [dreg:s7], $0x5FFFF  }
0xac: {  	[dreg:$0x1] =	wrdreg $0xFFFFFFFF  }
0xad: {  	[dreg:$0x0] =	wrdreg $0x60  }
0xae: {  	[dreg:$0x2] =	wrdreg s24  }
0xaf: {  	[dreg:$0x3] =	wrdreg s2  }
0xb0: {  	[dreg:$0x4] =	wrdreg $0xAA000  }
0xb1: {  	[dreg:$0x5] =	wrdreg $0x9  }
0xb2: {  	_ =	task.clear_ibuf [dreg:s7], $0x6FFFF;
	_ =	strace $0x90000049  }
0xb3: {  	s29 =	simm.s32 $0x9;
	_ =	strace $0x8000004B  }
0xb4: {  	_ =	swait.ge [sflag:s29], $0x1  }
0xb5: {  	[sflag:s29] =	ssyncadd.s32 $0xFFFFFFFF  }
0xb6: {  	_ =	strace $0x9000004B  }
0xb7: {  	_ =	sfence  }
0xb8: {  	s30 =	sld [smem:$0x0];
	_ =	sdelay $0x2  }
0xb9: {  	s31 =	sshll.u32 s1, $0xD;
	s1 =	sshrl.u32 s1, $0x2  }
0xba: {  	s3 =	sand.u32 $0x4000, s31;
	s1 =	sadd.s32 s1, s30  }
0xbb: {  	s0 =	sor.u32 s3, s0;
	s1 =	sshll.u32 s1, $0x11  }
0xbc: {  	s0 =	sor.u32 s1, s0  }
0xbd: {  	s0 =	sadd.s32 $0x8F2B, s0  }
0xbe: {  	[sflag:s0] =	ssyncadd.remote.s32 $0x1  }
0xbf: {  	_ =	sfence.sel $0xFFFF  }
0xc0: {  	[dreg:$0x0] =	wrdreg $0xFFFFFFFF;
	(pc) =	sbr.abs _section_cstart, $3  }
0xc1: {  	[dreg:$0x1] =	wrdreg $0xFFFFFFFF  }
0xc2: {  	_ =	task.clear_ibuf [dreg:s7], $0x2FFFF;
	_ =	strace $0x9FFFFFFF  }
0xc3: {  	(tm) =	ssettm $0x7FFFFFFF  }
tec
execute0_lowered:
.L_overlay_start_1:
0x0: {  	(tag) =	ssettag $0x1  }
0x1: {  	s0 =	rddreg [dreg:$0x0]  }
0x2: {  	s1 =	rddreg [dreg:$0x1]  }
0x3: {  	s2 =	rddreg [dreg:$0x2];
	s11 =	stileid.u32;
	s3 =	simm.s32 $0x0  }
0x4: {  	s4 =	srdreg.scid;
	s28 =	simm.s32 $0x6A00;
	s29 =	simm.s32 $0x6  }
0x5: {  	s30 =	simm.s32 $0x180;
	s31 =	simm.s32 $0x3;
	s5 =	smul.u32 $0x50, s11  }
0x6: {  	[smem:$0x7FF] =	sst s3;
	s6 =	sand.u32 $0x1, s4;
	s9 =	smul.u32 $0x14000, s11  }
0x7: {  	s4 =	sadd.s32 $0xC800, s0;
	s11 =	smul.u32 $0x50000, s11;
	p0 =	seq.s32 s6, $0x0  }
0x8: {  	s8 =	smul.u32 $0x140000, s6;
	_ =	strace $0x8000004A;
	s17 =	ssub.s32 $0x2, s6  }
0x9: {  	s7 =	sadd.s32 $0x500, s5;
	s18 =	sshrl.u32 s11, $0x2;
	s19 =	sshrl.u32 s17, $0x1  }
0xa: {  	s7 =	smov.u32 @p0 s5;
	s5 =	sadd.s32 $0x33A00, s0;
	s8 =	sadd.s32 s9, s8  }
0xb: {  	s6 =	sadd.s32 s18, s2;
	s10 =	sshll.u32 s7, $0x4;
	s8 =	sshrl.u32 s8, $0x3  }
0xc: {  	s20 =	sadd.s32 $0x4000, s6;
	s21 =	sadd.s32 $0x8000, s6;
	s22 =	sadd.s32 $0xC000, s6  }
0xd: {  	s23 =	sadd.s32 $0x10000, s6;
	s26 =	sshll.u32 s7, $0x7;
	[dreg:$0x4] =	wrdreg s20  }
0xe: {  	s9 =	sor.u32 $0x5, s7;
	s7 =	simm.s32 $0x0;
	[dreg:$0x5] =	wrdreg s21  }
0xf: {  	s12 =	sadd.s32 s10, s0;
	s0 =	sadd.s32 s8, s0;
	[dreg:$0x6] =	wrdreg s22  }
0x10: {  	s8 =	ssub.s32 s17, s19;
	[dreg:$0x7] =	wrdreg s23;
	s1 =	sadd.s32 s1, s10  }
0x11: {  	s11 =	sadd.s32 $0xFFFB1F00, s26;
	s19 =	simm.s32 $0x2A00;
	s20 =	simm.s32 $0x9  }
0x12: {  	s22 =	simm.s32 $0x80;
	s23 =	simm.s32 $0x1;
	s26 =	simm.s32 $0x2  }
.Ltmp0:
0x13: {  	[dreg:$0x8] =	wrdreg s1;
	s24 =	sadd.s32 $0x2A00, s12;
	(pc) =	sbr.rel .LBB2_1-.Ltmp0, $4  }
0x14: {  	s21 =	simm.s32 $0x8;
	s25 =	sadd.s32 $0x2A10, s12;
	[dreg:$0x9] =	wrdreg s24  }
0x15: {  	s0 =	sadd.s32 $0x33E00, s0;
	s15 =	smax.u32 s8, $0x1;
	[dreg:$0xa] =	wrdreg s25  }
0x16: {  	s10 =	sadd.s32 $0x2A50, s12;
	s1 =	simm.s32 $0x4;
	[dreg:$0xb] =	wrdreg s0  }
0x17: {  	v0 =	vimm.f32 $0.0e+00;
	s24 =	simm.s32 $0x5;
	s25 =	simm.s32 $0x100;
	s0 =	simm.s32 $0x7  }
.LBB2_6:
0x18: {  	_ =	swait.ge [sflag:s0], $0x4000  }
0x19: {  	[sflag:s0] =	ssyncset.done $0x0  }
0x1a: {  	[sflag:s0] =	ssyncadd.s32 $0xFFFFC000  }
0x1b: {  	_ =	swait.ge [sflag:s21], $0x4000  }
0x1c: {  	s8 =	stileid.u32;
	[sflag:s21] =	ssyncset.done $0x0  }
0x1d: {  	s12 =	sshrl.u32 s6, $0x3;
	s7 =	sadd.s32 $0x1, s7;
	[sflag:s21] =	ssyncadd.s32 $0xFFFFC000  }
0x1e: {  	s8 =	sshll.u32 s8, $0x6;
	p0 =	sne.s32 s7, s15;
	[bflag:$0x0] =	sbarrier.arrive $0xFFFF  }
.Ltmp1:
0x1f: {  	s8 =	sor.u32 $0x1C09, s8;
	s13 =	rddreg [dreg:$0xb];
	(pc) =	sbr.rel @!p0 .LBB2_7-.Ltmp1, $4  }
0x20: {  	[hbm:s13], [sflag:s8] =	dma.local [spmem:s12], $0x2800  }
0x21: {  	_ =	swait.ge [sflag:s20], $0x2800  }
0x22: {  	[sflag:s20] =	ssyncset.done $0x0  }
0x23: {  	[sflag:s20] =	ssyncadd.s32 $0xFFFFD800  }
.LBB2_1:
0x24: {  	s8 =	simm.s32 $0x0;
	s12 =	simm.s32 $0x200  }
.LBB2_2:
0x25: {  	p0 =	sne.s32 s12, $0xFE00;
	[tilespmem:s8+$0x2A70] =	vst v0  }
0x26: {  	[tilespmem:s8+$0x2A00] =	vst v0  }
0x27: {  	[tilespmem:s8+$0x2A10] =	vst v0  }
.Ltmp2:
0x28: {  	[tilespmem:s8+$0x2A20] =	vst v0;
	(pc) =	sbr.rel @p0 .LBB2_2-.Ltmp2, $4  }
0x29: {  	[tilespmem:s8+$0x2A30] =	vst v0  }
0x2a: {  	[tilespmem:s8+$0x2A40] =	vst v0  }
0x2b: {  	[tilespmem:s8+$0x2A50] =	vst v0  }
0x2c: {  	[tilespmem:s8+$0x2A60] =	vst v0;
	s8 =	sshra.s32 s12, $0x2;
	s12 =	sadd.s32 $0x200, s12  }
0x2d: {  	[tilespmem:s8+$0x2A70] =	vst v0  }
0x2e: {  	[tilespmem:s8+$0x2A00] =	vst v0  }
0x2f: {  	[tilespmem:s8+$0x2A10] =	vst v0  }
0x30: {  	[tilespmem:s8+$0x2A20] =	vst v0  }
0x31: {  	[tilespmem:s8+$0x2A30] =	vst v0  }
0x32: {  	[tilespmem:s8+$0x2A40] =	vst v0  }
0x33: {  	[tilespmem:s8+$0x2A50] =	vst v0  }
0x34: {  	[tilespmem:s8+$0x2A60] =	vst v0  }
0x35: {  	[spmem:s6] =	stream.linear.scatter [tilespmem:s19], [sflag:$0x9], $0x4000, $0x38;
	[tilespmem:$0x1EA00] =	vst v63  }
0x36: {  	_ =	swait.ge [sflag:s20], $0x4000  }
0x37: {  	[sflag:s20] =	ssyncset.done $0x0  }
0x38: {  	s12 =	rddreg [dreg:$0x4];
	[sflag:s20] =	ssyncadd.s32 $0xFFFFC000  }
0x39: {  	[spmem:s12] =	stream.linear.scatter [tilespmem:s19], [sflag:$0x9], $0x4000, $0x38;
	[tilespmem:$0x1EA00] =	vst v63  }
0x3a: {  	_ =	swait.ge [sflag:s20], $0x4000  }
0x3b: {  	[sflag:s20] =	ssyncset.done $0x0  }
0x3c: {  	s13 =	rddreg [dreg:$0x5];
	[sflag:s20] =	ssyncadd.s32 $0xFFFFC000  }
0x3d: {  	[spmem:s13] =	stream.linear.scatter [tilespmem:s19], [sflag:$0x9], $0x4000, $0x38;
	[tilespmem:$0x1EA00] =	vst v63  }
0x3e: {  	_ =	swait.ge [sflag:s20], $0x4000  }
0x3f: {  	[sflag:s20] =	ssyncset.done $0x0  }
0x40: {  	s14 =	rddreg [dreg:$0x6];
	[sflag:s20] =	ssyncadd.s32 $0xFFFFC000  }
0x41: {  	[spmem:s14] =	stream.linear.scatter [tilespmem:s19], [sflag:$0x9], $0x4000, $0x38;
	[tilespmem:$0x1EA00] =	vst v63  }
0x42: {  	_ =	swait.ge [sflag:s20], $0x4000  }
0x43: {  	[sflag:s20] =	ssyncset.done $0x0  }
0x44: {  	s16 =	rddreg [dreg:$0x7];
	[sflag:s20] =	ssyncadd.s32 $0xFFFFC000  }
0x45: {  	[spmem:s16] =	stream.linear.scatter [tilespmem:s19], [sflag:$0x9], $0x4000, $0x38;
	[tilespmem:$0x1EA00] =	vst v63  }
0x46: {  	_ =	swait.ge [sflag:s20], $0x4000  }
0x47: {  	s8 =	simm.s32 $0x0;
	[sflag:s20] =	ssyncset.done $0x0  }
0x48: {  	s13 =	simm.s32 $0x200;
	s12 =	rddreg [dreg:$0x8];
	[sflag:s20] =	ssyncadd.s32 $0xFFFFC000  }
0x49: {  	[tilespmem:s13], [sflag:$0x9] =	stream.linear.gather [hbm4b:s12+s8], $0x2800, $0x38;
	[tilespmem:$0x1EA00] =	vst v63  }
0x4a: {  	_ =	swait.ge [sflag:s20], $0x2800  }
0x4b: {  	[sflag:s20] =	ssyncset.done $0x0  }
0x4c: {  	[sflag:s20] =	ssyncadd.s32 $0xFFFFD800  }
0x4d: {  	[bflag:$0x0] =	sbarrier.arrive $0xFFFF  }
0x4e: {  	s17 =	rddreg [dreg:$0x9]  }
0x4f: {  	[tilespmem:s8], [sflag:$0x1] =	stream.linear.gather [hbm4b:s17+s8], $0x80, $0x38;
	[tilespmem:$0x1EA00] =	vst v63  }
0x50: {  	s18 =	rddreg [dreg:$0xa]  }
0x51: {  	[tilespmem:s22], [sflag:$0x2] =	stream.linear.gather [hbm4b:s18+s8], $0x80, $0x38;
	[tilespmem:$0x1EA00] =	vst v63  }
0x52: {  	_ =	swait.ge [sflag:s23], $0x80  }
0x53: {  	s16 =	smov.u32 s11;
	[sflag:s23] =	ssyncset.done $0x0  }
0x54: {  	s17 =	smov.u32 s10;
	s18 =	smov.u32 s9;
	[sflag:s23] =	ssyncadd.s32 $0xFFFFFF80  }
0x55: {  	[tilespmem:s19], [sflag:$0x5] =	stream.indirect.gather [hbm4b:s4+s22], $0x80, s8, s22, $0xb8;
	[tilespmem:$0x1EA00] =	vst v63  }
.LBB2_4:
0x56: {  	_ =	swait.ge [sflag:s24], $0x4000  }
0x57: {  	s12 =	sshra.s32 s8, $0x2;
	[sflag:s24] =	ssyncset.done $0x0  }
0x58: {  	s13 =	sadd.s32 $0x200, s12;
	[sflag:s24] =	ssyncadd.s32 $0xFFFFC000  }
0x59: {  	[spmem:s2] =	stream.indirect.scatter.add.f32 [tilespmem:s19], [sflag:$0x7], $0x80, s13, s22, $0xb8;
	[tilespmem:$0x1EA00] =	vst v63  }
0x5a: {  	s14 =	sshrl.u32 s16, $0x3;
	s13 =	sadd.s32 $0xFFFFFFFD, s18  }
0x5b: {  	s14 =	sadd.s32 s5, s14;
	p0 =	slt.u32 s13, $0x9C4;
	s13 =	sadd.s32 $0xFFFFFFD0, s17  }
0x5c: {  	s14 =	smov.u32 @p0 s13  }
0x5d: {  	[tilespmem:s25], [sflag:$0x3] =	stream.linear.gather [hbm4b:s14+s3], $0x80, $0x38;
	[tilespmem:$0x1EA00] =	vst v63  }
0x5e: {  	_ =	swait.ge [sflag:s26], $0x80  }
0x5f: {  	p0 =	seq.s32 s8, $0x0;
	[sflag:s26] =	ssyncset.done $0x0  }
0x60: {  	s13 =	simm.s32 @!p0 $0x8;
	[sflag:s26] =	ssyncadd.s32 $0xFFFFFF80  }
0x61: {  	_ =	swait.ge @!p0 [sflag:s13], $0x4000  }
0x62: {  	[sflag:s13] =	ssyncset.done @!p0 $0x0  }
0x63: {  	[sflag:s13] =	ssyncadd.s32 @!p0 $0xFFFFC000  }
0x64: {  	[tilespmem:s28], [sflag:$0x6] =	stream.indirect.gather [hbm4b:s4+s22], $0x80, s22, s22, $0xb8;
	[tilespmem:$0x1EA00] =	vst v63  }
0x65: {  	_ =	swait.ge [sflag:s29], $0x4000  }
0x66: {  	[sflag:s29] =	ssyncset.done $0x0  }
0x67: {  	s14 =	sadd.s32 $0x280, s12;
	s13 =	sadd.s32 $0x80, s16;
	[sflag:s29] =	ssyncadd.s32 $0xFFFFC000  }
0x68: {  	[spmem:s2] =	stream.indirect.scatter.add.f32 [tilespmem:s28], [sflag:$0x8], $0x80, s14, s22, $0xb8;
	[tilespmem:$0x1EA00] =	vst v63  }
0x69: {  	s13 =	sshrl.u32 s13, $0x3;
	s14 =	sadd.s32 $0xFFFFFFFE, s18  }
0x6a: {  	s13 =	sadd.s32 s5, s13;
	p0 =	slt.u32 s14, $0x9C4;
	s14 =	sadd.s32 $0xFFFFFFE0, s17  }
0x6b: {  	s13 =	smov.u32 @p0 s14  }
0x6c: {  	[tilespmem:s30], [sflag:$0x4] =	stream.linear.gather [hbm4b:s13+s3], $0x80, $0x38;
	[tilespmem:$0x1EA00] =	vst v63  }
0x6d: {  	_ =	swait.ge [sflag:s31], $0x80  }
0x6e: {  	[sflag:s31] =	ssyncset.done $0x0  }
0x6f: {  	[sflag:s31] =	ssyncadd.s32 $0xFFFFFF80  }
0x70: {  	_ =	swait.ge [sflag:s0], $0x4000  }
0x71: {  	[sflag:s0] =	ssyncset.done $0x0  }
0x72: {  	[sflag:s0] =	ssyncadd.s32 $0xFFFFC000  }
0x73: {  	[tilespmem:s19], [sflag:$0x5] =	stream.indirect.gather [hbm4b:s4+s22], $0x80, s25, s22, $0xb8;
	[tilespmem:$0x1EA00] =	vst v63  }
0x74: {  	_ =	swait.ge [sflag:s24], $0x4000  }
0x75: {  	[sflag:s24] =	ssyncset.done $0x0  }
0x76: {  	s14 =	sadd.s32 $0x300, s12;
	p0 =	seq.s32 s8, $0x9800;
	[sflag:s24] =	ssyncadd.s32 $0xFFFFC000  }
0x77: {  	[spmem:s2] =	stream.indirect.scatter.add.f32 [tilespmem:s19], [sflag:$0x7], $0x80, s14, s22, $0xb8;
	[tilespmem:$0x1EA00] =	vst v63  }
0x78: {  	s13 =	sadd.s32 @!p0 $0xFFFFFFFF, s18;
	s14 =	sadd.s32 @!p0 $0x100, s16  }
0x79: {  	p1 =	slt.u32 @!p0 s13, $0x9C4;
	s13 =	sshrl.u32 @!p0 s14, $0x3  }
0x7a: {  	p1 =	por !p1, p0;
	s14 =	sadd.s32 @!p0 $0xFFFFFFF0, s17;
	s13 =	sadd.s32 @!p0 s5, s13  }
0x7b: {  	s14 =	smov.u32 @p1 s13;
	s13 =	simm.s32 @!p0 $0x0  }
0x7c: {  	[tilespmem:s13], [sflag:$0x1] =	stream.linear.gather @!p0 [hbm4b:s14+s13], $0x80, $0x38;
	[tilespmem:$0x1EA00] =	vst v63  }
0x7d: {  	_ =	swait.ge [sflag:s1], $0x80  }
0x7e: {  	[sflag:s1] =	ssyncset.done $0x0  }
0x7f: {  	[sflag:s1] =	ssyncadd.s32 $0xFFFFFF80  }
0x80: {  	_ =	swait.ge [sflag:s21], $0x4000  }
0x81: {  	[sflag:s21] =	ssyncset.done $0x0  }
0x82: {  	[sflag:s21] =	ssyncadd.s32 $0xFFFFC000  }
0x83: {  	[tilespmem:s28], [sflag:$0x6] =	stream.indirect.gather [hbm4b:s4+s22], $0x80, s30, s22, $0xb8;
	[tilespmem:$0x1EA00] =	vst v63  }
.Ltmp3:
0x84: {  	_ = 	snop;
	(pc) =	sbr.rel @p0 .LBB2_6-.Ltmp3, $4  }
0x85: {  	_ =	swait.ge [sflag:s29], $0x4000  }
0x86: {  	[sflag:s29] =	ssyncset.done $0x0  }
0x87: {  	s12 =	sadd.s32 $0x380, s12;
	[sflag:s29] =	ssyncadd.s32 $0xFFFFC000  }
0x88: {  	[spmem:s2] =	stream.indirect.scatter.add.f32 [tilespmem:s28], [sflag:$0x8], $0x80, s12, s22, $0xb8;
	[tilespmem:$0x1EA00] =	vst v63  }
0x89: {  	s12 =	sadd.s32 $0x180, s16  }
0x8a: {  	s12 =	sshrl.u32 s12, $0x3  }
0x8b: {  	p0 =	slt.u32 s18, $0x9C4;
	s12 =	sadd.s32 s5, s12  }
0x8c: {  	s12 =	smov.u32 @p0 s17  }
0x8d: {  	[tilespmem:s22], [sflag:$0x2] =	stream.linear.gather [hbm4b:s12+s3], $0x80, $0x38;
	[tilespmem:$0x1EA00] =	vst v63  }
0x8e: {  	_ =	swait.ge [sflag:s23], $0x80  }
0x8f: {  	[sflag:s23] =	ssyncset.done $0x0  }
.Ltmp4:
0x90: {  	[sflag:s23] =	ssyncadd.s32 $0xFFFFFF80;
	(pc) =	sbr.rel .LBB2_4-.Ltmp4, $4  }
0x91: {  	_ =	swait.ge [sflag:s0], $0x4000  }
0x92: {  	s8 =	sadd.s32 $0x800, s8;
	s16 =	sadd.s32 $0x200, s16;
	[sflag:s0] =	ssyncset.done $0x0  }
0x93: {  	s18 =	sadd.s32 $0x4, s18;
	s17 =	sadd.s32 $0x40, s17;
	[sflag:s0] =	ssyncadd.s32 $0xFFFFC000  }
0x94: {  	[tilespmem:s19], [sflag:$0x5] =	stream.indirect.gather [hbm4b:s4+s22], $0x80, s3, s22, $0xb8;
	[tilespmem:$0x1EA00] =	vst v63  }
.LBB2_7:
0x95: {  	_ =	sfence.sel $0x180000  }
0x96: {  	[bflag:$0x0] =	sbarrier.arrive $0xFFFF  }
0x97: {  	_ =	strace $0x9000004A  }
0x98: {  	s0 =	stileid.u32;
	[bflag:$0x2] =	sbarrier.arrive $0xFFFF  }
0x99: {  	p0 =	sne.s32 s0, $0x0;
	s0 =	rddreg [dreg:$0x3]  }
0x9a: {  	s0 =	sadd.s32 @!p0 $0x100000, s0  }
0x9b: {  	[sflag:s0] =	ssyncadd.tile.s32 @!p0 $0x1;
	_ =	shalt  }
.Lfunc_end2:
_tile_overlayer_lowered:
.L_overlay_start_2:
0x9c: {  	(tag) =	ssettag $0x2  }
0x9d: {  	s0 =	rddreg [dreg:$0x0];
	s2 =	stileid.u32  }
0x9e: {  	s1 =	rddreg [dreg:$0x1];
	p0 =	sne.s32 s2, $0x0  }
0x9f: {  	s3 =	rddreg [dreg:$0x2];
	[bflag:$0x3] =	sbarrier.arrive $0xFFFF;
	s2 =	simm.s32 @!p0 $0x1C09  }
0xa0: {  	[timem:s3], [sflag:s2] =	dma.local @!p0 [hbm:s0], s1  }
0xa1: {  	s0 =	simm.s32 @!p0 $0x9  }
0xa2: {  	_ =	swait.ge @!p0 [sflag:s0], s1  }
0xa3: {  	s1 =	ssub.s32 @!p0 $0x0, s1;
	[sflag:s0] =	ssyncset.done @!p0 $0x0  }
0xa4: {  	[sflag:s0] =	ssyncadd.s32 @!p0 s1  }
0xa5: {  	[bflag:$0x3] =	sbarrier.arrive $0xFFFF  }
0xa6: {  	_ =	shalt  }

</sc_bundles>
